<compile_context>
chip_gen: v7x
topology: tpu7x:2x2x1
jax: 0.10.2.dev20260603
libtpu: 0.0.44.dev20260713+nightly
codegen_flags: <defaults>
</compile_context>

<pallas_src>
import functools

import jax
import jax.numpy as jnp
from jax import lax
from jax.experimental import pallas as pl
from jax.experimental.pallas import tpu as pltpu
from jax.experimental.pallas import tpu_sc as plsc

_N = 4096
_D = 64
_F = 128
_K = 20
_B = 8
_KP = 32
_KL = 24
_BN_EPS = 1e-5
_ROWS = 128

_NC = 2
_NS = 16
_NW = _NC * _NS
_CHUNK = _N // _NW
_SUB = 16



def _topk_body(wb_ref, wa_ref, idx_ref):
    wb = wb_ref[...]
    wa = wa_ref[...]
    cs2 = jnp.sum(wa * wa, axis=1)
    cos = lax.dot_general(wb, wa, (((1,), (1,)), ((), ())),
                          preferred_element_type=jnp.float32)
    val = cos / jnp.sqrt(cs2)[None, :]
    colio = lax.broadcasted_iota(jnp.int32, (_ROWS, _N), 1)
    sels = []
    sel = None
    for _ in range(_K):
        if sel is not None:
            val = jnp.where(colio == sel, -jnp.inf, val)
        m = jnp.max(val, axis=1, keepdims=True)
        sel = jnp.min(jnp.where(val < m, jnp.int32(_N), colio),
                      axis=1, keepdims=True)
        sels.append(sel)
    r = pl.program_id(0)
    rowio = r * _ROWS + lax.broadcasted_iota(jnp.int32, (_ROWS, 1), 0)
    sels.extend([rowio] * (_KP - _K))
    idx_ref[...] = jnp.concatenate(sels, axis=1)


def _topk_call(emb_table):
    return pl.pallas_call(
        _topk_body,
        grid=(_N // _ROWS,),
        in_specs=[pl.BlockSpec((_ROWS, _D), lambda i: (i, 0)),
                  pl.BlockSpec((_N, _D), lambda i: (0, 0))],
        out_specs=pl.BlockSpec((_ROWS, _KP), lambda i: (i, 0)),
        out_shape=jax.ShapeDtypeStruct((_N, _KP), jnp.int32),
    )(emb_table, emb_table)



def _lin_body(x_ref, w_ref, emb_ref, ati_ref, atj_ref, aei_ref, aej_ref,
              xl_ref, ai_ref, aj_ref):
    x = x_ref[0]
    xl = jnp.dot(x, w_ref[...], preferred_element_type=jnp.float32)
    xl_ref[0] = xl
    emb = emb_ref[...]
    ei = jnp.sum(emb * aei_ref[...], axis=1)
    ej = jnp.sum(emb * aej_ref[...], axis=1)
    ai_ref[0, 0] = jnp.sum(xl * ati_ref[...], axis=1) + ei
    aj_ref[0, 0] = jnp.sum(xl * atj_ref[...], axis=1) + ej


def _lin_call(batch_tensor, lin_W, emb_table, att_i, att_j, att_em_i, att_em_j):
    vspec = pl.BlockSpec((1, _D), lambda b: (0, 0))
    return pl.pallas_call(
        _lin_body,
        grid=(_B,),
        in_specs=[pl.BlockSpec((1, _N, _F), lambda b: (b, 0, 0)),
                  pl.BlockSpec((_F, _D), lambda b: (0, 0)),
                  pl.BlockSpec((_N, _D), lambda b: (0, 0)),
                  vspec, vspec, vspec, vspec],
        out_specs=[pl.BlockSpec((1, _N, _D), lambda b: (b, 0, 0)),
                   pl.BlockSpec((1, 1, _N), lambda b: (b, 0, 0)),
                   pl.BlockSpec((1, 1, _N), lambda b: (b, 0, 0))],
        out_shape=[jax.ShapeDtypeStruct((_B, _N, _D), jnp.float32),
                   jax.ShapeDtypeStruct((_B, 1, _N), jnp.float32),
                   jax.ShapeDtypeStruct((_B, 1, _N), jnp.float32)],
    )(batch_tensor, lin_W, emb_table,
      att_i.reshape(1, _D), att_j.reshape(1, _D),
      att_em_i.reshape(1, _D), att_em_j.reshape(1, _D))



def _sc_body(xlin, aiH, ajH, tkH, out,
             tkf, ilist, ajv, aiv, rows, wmat, outbuf, sem, osem):
    wid = lax.axis_index("s") * _NC + lax.axis_index("c")
    nbase = wid * _CHUNK
    pltpu.sync_copy(tkH.at[pl.ds(nbase * _KP, _CHUNK * _KP)], tkf)
    lane = lax.iota(jnp.int32, 16)
    nsub = _CHUNK // _SUB
    ndma = _SUB * _KL // 128

    def fire(s):
        buf = lax.rem(s, 2)
        ib = s * _SUB * _KL
        for j in range(ndma):
            pltpu.async_copy(
                xlin.at[ilist.at[pl.ds(ib + j * 128, 128)]],
                rows.at[buf, pl.ds(j * 128, 128)], sem.at[buf])

    def drain(s):
        buf = lax.rem(s, 2)
        ib = s * _SUB * _KL
        for j in range(ndma):
            pltpu.make_async_copy(
                xlin.at[ilist.at[pl.ds(ib + j * 128, 128)]],
                rows.at[buf, pl.ds(j * 128, 128)], sem.at[buf]).wait()

    def batch_body(b, c0):
        boff = b * _N
        pltpu.sync_copy(ajH.at[pl.ds(boff, _N)], ajv)
        pltpu.sync_copy(aiH.at[pl.ds(boff + nbase, _CHUNK)], aiv)

        def il_body(i, c1):
            r0 = tkf[pl.ds(i * _KP, 16)] + boff
            ilist[pl.ds(i * _KL, 16)] = r0
            r1 = tkf[pl.ds(i * _KP + 8, 16)] + boff
            ilist[pl.ds(i * _KL + 8, 16)] = r1
            return c1
        lax.fori_loop(0, _CHUNK, il_body, 0)
        fire(0)

        def sub_body(s, c2):
            sb = s * _SUB
            buf = lax.rem(s, 2)

            @pl.when(s < nsub - 1)
            def _():
                fire(s + 1)
            drain(s)

            @pl.when(s >= 2)
            def _():
                pltpu.make_async_copy(
                    outbuf.at[buf],
                    out.at[pl.ds(boff + nbase + (s - 2) * _SUB, _SUB)],
                    osem.at[buf]).wait()
            g = nbase + sb + lane
            gbase = (sb + lane) * _KP
            ai16 = aiv[pl.ds(sb, 16)]
            a_self = ai16 + ajv[pl.ds(nbase + sb, 16)]
            a_self = jnp.maximum(a_self, 0.2 * a_self)
            alphas = []
            for k in range(_K):
                idxk = plsc.load_gather(tkf, [gbase + k])
                ajk = plsc.load_gather(ajv, [idxk])
                a = ai16 + ajk
                a = jnp.maximum(a, 0.2 * a)
                a = jnp.where(idxk == g, -1e9, a)
                alphas.append(a)
            m = a_self
            for a in alphas:
                m = jnp.maximum(m, a)
            e_self = jnp.exp(a_self - m)
            ssum = e_self
            es = []
            for a in alphas:
                e = jnp.exp(a - m)
                ssum = ssum + e
                es.append(e)
            d = ssum + 1e-16
            for k in range(_K):
                plsc.store_scatter(wmat, [lane, jnp.zeros((16,), jnp.int32) + k],
                                   es[k] / d)
            plsc.store_scatter(wmat, [lane, jnp.zeros((16,), jnp.int32) + _K],
                               e_self / d)

            def node_body(i, c3):
                rb = i * _KL
                wlo = wmat[i, pl.ds(0, 16)]
                whi = wmat[i, pl.ds(16, 16)]
                w0 = wlo[0]
                acc0 = w0 * rows[buf, rb, pl.ds(0, 16)]
                acc1 = w0 * rows[buf, rb, pl.ds(16, 16)]
                acc2 = w0 * rows[buf, rb, pl.ds(32, 16)]
                acc3 = w0 * rows[buf, rb, pl.ds(48, 16)]
                for k in range(1, _K + 1):
                    wk = wlo[k] if k < 16 else whi[k - 16]
                    acc0 = acc0 + wk * rows[buf, rb + k, pl.ds(0, 16)]
                    acc1 = acc1 + wk * rows[buf, rb + k, pl.ds(16, 16)]
                    acc2 = acc2 + wk * rows[buf, rb + k, pl.ds(32, 16)]
                    acc3 = acc3 + wk * rows[buf, rb + k, pl.ds(48, 16)]
                outbuf[buf, i, pl.ds(0, 16)] = acc0
                outbuf[buf, i, pl.ds(16, 16)] = acc1
                outbuf[buf, i, pl.ds(32, 16)] = acc2
                outbuf[buf, i, pl.ds(48, 16)] = acc3
                return c3
            lax.fori_loop(0, _SUB, node_body, 0)
            pltpu.async_copy(outbuf.at[buf],
                             out.at[pl.ds(boff + nbase + sb, _SUB)],
                             osem.at[buf])
            return c2
        lax.fori_loop(0, nsub, sub_body, 0)
        for t in (nsub - 2, nsub - 1):
            pltpu.make_async_copy(
                outbuf.at[t % 2],
                out.at[pl.ds(boff + nbase + t * _SUB, _SUB)],
                osem.at[t % 2]).wait()
        return c0
    lax.fori_loop(0, _B, batch_body, 0)


def _sc_call(xlin_flat, ai_flat, aj_flat, tk_flat):
    f = pl.kernel(
        _sc_body,
        out_type=jax.ShapeDtypeStruct((_B * _N, _D), jnp.float32),
        mesh=plsc.VectorSubcoreMesh(core_axis_name="c", subcore_axis_name="s",
                                    num_cores=_NC, num_subcores=_NS),
        compiler_params=pltpu.CompilerParams(needs_layout_passes=False,
                                             use_tc_tiling_on_sc=False),
        scratch_types=[
            pltpu.VMEM((_CHUNK * _KP,), jnp.int32),
            pltpu.VMEM((_CHUNK * _KL,), jnp.int32),
            pltpu.VMEM((_N,), jnp.float32),
            pltpu.VMEM((_CHUNK,), jnp.float32),
            pltpu.VMEM((2, _SUB * _KL, _D), jnp.float32),
            pltpu.VMEM((_SUB, _KP), jnp.float32),
            pltpu.VMEM((2, _SUB, _D), jnp.float32),
            pltpu.SemaphoreType.DMA((2,)),
            pltpu.SemaphoreType.DMA((2,)),
        ],
    )
    return f(xlin_flat, ai_flat, aj_flat, tk_flat)



def _epi_body(agg_ref, emb_ref, glb_ref, g1_ref, b1_ref, g2_ref, b2_ref,
              wo_ref, o_ref):
    a = agg_ref[...] + glb_ref[...]
    h = jnp.maximum(a * g1_ref[...] + b1_ref[...], 0.0)
    o = jnp.maximum(h * emb_ref[...] * g2_ref[...] + b2_ref[...], 0.0)
    o_ref[0, 0] = jnp.sum(o * wo_ref[...], axis=1)


def _epi_call(agg, emb_table, glb, g1, b1, g2, b2, wo):
    vspec = pl.BlockSpec((1, _D), lambda b: (0, 0))
    return pl.pallas_call(
        _epi_body,
        grid=(_B,),
        in_specs=[pl.BlockSpec((_N, _D), lambda b: (b, 0)),
                  pl.BlockSpec((_N, _D), lambda b: (0, 0)),
                  vspec, vspec, vspec, vspec, vspec, vspec],
        out_specs=pl.BlockSpec((1, 1, _N), lambda b: (b, 0, 0)),
        out_shape=jax.ShapeDtypeStruct((_B, 1, _N), jnp.float32),
    )(agg, emb_table, glb, g1, b1, g2, b2, wo)



def kernel(batch_tensor, org_edge_index, emb_table, lin_W, att_i, att_j,
           att_em_i, att_em_j, gl_bias, bn1_gamma, bn1_beta, bn_out_gamma,
           bn_out_beta, out_W, out_b):
    del org_edge_index
    tk32 = _topk_call(emb_table)
    xlin, ai, aj = _lin_call(batch_tensor, lin_W, emb_table,
                             att_i, att_j, att_em_i, att_em_j)
    agg = _sc_call(xlin.reshape(_B * _N, _D), ai.reshape(-1), aj.reshape(-1),
                   tk32.reshape(-1))
    c = (1.0 + _BN_EPS) ** -0.5
    o = _epi_call(agg, emb_table,
                  gl_bias.reshape(1, _D),
                  (bn1_gamma * c).reshape(1, _D), bn1_beta.reshape(1, _D),
                  (bn_out_gamma * c).reshape(1, _D), bn_out_beta.reshape(1, _D),
                  out_W.reshape(1, _D))
    return o.reshape(_B, _N) + out_b[0]

# --- scband reference (transcript-rebuilt; emitter-appended) ---
"""Pipeline reference for scband-gdn-7473243095221 (READ-ONLY COPY).

The authoritative reference and input builder live on the scoring server;
editing this copy changes nothing except your own understanding.
"""

import jax, jax.numpy as jnp
import numpy as np

NODE_NUM = 4096
EMBED_DIM = 64
INPUT_DIM = 128
TOPK = 20
BATCH = 8
BN_EPS = 1e-5


def setup_inputs(seed: int = 0):
    key = jax.random.key(seed)
    ks = jax.random.split(key, 12)
    inp = {}
    inp["batch_tensor"] = jax.random.normal(ks[0], (BATCH, NODE_NUM, INPUT_DIM), dtype=jnp.float32)
    inp["org_edge_index"] = jax.random.randint(ks[1], (2, NODE_NUM * TOPK), 0, NODE_NUM, dtype=jnp.int32)
    inp["emb_table"] = jax.random.normal(ks[2], (NODE_NUM, EMBED_DIM), dtype=jnp.float32) * 0.1
    inp["lin_W"] = jax.random.normal(ks[3], (INPUT_DIM, EMBED_DIM), dtype=jnp.float32) * (1.0 / np.sqrt(INPUT_DIM))
    inp["att_i"] = jax.random.normal(ks[4], (EMBED_DIM,), dtype=jnp.float32) * 0.1
    inp["att_j"] = jax.random.normal(ks[5], (EMBED_DIM,), dtype=jnp.float32) * 0.1
    inp["att_em_i"] = jax.random.normal(ks[6], (EMBED_DIM,), dtype=jnp.float32) * 0.1
    inp["att_em_j"] = jax.random.normal(ks[7], (EMBED_DIM,), dtype=jnp.float32) * 0.1
    inp["gl_bias"] = jnp.zeros((EMBED_DIM,), dtype=jnp.float32)
    inp["bn1_gamma"] = jnp.ones((EMBED_DIM,), dtype=jnp.float32)
    inp["bn1_beta"] = jnp.zeros((EMBED_DIM,), dtype=jnp.float32)
    inp["bn_out_gamma"] = jnp.ones((EMBED_DIM,), dtype=jnp.float32)
    inp["bn_out_beta"] = jnp.zeros((EMBED_DIM,), dtype=jnp.float32)
    inp["out_W"] = jax.random.normal(ks[8], (EMBED_DIM, 1), dtype=jnp.float32) * (1.0 / np.sqrt(EMBED_DIM))
    inp["out_b"] = jnp.zeros((1,), dtype=jnp.float32)
    return inp


def _gdn_forward(batch_tensor, emb_table, lin_W, att_i, att_j, att_em_i, att_em_j, gl_bias,
                 bn1_gamma, bn1_beta, bn_out_gamma, bn_out_beta, out_W, out_b):
    B, N, F = batch_tensor.shape
    D = emb_table.shape[1]
    BN = B * N
    # batch_mat = batch_tensor.clone().detach() in the torch code
    x_flat = jax.lax.stop_gradient(batch_tensor).reshape(BN, F)
    all_emb = emb_table
    # weights = all_embeddings.detach().clone()
    w = jax.lax.stop_gradient(all_emb)
    cos = w @ w.T
    nrm = jnp.linalg.norm(w, axis=-1)
    cos = cos / (nrm[:, None] * nrm[None, :])
    _, topk_idx = jax.lax.top_k(cos, TOPK)
    src0 = topk_idx.reshape(-1)                      # gated_j (source)
    dst0 = jnp.repeat(jnp.arange(N), TOPK)           # gated_i (dest)
    # replicate edges per batch sample (original GDN get_batch_edge_index)
    off = (jnp.arange(B) * N)[:, None]
    src = (src0[None, :] + off).reshape(-1)
    dst = (dst0[None, :] + off).reshape(-1)
    # remove_self_loops + add_self_loops, with static shapes via masking
    self_nodes = jnp.arange(BN)
    src_all = jnp.concatenate([src, self_nodes])
    dst_all = jnp.concatenate([dst, self_nodes])
    drop_mask = jnp.concatenate([jnp.tile(src0 == dst0, B), jnp.zeros((BN,), dtype=bool)])
    # GraphLayer (GAT-style, heads=1)
    x_lin = x_flat @ lin_W
    xi = x_lin[dst_all]
    xj = x_lin[src_all]
    ei = all_emb[dst_all % N]
    ej = all_emb[src_all % N]
    alpha = (xi * att_i).sum(-1) + (ei * att_em_i).sum(-1) + (xj * att_j).sum(-1) + (ej * att_em_j).sum(-1)
    alpha = jnp.where(alpha > 0, alpha, 0.2 * alpha)  # leaky_relu(0.2)
    alpha = jnp.where(drop_mask, -1e9, alpha)         # removed self-loop edges
    seg_max = jax.ops.segment_max(alpha, dst_all, num_segments=BN)
    ea = jnp.exp(alpha - seg_max[dst_all])
    denom = jax.ops.segment_sum(ea, dst_all, num_segments=BN)
    attw = ea / (denom[dst_all] + 1e-16)
    msg = xj * attw[:, None]
    agg = jax.ops.segment_sum(msg, dst_all, num_segments=BN) + gl_bias
    # GNNLayer: BatchNorm1d (eval mode: running_mean=0, running_var=1) + ReLU
    h = agg / jnp.sqrt(1.0 + BN_EPS) * bn1_gamma + bn1_beta
    h = jnp.maximum(h, 0.0)
    x3 = h.reshape(B, N, D)
    o = x3 * all_emb[None, :, :]
    # bn_outlayer_in (eval) over channel dim + ReLU (permutes are elementwise-equivalent)
    o = o / jnp.sqrt(1.0 + BN_EPS) * bn_out_gamma + bn_out_beta
    o = jnp.maximum(o, 0.0)
    # dropout eval = identity; OutLayer with layer_num=1 -> single Linear(D, 1)
    o = o @ out_W + out_b
    return o.reshape(-1, N)


def reference(batch_tensor, org_edge_index, emb_table, lin_W, att_i, att_j, att_em_i, att_em_j,
              gl_bias, bn1_gamma, bn1_beta, bn_out_gamma, bn_out_beta, out_W, out_b):
    # org_edge_index is accepted but unused, exactly as in the torch forward
    return _gdn_forward(batch_tensor, emb_table, lin_W, att_i, att_j, att_em_i, att_em_j,
                        gl_bias, bn1_gamma, bn1_beta, bn_out_gamma, bn_out_beta, out_W, out_b)

if __name__ == "__main__":
    import jax
    _d = setup_inputs()
    print(jax.jit(kernel)(*tuple(_d.values())))

</pallas_src>

<mosaic_0001>
#map = affine_map<(d0, d1) -> (0, 0)>
#map1 = affine_map<(d0, d1) -> (0)>
module attributes {stable_mosaic.version = 14 : i64} {
  func.func @_sc_body(%arg0: i32, %arg1: i32, %arg2: memref<32768x64xf32, #tpu.memory_space<hbm>>, %arg3: memref<32768xf32, #tpu.memory_space<hbm>>, %arg4: memref<32768xf32, #tpu.memory_space<hbm>>, %arg5: memref<131072xi32, #tpu.memory_space<hbm>>, %arg6: memref<32768x64xf32, #tpu.memory_space<hbm>>, %arg7: memref<4096xi32, #tpu.memory_space<vmem>>, %arg8: memref<3072xi32, #tpu.memory_space<vmem>>, %arg9: memref<4096xf32, #tpu.memory_space<vmem>>, %arg10: memref<128xf32, #tpu.memory_space<vmem>>, %arg11: memref<2x384x64xf32, #tpu.memory_space<vmem>>, %arg12: memref<16x32xf32, #tpu.memory_space<vmem>>, %arg13: memref<2x16x64xf32, #tpu.memory_space<vmem>>, %arg14: memref<2x!tpu.dma_semaphore, #tpu.memory_space<semaphore_mem>>, %arg15: memref<2x!tpu.dma_semaphore, #tpu.memory_space<semaphore_mem>>) attributes {dimension_semantics = [#tpu.dimension_semantics<core_parallel>, #tpu.dimension_semantics<subcore_parallel>], iteration_bounds = array<i64: 2, 16>, scalar_prefetch = 0 : i64, scratch_operands = 9 : i64, tpu.core_type = #tpu.core_type<sc_vector_subcore>, window_params = [{transform_indices = #map}, {transform_indices = #map1}, {transform_indices = #map1}, {transform_indices = #map1}, {transform_indices = #map}]} {
    %mul3A = arith.constant 2 : i32
    %mul3A_0 = arith.muli %arg1, %mul3A : i32
    %add3A = arith.addi %mul3A_0, %arg0 : i32
    %mul3A_1 = arith.constant 128 : i32
    %mul3A_2 = arith.muli %add3A, %mul3A_1 : i32
    %mul3A_3 = arith.constant 32 : i32
    %mul3A_4 = arith.muli %mul3A_2, %mul3A_3 : i32
    "tpu.region"() ({
      %run_scoped3A = tpu.sem_alloc : memref<!tpu.dma_semaphore, #tpu.memory_space<semaphore_mem>>
      %dma_start3A = tpu.memref_slice %arg5[%mul3A_4] : memref<131072xi32, #tpu.memory_space<hbm>> -> memref<4096xi32, #tpu.memory_space<hbm>>
      %dma_start3A_10 = tpu.memref_slice %arg5[%mul3A_4] : memref<131072xi32, #tpu.memory_space<hbm>> -> memref<4096xi32, #tpu.memory_space<hbm>>
      tpu.enqueue_dma source(%dma_start3A_10 : memref<4096xi32, #tpu.memory_space<hbm>>) target(%arg7 : memref<4096xi32, #tpu.memory_space<vmem>>) target_semaphore(%run_scoped3A : memref<!tpu.dma_semaphore, #tpu.memory_space<semaphore_mem>>)
      %dma_wait3A = tpu.memref_slice %arg5[%mul3A_4] : memref<131072xi32, #tpu.memory_space<hbm>> -> memref<4096xi32, #tpu.memory_space<hbm>>
      %dma_wait3A_11 = tpu.memref_slice %arg5[%mul3A_4] : memref<131072xi32, #tpu.memory_space<hbm>> -> memref<4096xi32, #tpu.memory_space<hbm>>
      tpu.wait_dma2 semaphore(%run_scoped3A : memref<!tpu.dma_semaphore, #tpu.memory_space<semaphore_mem>>) src(%dma_wait3A_11 : memref<4096xi32, #tpu.memory_space<hbm>>) dst(%arg7 : memref<4096xi32, #tpu.memory_space<vmem>>)
      tpu.yield
    }) : () -> ()
    %iota3A = tpu.iota {dimensions = array<i32: 0>} : vector<16xi32>
    %scan3A = arith.constant 0 : i32
    %scan3A_5 = arith.constant 0 : i32
    %scan3A_6 = arith.constant 8 : i32
    %scan3A_7 = arith.addi %scan3A_5, %scan3A_6 : i32
    %scan3A_8 = arith.constant 1 : i32
    scf.for %scan3A_10 = %scan3A_5 to %scan3A_7 step %scan3A_8  : i32 {
      %mul3A_11 = arith.constant 4096 : i32
      %mul3A_12 = arith.muli %scan3A_10, %mul3A_11 : i32
      "tpu.region"() ({
        %run_scoped3A = tpu.sem_alloc : memref<!tpu.dma_semaphore, #tpu.memory_space<semaphore_mem>>
        %dma_start3A_97 = tpu.memref_slice %arg4[%mul3A_12] : memref<32768xf32, #tpu.memory_space<hbm>> -> memref<4096xf32, #tpu.memory_space<hbm>>
        %dma_start3A_98 = tpu.memref_slice %arg4[%mul3A_12] : memref<32768xf32, #tpu.memory_space<hbm>> -> memref<4096xf32, #tpu.memory_space<hbm>>
        tpu.enqueue_dma source(%dma_start3A_98 : memref<4096xf32, #tpu.memory_space<hbm>>) target(%arg9 : memref<4096xf32, #tpu.memory_space<vmem>>) target_semaphore(%run_scoped3A : memref<!tpu.dma_semaphore, #tpu.memory_space<semaphore_mem>>)
        %dma_wait3A_99 = tpu.memref_slice %arg4[%mul3A_12] : memref<32768xf32, #tpu.memory_space<hbm>> -> memref<4096xf32, #tpu.memory_space<hbm>>
        %dma_wait3A_100 = tpu.memref_slice %arg4[%mul3A_12] : memref<32768xf32, #tpu.memory_space<hbm>> -> memref<4096xf32, #tpu.memory_space<hbm>>
        tpu.wait_dma2 semaphore(%run_scoped3A : memref<!tpu.dma_semaphore, #tpu.memory_space<semaphore_mem>>) src(%dma_wait3A_100 : memref<4096xf32, #tpu.memory_space<hbm>>) dst(%arg9 : memref<4096xf32, #tpu.memory_space<vmem>>)
        tpu.yield
      }) : () -> ()
      %add3A_13 = arith.addi %mul3A_12, %mul3A_2 : i32
      "tpu.region"() ({
        %run_scoped3A = tpu.sem_alloc : memref<!tpu.dma_semaphore, #tpu.memory_space<semaphore_mem>>
        %dma_start3A_97 = tpu.memref_slice %arg3[%add3A_13] : memref<32768xf32, #tpu.memory_space<hbm>> -> memref<128xf32, #tpu.memory_space<hbm>>
        %dma_start3A_98 = tpu.memref_slice %arg3[%add3A_13] : memref<32768xf32, #tpu.memory_space<hbm>> -> memref<128xf32, #tpu.memory_space<hbm>>
        tpu.enqueue_dma source(%dma_start3A_98 : memref<128xf32, #tpu.memory_space<hbm>>) target(%arg10 : memref<128xf32, #tpu.memory_space<vmem>>) target_semaphore(%run_scoped3A : memref<!tpu.dma_semaphore, #tpu.memory_space<semaphore_mem>>)
        %dma_wait3A_99 = tpu.memref_slice %arg3[%add3A_13] : memref<32768xf32, #tpu.memory_space<hbm>> -> memref<128xf32, #tpu.memory_space<hbm>>
        %dma_wait3A_100 = tpu.memref_slice %arg3[%add3A_13] : memref<32768xf32, #tpu.memory_space<hbm>> -> memref<128xf32, #tpu.memory_space<hbm>>
        tpu.wait_dma2 semaphore(%run_scoped3A : memref<!tpu.dma_semaphore, #tpu.memory_space<semaphore_mem>>) src(%dma_wait3A_100 : memref<128xf32, #tpu.memory_space<hbm>>) dst(%arg10 : memref<128xf32, #tpu.memory_space<vmem>>)
        tpu.yield
      }) : () -> ()
      %scan3A_14 = arith.constant 0 : i32
      %scan3A_15 = arith.constant 0 : i32
      %scan3A_16 = arith.constant 128 : i32
      %scan3A_17 = arith.addi %scan3A_15, %scan3A_16 : i32
      %scan3A_18 = arith.constant 1 : i32
      scf.for %scan3A_97 = %scan3A_15 to %scan3A_17 step %scan3A_18  : i32 {
        %mul3A_98 = arith.constant 32 : i32
        %mul3A_99 = arith.muli %scan3A_97, %mul3A_98 : i32
        %get3A = arith.index_cast %mul3A_99 : i32 to index
        %get3A_100 = tpu.vector_load %arg7[%get3A] {strides = array<i32>} : memref<4096xi32, #tpu.memory_space<vmem>>, vector<16xi32>,
        %add3A_101 = vector.broadcast %mul3A_12 : i32 to vector<16xi32>
        %add3A_102 = arith.addi %get3A_100, %add3A_101 : vector<16xi32>
        %mul3A_103 = arith.constant 24 : i32
        %mul3A_104 = arith.muli %scan3A_97, %mul3A_103 : i32
        %swap3A = arith.index_cast %mul3A_104 : i32 to index
        %swap3A_105 = tpu.vector_load %arg8[%swap3A] {strides = array<i32>} : memref<3072xi32, #tpu.memory_space<vmem>>, vector<16xi32>,
        tpu.vector_store %arg8[%swap3A], %add3A_102 {strides = array<i32>} : memref<3072xi32, #tpu.memory_space<vmem>>, vector<16xi32>,
        %mul3A_106 = arith.constant 32 : i32
        %mul3A_107 = arith.muli %scan3A_97, %mul3A_106 : i32
        %add3A_108 = arith.constant 8 : i32
        %add3A_109 = arith.addi %mul3A_107, %add3A_108 : i32
        %get3A_110 = arith.index_cast %add3A_109 : i32 to index
        %get3A_111 = tpu.vector_load %arg7[%get3A_110] {strides = array<i32>} : memref<4096xi32, #tpu.memory_space<vmem>>, vector<16xi32>,
        %add3A_112 = vector.broadcast %mul3A_12 : i32 to vector<16xi32>
        %add3A_113 = arith.addi %get3A_111, %add3A_112 : vector<16xi32>
        %mul3A_114 = arith.constant 24 : i32
        %mul3A_115 = arith.muli %scan3A_97, %mul3A_114 : i32
        %add3A_116 = arith.constant 8 : i32
        %add3A_117 = arith.addi %mul3A_115, %add3A_116 : i32
        %swap3A_118 = arith.index_cast %add3A_117 : i32 to index
        %swap3A_119 = tpu.vector_load %arg8[%swap3A_118] {strides = array<i32>} : memref<3072xi32, #tpu.memory_space<vmem>>, vector<16xi32>,
        tpu.vector_store %arg8[%swap3A_118], %add3A_113 {strides = array<i32>} : memref<3072xi32, #tpu.memory_space<vmem>>, vector<16xi32>,
      }
      %scan3A_19 = arith.constant 128 : i32
      %rem3A = arith.constant 0 : i32
      %rem3A_20 = arith.constant 2 : i32
      %rem3A_21 = arith.remsi %rem3A, %rem3A_20 : i32
      %dma_start3A = arith.constant 0 : i32
      %dma_start3A_22 = arith.constant 0 : i32
      %dma_start3A_23 = tpu.memref_slice %arg11[%rem3A_21, %dma_start3A, %dma_start3A_22] : memref<2x384x64xf32, #tpu.memory_space<vmem>> -> memref<1x128x64xf32, #tpu.memory_space<vmem>>
      %dma_start3A_24 = tpu.memref_squeeze %dma_start3A_23 : memref<1x128x64xf32, #tpu.memory_space<vmem>> -> memref<128x64xf32, #tpu.memory_space<vmem>>
      %dma_start3A_25 = arith.constant 0 : i32
      %dma_start3A_26 = tpu.memref_slice %arg8[%dma_start3A_25] : memref<3072xi32, #tpu.memory_space<vmem>> -> memref<128xi32, #tpu.memory_space<vmem>>
      %dma_start3A_27 = arith.constant 0 : i32
      %dma_start3A_28 = arith.constant 0 : i32
      %dma_start3A_29 = tpu.memref_slice %arg2[%dma_start3A_27, %dma_start3A_28] : memref<32768x64xf32, #tpu.memory_space<hbm>> -> memref<32768x64xf32, #tpu.memory_space<hbm>>
      %dma_start3A_30 = tpu.memref_slice %arg14[%rem3A_21] : memref<2x!tpu.dma_semaphore, #tpu.memory_space<semaphore_mem>> -> memref<1x!tpu.dma_semaphore, #tpu.memory_space<semaphore_mem>>
      %dma_start3A_31 = tpu.memref_squeeze %dma_start3A_30 : memref<1x!tpu.dma_semaphore, #tpu.memory_space<semaphore_mem>> -> memref<!tpu.dma_semaphore, #tpu.memory_space<semaphore_mem>>
      tpu.enqueue_indirect_dma source(%dma_start3A_29 : memref<32768x64xf32, #tpu.memory_space<hbm>>) target(%dma_start3A_24 : memref<128x64xf32, #tpu.memory_space<vmem>>) offsets(%dma_start3A_26 : memref<128xi32, #tpu.memory_space<vmem>>) semaphore(%dma_start3A_31 : memref<!tpu.dma_semaphore, #tpu.memory_space<semaphore_mem>>)
      %dma_start3A_32 = arith.constant 128 : i32
      %dma_start3A_33 = arith.constant 0 : i32
      %dma_start3A_34 = tpu.memref_slice %arg11[%rem3A_21, %dma_start3A_32, %dma_start3A_33] : memref<2x384x64xf32, #tpu.memory_space<vmem>> -> memref<1x128x64xf32, #tpu.memory_space<vmem>>
      %dma_start3A_35 = tpu.memref_squeeze %dma_start3A_34 : memref<1x128x64xf32, #tpu.memory_space<vmem>> -> memref<128x64xf32, #tpu.memory_space<vmem>>
      %dma_start3A_36 = arith.constant 128 : i32
      %dma_start3A_37 = tpu.memref_slice %arg8[%dma_start3A_36] : memref<3072xi32, #tpu.memory_space<vmem>> -> memref<128xi32, #tpu.memory_space<vmem>>
      %dma_start3A_38 = arith.constant 0 : i32
      %dma_start3A_39 = arith.constant 0 : i32
      %dma_start3A_40 = tpu.memref_slice %arg2[%dma_start3A_38, %dma_start3A_39] : memref<32768x64xf32, #tpu.memory_space<hbm>> -> memref<32768x64xf32, #tpu.memory_space<hbm>>
      %dma_start3A_41 = tpu.memref_slice %arg14[%rem3A_21] : memref<2x!tpu.dma_semaphore, #tpu.memory_space<semaphore_mem>> -> memref<1x!tpu.dma_semaphore, #tpu.memory_space<semaphore_mem>>
      %dma_start3A_42 = tpu.memref_squeeze %dma_start3A_41 : memref<1x!tpu.dma_semaphore, #tpu.memory_space<semaphore_mem>> -> memref<!tpu.dma_semaphore, #tpu.memory_space<semaphore_mem>>
      tpu.enqueue_indirect_dma source(%dma_start3A_40 : memref<32768x64xf32, #tpu.memory_space<hbm>>) target(%dma_start3A_35 : memref<128x64xf32, #tpu.memory_space<vmem>>) offsets(%dma_start3A_37 : memref<128xi32, #tpu.memory_space<vmem>>) semaphore(%dma_start3A_42 : memref<!tpu.dma_semaphore, #tpu.memory_space<semaphore_mem>>)
      %dma_start3A_43 = arith.constant 256 : i32
      %dma_start3A_44 = arith.constant 0 : i32
      %dma_start3A_45 = tpu.memref_slice %arg11[%rem3A_21, %dma_start3A_43, %dma_start3A_44] : memref<2x384x64xf32, #tpu.memory_space<vmem>> -> memref<1x128x64xf32, #tpu.memory_space<vmem>>
      %dma_start3A_46 = tpu.memref_squeeze %dma_start3A_45 : memref<1x128x64xf32, #tpu.memory_space<vmem>> -> memref<128x64xf32, #tpu.memory_space<vmem>>
      %dma_start3A_47 = arith.constant 256 : i32
      %dma_start3A_48 = tpu.memref_slice %arg8[%dma_start3A_47] : memref<3072xi32, #tpu.memory_space<vmem>> -> memref<128xi32, #tpu.memory_space<vmem>>
      %dma_start3A_49 = arith.constant 0 : i32
      %dma_start3A_50 = arith.constant 0 : i32
      %dma_start3A_51 = tpu.memref_slice %arg2[%dma_start3A_49, %dma_start3A_50] : memref<32768x64xf32, #tpu.memory_space<hbm>> -> memref<32768x64xf32, #tpu.memory_space<hbm>>
      %dma_start3A_52 = tpu.memref_slice %arg14[%rem3A_21] : memref<2x!tpu.dma_semaphore, #tpu.memory_space<semaphore_mem>> -> memref<1x!tpu.dma_semaphore, #tpu.memory_space<semaphore_mem>>
      %dma_start3A_53 = tpu.memref_squeeze %dma_start3A_52 : memref<1x!tpu.dma_semaphore, #tpu.memory_space<semaphore_mem>> -> memref<!tpu.dma_semaphore, #tpu.memory_space<semaphore_mem>>
      tpu.enqueue_indirect_dma source(%dma_start3A_51 : memref<32768x64xf32, #tpu.memory_space<hbm>>) target(%dma_start3A_46 : memref<128x64xf32, #tpu.memory_space<vmem>>) offsets(%dma_start3A_48 : memref<128xi32, #tpu.memory_space<vmem>>) semaphore(%dma_start3A_53 : memref<!tpu.dma_semaphore, #tpu.memory_space<semaphore_mem>>)
      %scan3A_54 = arith.constant 0 : i32
      %scan3A_55 = arith.constant 0 : i32
      %scan3A_56 = arith.constant 8 : i32
      %scan3A_57 = arith.addi %scan3A_55, %scan3A_56 : i32
      %scan3A_58 = arith.constant 1 : i32
      scf.for %scan3A_97 = %scan3A_55 to %scan3A_57 step %scan3A_58  : i32 {
        %mul3A_98 = arith.constant 16 : i32
        %mul3A_99 = arith.muli %scan3A_97, %mul3A_98 : i32
        %rem3A_100 = arith.constant 2 : i32
        %rem3A_101 = arith.remsi %scan3A_97, %rem3A_100 : i32
        %lt3A = arith.constant 7 : i32
        %lt3A_102 = arith.cmpi slt, %scan3A_97, %lt3A : i32
        %convert_element_type3A = arith.extui %lt3A_102 : i1 to i32
        %cond3A = arith.constant 0 : i32
        %cond3A_103 = arith.cmpi ne, %convert_element_type3A, %cond3A : i32
        scf.if %cond3A_103 {
          %add3A_671 = arith.constant 1 : i32
          %add3A_672 = arith.addi %scan3A_97, %add3A_671 : i32
          %rem3A_673 = arith.constant 2 : i32
          %rem3A_674 = arith.remsi %add3A_672, %rem3A_673 : i32
          %mul3A_675 = arith.constant 16 : i32
          %mul3A_676 = arith.muli %add3A_672, %mul3A_675 : i32
          %mul3A_677 = arith.constant 24 : i32
          %mul3A_678 = arith.muli %mul3A_676, %mul3A_677 : i32
          %add3A_679 = arith.constant 0 : i32
          %add3A_680 = arith.addi %mul3A_678, %add3A_679 : i32
          %dma_start3A_681 = arith.constant 0 : i32
          %dma_start3A_682 = arith.constant 0 : i32
          %dma_start3A_683 = tpu.memref_slice %arg11[%rem3A_674, %dma_start3A_681, %dma_start3A_682] : memref<2x384x64xf32, #tpu.memory_space<vmem>> -> memref<1x128x64xf32, #tpu.memory_space<vmem>>
          %dma_start3A_684 = tpu.memref_squeeze %dma_start3A_683 : memref<1x128x64xf32, #tpu.memory_space<vmem>> -> memref<128x64xf32, #tpu.memory_space<vmem>>
          %dma_start3A_685 = tpu.memref_slice %arg8[%add3A_680] : memref<3072xi32, #tpu.memory_space<vmem>> -> memref<128xi32, #tpu.memory_space<vmem>>
          %dma_start3A_686 = arith.constant 0 : i32
          %dma_start3A_687 = arith.constant 0 : i32
          %dma_start3A_688 = tpu.memref_slice %arg2[%dma_start3A_686, %dma_start3A_687] : memref<32768x64xf32, #tpu.memory_space<hbm>> -> memref<32768x64xf32, #tpu.memory_space<hbm>>
          %dma_start3A_689 = tpu.memref_slice %arg14[%rem3A_674] : memref<2x!tpu.dma_semaphore, #tpu.memory_space<semaphore_mem>> -> memref<1x!tpu.dma_semaphore, #tpu.memory_space<semaphore_mem>>
          %dma_start3A_690 = tpu.memref_squeeze %dma_start3A_689 : memref<1x!tpu.dma_semaphore, #tpu.memory_space<semaphore_mem>> -> memref<!tpu.dma_semaphore, #tpu.memory_space<semaphore_mem>>
          tpu.enqueue_indirect_dma source(%dma_start3A_688 : memref<32768x64xf32, #tpu.memory_space<hbm>>) target(%dma_start3A_684 : memref<128x64xf32, #tpu.memory_space<vmem>>) offsets(%dma_start3A_685 : memref<128xi32, #tpu.memory_space<vmem>>) semaphore(%dma_start3A_690 : memref<!tpu.dma_semaphore, #tpu.memory_space<semaphore_mem>>)
          %add3A_691 = arith.constant 128 : i32
          %add3A_692 = arith.addi %mul3A_678, %add3A_691 : i32
          %dma_start3A_693 = arith.constant 128 : i32
          %dma_start3A_694 = arith.constant 0 : i32
          %dma_start3A_695 = tpu.memref_slice %arg11[%rem3A_674, %dma_start3A_693, %dma_start3A_694] : memref<2x384x64xf32, #tpu.memory_space<vmem>> -> memref<1x128x64xf32, #tpu.memory_space<vmem>>
          %dma_start3A_696 = tpu.memref_squeeze %dma_start3A_695 : memref<1x128x64xf32, #tpu.memory_space<vmem>> -> memref<128x64xf32, #tpu.memory_space<vmem>>
          %dma_start3A_697 = tpu.memref_slice %arg8[%add3A_692] : memref<3072xi32, #tpu.memory_space<vmem>> -> memref<128xi32, #tpu.memory_space<vmem>>
          %dma_start3A_698 = arith.constant 0 : i32
          %dma_start3A_699 = arith.constant 0 : i32
          %dma_start3A_700 = tpu.memref_slice %arg2[%dma_start3A_698, %dma_start3A_699] : memref<32768x64xf32, #tpu.memory_space<hbm>> -> memref<32768x64xf32, #tpu.memory_space<hbm>>
          %dma_start3A_701 = tpu.memref_slice %arg14[%rem3A_674] : memref<2x!tpu.dma_semaphore, #tpu.memory_space<semaphore_mem>> -> memref<1x!tpu.dma_semaphore, #tpu.memory_space<semaphore_mem>>
          %dma_start3A_702 = tpu.memref_squeeze %dma_start3A_701 : memref<1x!tpu.dma_semaphore, #tpu.memory_space<semaphore_mem>> -> memref<!tpu.dma_semaphore, #tpu.memory_space<semaphore_mem>>
          tpu.enqueue_indirect_dma source(%dma_start3A_700 : memref<32768x64xf32, #tpu.memory_space<hbm>>) target(%dma_start3A_696 : memref<128x64xf32, #tpu.memory_space<vmem>>) offsets(%dma_start3A_697 : memref<128xi32, #tpu.memory_space<vmem>>) semaphore(%dma_start3A_702 : memref<!tpu.dma_semaphore, #tpu.memory_space<semaphore_mem>>)
          %add3A_703 = arith.constant 256 : i32
          %add3A_704 = arith.addi %mul3A_678, %add3A_703 : i32
          %dma_start3A_705 = arith.constant 256 : i32
          %dma_start3A_706 = arith.constant 0 : i32
          %dma_start3A_707 = tpu.memref_slice %arg11[%rem3A_674, %dma_start3A_705, %dma_start3A_706] : memref<2x384x64xf32, #tpu.memory_space<vmem>> -> memref<1x128x64xf32, #tpu.memory_space<vmem>>
          %dma_start3A_708 = tpu.memref_squeeze %dma_start3A_707 : memref<1x128x64xf32, #tpu.memory_space<vmem>> -> memref<128x64xf32, #tpu.memory_space<vmem>>
          %dma_start3A_709 = tpu.memref_slice %arg8[%add3A_704] : memref<3072xi32, #tpu.memory_space<vmem>> -> memref<128xi32, #tpu.memory_space<vmem>>
          %dma_start3A_710 = arith.constant 0 : i32
          %dma_start3A_711 = arith.constant 0 : i32
          %dma_start3A_712 = tpu.memref_slice %arg2[%dma_start3A_710, %dma_start3A_711] : memref<32768x64xf32, #tpu.memory_space<hbm>> -> memref<32768x64xf32, #tpu.memory_space<hbm>>
          %dma_start3A_713 = tpu.memref_slice %arg14[%rem3A_674] : memref<2x!tpu.dma_semaphore, #tpu.memory_space<semaphore_mem>> -> memref<1x!tpu.dma_semaphore, #tpu.memory_space<semaphore_mem>>
          %dma_start3A_714 = tpu.memref_squeeze %dma_start3A_713 : memref<1x!tpu.dma_semaphore, #tpu.memory_space<semaphore_mem>> -> memref<!tpu.dma_semaphore, #tpu.memory_space<semaphore_mem>>
          tpu.enqueue_indirect_dma source(%dma_start3A_712 : memref<32768x64xf32, #tpu.memory_space<hbm>>) target(%dma_start3A_708 : memref<128x64xf32, #tpu.memory_space<vmem>>) offsets(%dma_start3A_709 : memref<128xi32, #tpu.memory_space<vmem>>) semaphore(%dma_start3A_714 : memref<!tpu.dma_semaphore, #tpu.memory_space<semaphore_mem>>)
        } else {
        }
        %rem3A_104 = arith.constant 2 : i32
        %rem3A_105 = arith.remsi %scan3A_97, %rem3A_104 : i32
        %mul3A_106 = arith.constant 16 : i32
        %mul3A_107 = arith.muli %scan3A_97, %mul3A_106 : i32
        %mul3A_108 = arith.constant 24 : i32
        %mul3A_109 = arith.muli %mul3A_107, %mul3A_108 : i32
        %add3A_110 = arith.constant 0 : i32
        %add3A_111 = arith.addi %mul3A_109, %add3A_110 : i32
        %dma_wait3A_112 = arith.constant 0 : i32
        %dma_wait3A_113 = arith.constant 0 : i32
        %dma_wait3A_114 = tpu.memref_slice %arg11[%rem3A_105, %dma_wait3A_112, %dma_wait3A_113] : memref<2x384x64xf32, #tpu.memory_space<vmem>> -> memref<1x128x64xf32, #tpu.memory_space<vmem>>
        %dma_wait3A_115 = tpu.memref_squeeze %dma_wait3A_114 : memref<1x128x64xf32, #tpu.memory_space<vmem>> -> memref<128x64xf32, #tpu.memory_space<vmem>>
        %dma_wait3A_116 = tpu.memref_slice %arg8[%add3A_111] : memref<3072xi32, #tpu.memory_space<vmem>> -> memref<128xi32, #tpu.memory_space<vmem>>
        %dma_wait3A_117 = arith.constant 0 : i32
        %dma_wait3A_118 = arith.constant 0 : i32
        %dma_wait3A_119 = tpu.memref_slice %arg2[%dma_wait3A_117, %dma_wait3A_118] : memref<32768x64xf32, #tpu.memory_space<hbm>> -> memref<32768x64xf32, #tpu.memory_space<hbm>>
        %dma_wait3A_120 = tpu.memref_slice %arg14[%rem3A_105] : memref<2x!tpu.dma_semaphore, #tpu.memory_space<semaphore_mem>> -> memref<1x!tpu.dma_semaphore, #tpu.memory_space<semaphore_mem>>
        %dma_wait3A_121 = tpu.memref_squeeze %dma_wait3A_120 : memref<1x!tpu.dma_semaphore, #tpu.memory_space<semaphore_mem>> -> memref<!tpu.dma_semaphore, #tpu.memory_space<semaphore_mem>>
        tpu.wait_indirect_dma semaphore(%dma_wait3A_121 : memref<!tpu.dma_semaphore, #tpu.memory_space<semaphore_mem>>) src(%dma_wait3A_119 : memref<32768x64xf32, #tpu.memory_space<hbm>>) dst(%dma_wait3A_115 : memref<128x64xf32, #tpu.memory_space<vmem>>)
        %add3A_122 = arith.constant 128 : i32
        %add3A_123 = arith.addi %mul3A_109, %add3A_122 : i32
        %dma_wait3A_124 = arith.constant 128 : i32
        %dma_wait3A_125 = arith.constant 0 : i32
        %dma_wait3A_126 = tpu.memref_slice %arg11[%rem3A_105, %dma_wait3A_124, %dma_wait3A_125] : memref<2x384x64xf32, #tpu.memory_space<vmem>> -> memref<1x128x64xf32, #tpu.memory_space<vmem>>
        %dma_wait3A_127 = tpu.memref_squeeze %dma_wait3A_126 : memref<1x128x64xf32, #tpu.memory_space<vmem>> -> memref<128x64xf32, #tpu.memory_space<vmem>>
        %dma_wait3A_128 = tpu.memref_slice %arg8[%add3A_123] : memref<3072xi32, #tpu.memory_space<vmem>> -> memref<128xi32, #tpu.memory_space<vmem>>
        %dma_wait3A_129 = arith.constant 0 : i32
        %dma_wait3A_130 = arith.constant 0 : i32
        %dma_wait3A_131 = tpu.memref_slice %arg2[%dma_wait3A_129, %dma_wait3A_130] : memref<32768x64xf32, #tpu.memory_space<hbm>> -> memref<32768x64xf32, #tpu.memory_space<hbm>>
        %dma_wait3A_132 = tpu.memref_slice %arg14[%rem3A_105] : memref<2x!tpu.dma_semaphore, #tpu.memory_space<semaphore_mem>> -> memref<1x!tpu.dma_semaphore, #tpu.memory_space<semaphore_mem>>
        %dma_wait3A_133 = tpu.memref_squeeze %dma_wait3A_132 : memref<1x!tpu.dma_semaphore, #tpu.memory_space<semaphore_mem>> -> memref<!tpu.dma_semaphore, #tpu.memory_space<semaphore_mem>>
        tpu.wait_indirect_dma semaphore(%dma_wait3A_133 : memref<!tpu.dma_semaphore, #tpu.memory_space<semaphore_mem>>) src(%dma_wait3A_131 : memref<32768x64xf32, #tpu.memory_space<hbm>>) dst(%dma_wait3A_127 : memref<128x64xf32, #tpu.memory_space<vmem>>)
        %add3A_134 = arith.constant 256 : i32
        %add3A_135 = arith.addi %mul3A_109, %add3A_134 : i32
        %dma_wait3A_136 = arith.constant 256 : i32
        %dma_wait3A_137 = arith.constant 0 : i32
        %dma_wait3A_138 = tpu.memref_slice %arg11[%rem3A_105, %dma_wait3A_136, %dma_wait3A_137] : memref<2x384x64xf32, #tpu.memory_space<vmem>> -> memref<1x128x64xf32, #tpu.memory_space<vmem>>
        %dma_wait3A_139 = tpu.memref_squeeze %dma_wait3A_138 : memref<1x128x64xf32, #tpu.memory_space<vmem>> -> memref<128x64xf32, #tpu.memory_space<vmem>>
        %dma_wait3A_140 = tpu.memref_slice %arg8[%add3A_135] : memref<3072xi32, #tpu.memory_space<vmem>> -> memref<128xi32, #tpu.memory_space<vmem>>
        %dma_wait3A_141 = arith.constant 0 : i32
        %dma_wait3A_142 = arith.constant 0 : i32
        %dma_wait3A_143 = tpu.memref_slice %arg2[%dma_wait3A_141, %dma_wait3A_142] : memref<32768x64xf32, #tpu.memory_space<hbm>> -> memref<32768x64xf32, #tpu.memory_space<hbm>>
        %dma_wait3A_144 = tpu.memref_slice %arg14[%rem3A_105] : memref<2x!tpu.dma_semaphore, #tpu.memory_space<semaphore_mem>> -> memref<1x!tpu.dma_semaphore, #tpu.memory_space<semaphore_mem>>
        %dma_wait3A_145 = tpu.memref_squeeze %dma_wait3A_144 : memref<1x!tpu.dma_semaphore, #tpu.memory_space<semaphore_mem>> -> memref<!tpu.dma_semaphore, #tpu.memory_space<semaphore_mem>>
        tpu.wait_indirect_dma semaphore(%dma_wait3A_145 : memref<!tpu.dma_semaphore, #tpu.memory_space<semaphore_mem>>) src(%dma_wait3A_143 : memref<32768x64xf32, #tpu.memory_space<hbm>>) dst(%dma_wait3A_139 : memref<128x64xf32, #tpu.memory_space<vmem>>)
        %ge3A = arith.constant 2 : i32
        %ge3A_146 = arith.cmpi sge, %scan3A_97, %ge3A : i32
        %convert_element_type3A_147 = arith.extui %ge3A_146 : i1 to i32
        %cond3A_148 = arith.constant 0 : i32
        %cond3A_149 = arith.cmpi ne, %convert_element_type3A_147, %cond3A_148 : i32
        scf.if %cond3A_149 {
          %add3A_671 = arith.addi %mul3A_12, %mul3A_2 : i32
          %sub3A_672 = arith.constant 2 : i32
          %sub3A_673 = arith.subi %scan3A_97, %sub3A_672 : i32
          %mul3A_674 = arith.constant 16 : i32
          %mul3A_675 = arith.muli %sub3A_673, %mul3A_674 : i32
          %add3A_676 = arith.addi %add3A_671, %mul3A_675 : i32
          %dma_wait3A_677 = arith.constant 0 : i32
          %dma_wait3A_678 = arith.constant 0 : i32
          %dma_wait3A_679 = tpu.memref_slice %arg13[%rem3A_101, %dma_wait3A_677, %dma_wait3A_678] : memref<2x16x64xf32, #tpu.memory_space<vmem>> -> memref<1x16x64xf32, #tpu.memory_space<vmem>>
          %dma_wait3A_680 = tpu.memref_squeeze %dma_wait3A_679 : memref<1x16x64xf32, #tpu.memory_space<vmem>> -> memref<16x64xf32, #tpu.memory_space<vmem>>
          %dma_wait3A_681 = arith.constant 0 : i32
          %dma_wait3A_682 = tpu.memref_slice %arg6[%add3A_676, %dma_wait3A_681] : memref<32768x64xf32, #tpu.memory_space<hbm>> -> memref<16x64xf32, #tpu.memory_space<hbm>>
          %dma_wait3A_683 = tpu.memref_slice %arg15[%rem3A_101] : memref<2x!tpu.dma_semaphore, #tpu.memory_space<semaphore_mem>> -> memref<1x!tpu.dma_semaphore, #tpu.memory_space<semaphore_mem>>
          %dma_wait3A_684 = tpu.memref_squeeze %dma_wait3A_683 : memref<1x!tpu.dma_semaphore, #tpu.memory_space<semaphore_mem>> -> memref<!tpu.dma_semaphore, #tpu.memory_space<semaphore_mem>>
          %dma_wait3A_685 = arith.constant 0 : i32
          %dma_wait3A_686 = tpu.memref_slice %arg6[%add3A_676, %dma_wait3A_685] : memref<32768x64xf32, #tpu.memory_space<hbm>> -> memref<16x64xf32, #tpu.memory_space<hbm>>
          %dma_wait3A_687 = arith.constant 0 : i32
          %dma_wait3A_688 = arith.constant 0 : i32
          %dma_wait3A_689 = tpu.memref_slice %arg13[%rem3A_101, %dma_wait3A_687, %dma_wait3A_688] : memref<2x16x64xf32, #tpu.memory_space<vmem>> -> memref<1x16x64xf32, #tpu.memory_space<vmem>>
          %dma_wait3A_690 = tpu.memref_squeeze %dma_wait3A_689 : memref<1x16x64xf32, #tpu.memory_space<vmem>> -> memref<16x64xf32, #tpu.memory_space<vmem>>
          tpu.wait_dma2 semaphore(%dma_wait3A_684 : memref<!tpu.dma_semaphore, #tpu.memory_space<semaphore_mem>>) src(%dma_wait3A_690 : memref<16x64xf32, #tpu.memory_space<vmem>>) dst(%dma_wait3A_686 : memref<16x64xf32, #tpu.memory_space<hbm>>)
        } else {
        }
        %add3A_150 = arith.addi %mul3A_2, %mul3A_99 : i32
        %add3A_151 = vector.broadcast %add3A_150 : i32 to vector<16xi32>
        %add3A_152 = arith.addi %add3A_151, %iota3A : vector<16xi32>
        %add3A_153 = vector.broadcast %mul3A_99 : i32 to vector<16xi32>
        %add3A_154 = arith.addi %add3A_153, %iota3A : vector<16xi32>
        %mul3A_155 = arith.constant 32 : i32
        %mul3A_156 = vector.broadcast %mul3A_155 : i32 to vector<16xi32>
        %mul3A_157 = arith.muli %add3A_154, %mul3A_156 : vector<16xi32>
        %get3A = arith.index_cast %mul3A_99 : i32 to index
        %get3A_158 = tpu.vector_load %arg10[%get3A] {strides = array<i32>} : memref<128xf32, #tpu.memory_space<vmem>>, vector<16xf32>,
        %add3A_159 = arith.addi %mul3A_2, %mul3A_99 : i32
        %get3A_160 = arith.index_cast %add3A_159 : i32 to index
        %get3A_161 = tpu.vector_load %arg9[%get3A_160] {strides = array<i32>} : memref<4096xf32, #tpu.memory_space<vmem>>, vector<16xf32>,
        %add3A_162 = arith.addf %get3A_158, %get3A_161 : vector<16xf32>
        %mul3A_163 = arith.constant 2.000000e-01 : f32
        %mul3A_164 = vector.broadcast %mul3A_163 : f32 to vector<16xf32>
        %mul3A_165 = arith.mulf %mul3A_164, %add3A_162 : vector<16xf32>
        %max3A = arith.maximumf %add3A_162, %mul3A_165 : vector<16xf32>
        %add3A_166 = arith.constant 0 : i32
        %add3A_167 = vector.broadcast %add3A_166 : i32 to vector<16xi32>
        %add3A_168 = arith.addi %mul3A_157, %add3A_167 : vector<16xi32>
        %gather3A = tpu.vector_load_idx %arg7[%add3A_168] : memref<4096xi32, #tpu.memory_space<vmem>>[vector<16xi32>], vector<16xi32>,
        %gather3A_169 = tpu.vector_load_idx %arg9[%gather3A] : memref<4096xf32, #tpu.memory_space<vmem>>[vector<16xi32>], vector<16xf32>,
        %add3A_170 = arith.addf %get3A_158, %gather3A_169 : vector<16xf32>
        %mul3A_171 = arith.constant 2.000000e-01 : f32
        %mul3A_172 = vector.broadcast %mul3A_171 : f32 to vector<16xf32>
        %mul3A_173 = arith.mulf %mul3A_172, %add3A_170 : vector<16xf32>
        %max3A_174 = arith.maximumf %add3A_170, %mul3A_173 : vector<16xf32>
        %eq3A = arith.cmpi eq, %gather3A, %add3A_152 : vector<16xi32>
        %jit3A = arith.constant -1.000000e+09 : f32
        %broadcast_in_dim3A = vector.broadcast %jit3A : f32 to vector<16xf32>
        %select_n3A = arith.select %eq3A, %broadcast_in_dim3A, %max3A_174 : vector<16xi1>, vector<16xf32>
        %add3A_175 = arith.constant 1 : i32
        %add3A_176 = vector.broadcast %add3A_175 : i32 to vector<16xi32>
        %add3A_177 = arith.addi %mul3A_157, %add3A_176 : vector<16xi32>
        %gather3A_178 = tpu.vector_load_idx %arg7[%add3A_177] : memref<4096xi32, #tpu.memory_space<vmem>>[vector<16xi32>], vector<16xi32>,
        %gather3A_179 = tpu.vector_load_idx %arg9[%gather3A_178] : memref<4096xf32, #tpu.memory_space<vmem>>[vector<16xi32>], vector<16xf32>,
        %add3A_180 = arith.addf %get3A_158, %gather3A_179 : vector<16xf32>
        %mul3A_181 = arith.constant 2.000000e-01 : f32
        %mul3A_182 = vector.broadcast %mul3A_181 : f32 to vector<16xf32>
        %mul3A_183 = arith.mulf %mul3A_182, %add3A_180 : vector<16xf32>
        %max3A_184 = arith.maximumf %add3A_180, %mul3A_183 : vector<16xf32>
        %eq3A_185 = arith.cmpi eq, %gather3A_178, %add3A_152 : vector<16xi32>
        %jit3A_186 = arith.constant -1.000000e+09 : f32
        %broadcast_in_dim3A_187 = vector.broadcast %jit3A_186 : f32 to vector<16xf32>
        %select_n3A_188 = arith.select %eq3A_185, %broadcast_in_dim3A_187, %max3A_184 : vector<16xi1>, vector<16xf32>
        %add3A_189 = arith.constant 2 : i32
        %add3A_190 = vector.broadcast %add3A_189 : i32 to vector<16xi32>
        %add3A_191 = arith.addi %mul3A_157, %add3A_190 : vector<16xi32>
        %gather3A_192 = tpu.vector_load_idx %arg7[%add3A_191] : memref<4096xi32, #tpu.memory_space<vmem>>[vector<16xi32>], vector<16xi32>,
        %gather3A_193 = tpu.vector_load_idx %arg9[%gather3A_192] : memref<4096xf32, #tpu.memory_space<vmem>>[vector<16xi32>], vector<16xf32>,
        %add3A_194 = arith.addf %get3A_158, %gather3A_193 : vector<16xf32>
        %mul3A_195 = arith.constant 2.000000e-01 : f32
        %mul3A_196 = vector.broadcast %mul3A_195 : f32 to vector<16xf32>
        %mul3A_197 = arith.mulf %mul3A_196, %add3A_194 : vector<16xf32>
        %max3A_198 = arith.maximumf %add3A_194, %mul3A_197 : vector<16xf32>
        %eq3A_199 = arith.cmpi eq, %gather3A_192, %add3A_152 : vector<16xi32>
        %jit3A_200 = arith.constant -1.000000e+09 : f32
        %broadcast_in_dim3A_201 = vector.broadcast %jit3A_200 : f32 to vector<16xf32>
        %select_n3A_202 = arith.select %eq3A_199, %broadcast_in_dim3A_201, %max3A_198 : vector<16xi1>, vector<16xf32>
        %add3A_203 = arith.constant 3 : i32
        %add3A_204 = vector.broadcast %add3A_203 : i32 to vector<16xi32>
        %add3A_205 = arith.addi %mul3A_157, %add3A_204 : vector<16xi32>
        %gather3A_206 = tpu.vector_load_idx %arg7[%add3A_205] : memref<4096xi32, #tpu.memory_space<vmem>>[vector<16xi32>], vector<16xi32>,
        %gather3A_207 = tpu.vector_load_idx %arg9[%gather3A_206] : memref<4096xf32, #tpu.memory_space<vmem>>[vector<16xi32>], vector<16xf32>,
        %add3A_208 = arith.addf %get3A_158, %gather3A_207 : vector<16xf32>
        %mul3A_209 = arith.constant 2.000000e-01 : f32
        %mul3A_210 = vector.broadcast %mul3A_209 : f32 to vector<16xf32>
        %mul3A_211 = arith.mulf %mul3A_210, %add3A_208 : vector<16xf32>
        %max3A_212 = arith.maximumf %add3A_208, %mul3A_211 : vector<16xf32>
        %eq3A_213 = arith.cmpi eq, %gather3A_206, %add3A_152 : vector<16xi32>
        %jit3A_214 = arith.constant -1.000000e+09 : f32
        %broadcast_in_dim3A_215 = vector.broadcast %jit3A_214 : f32 to vector<16xf32>
        %select_n3A_216 = arith.select %eq3A_213, %broadcast_in_dim3A_215, %max3A_212 : vector<16xi1>, vector<16xf32>
        %add3A_217 = arith.constant 4 : i32
        %add3A_218 = vector.broadcast %add3A_217 : i32 to vector<16xi32>
        %add3A_219 = arith.addi %mul3A_157, %add3A_218 : vector<16xi32>
        %gather3A_220 = tpu.vector_load_idx %arg7[%add3A_219] : memref<4096xi32, #tpu.memory_space<vmem>>[vector<16xi32>], vector<16xi32>,
        %gather3A_221 = tpu.vector_load_idx %arg9[%gather3A_220] : memref<4096xf32, #tpu.memory_space<vmem>>[vector<16xi32>], vector<16xf32>,
        %add3A_222 = arith.addf %get3A_158, %gather3A_221 : vector<16xf32>
        %mul3A_223 = arith.constant 2.000000e-01 : f32
        %mul3A_224 = vector.broadcast %mul3A_223 : f32 to vector<16xf32>
        %mul3A_225 = arith.mulf %mul3A_224, %add3A_222 : vector<16xf32>
        %max3A_226 = arith.maximumf %add3A_222, %mul3A_225 : vector<16xf32>
        %eq3A_227 = arith.cmpi eq, %gather3A_220, %add3A_152 : vector<16xi32>
        %jit3A_228 = arith.constant -1.000000e+09 : f32
        %broadcast_in_dim3A_229 = vector.broadcast %jit3A_228 : f32 to vector<16xf32>
        %select_n3A_230 = arith.select %eq3A_227, %broadcast_in_dim3A_229, %max3A_226 : vector<16xi1>, vector<16xf32>
        %add3A_231 = arith.constant 5 : i32
        %add3A_232 = vector.broadcast %add3A_231 : i32 to vector<16xi32>
        %add3A_233 = arith.addi %mul3A_157, %add3A_232 : vector<16xi32>
        %gather3A_234 = tpu.vector_load_idx %arg7[%add3A_233] : memref<4096xi32, #tpu.memory_space<vmem>>[vector<16xi32>], vector<16xi32>,
        %gather3A_235 = tpu.vector_load_idx %arg9[%gather3A_234] : memref<4096xf32, #tpu.memory_space<vmem>>[vector<16xi32>], vector<16xf32>,
        %add3A_236 = arith.addf %get3A_158, %gather3A_235 : vector<16xf32>
        %mul3A_237 = arith.constant 2.000000e-01 : f32
        %mul3A_238 = vector.broadcast %mul3A_237 : f32 to vector<16xf32>
        %mul3A_239 = arith.mulf %mul3A_238, %add3A_236 : vector<16xf32>
        %max3A_240 = arith.maximumf %add3A_236, %mul3A_239 : vector<16xf32>
        %eq3A_241 = arith.cmpi eq, %gather3A_234, %add3A_152 : vector<16xi32>
        %jit3A_242 = arith.constant -1.000000e+09 : f32
        %broadcast_in_dim3A_243 = vector.broadcast %jit3A_242 : f32 to vector<16xf32>
        %select_n3A_244 = arith.select %eq3A_241, %broadcast_in_dim3A_243, %max3A_240 : vector<16xi1>, vector<16xf32>
        %add3A_245 = arith.constant 6 : i32
        %add3A_246 = vector.broadcast %add3A_245 : i32 to vector<16xi32>
        %add3A_247 = arith.addi %mul3A_157, %add3A_246 : vector<16xi32>
        %gather3A_248 = tpu.vector_load_idx %arg7[%add3A_247] : memref<4096xi32, #tpu.memory_space<vmem>>[vector<16xi32>], vector<16xi32>,
        %gather3A_249 = tpu.vector_load_idx %arg9[%gather3A_248] : memref<4096xf32, #tpu.memory_space<vmem>>[vector<16xi32>], vector<16xf32>,
        %add3A_250 = arith.addf %get3A_158, %gather3A_249 : vector<16xf32>
        %mul3A_251 = arith.constant 2.000000e-01 : f32
        %mul3A_252 = vector.broadcast %mul3A_251 : f32 to vector<16xf32>
        %mul3A_253 = arith.mulf %mul3A_252, %add3A_250 : vector<16xf32>
        %max3A_254 = arith.maximumf %add3A_250, %mul3A_253 : vector<16xf32>
        %eq3A_255 = arith.cmpi eq, %gather3A_248, %add3A_152 : vector<16xi32>
        %jit3A_256 = arith.constant -1.000000e+09 : f32
        %broadcast_in_dim3A_257 = vector.broadcast %jit3A_256 : f32 to vector<16xf32>
        %select_n3A_258 = arith.select %eq3A_255, %broadcast_in_dim3A_257, %max3A_254 : vector<16xi1>, vector<16xf32>
        %add3A_259 = arith.constant 7 : i32
        %add3A_260 = vector.broadcast %add3A_259 : i32 to vector<16xi32>
        %add3A_261 = arith.addi %mul3A_157, %add3A_260 : vector<16xi32>
        %gather3A_262 = tpu.vector_load_idx %arg7[%add3A_261] : memref<4096xi32, #tpu.memory_space<vmem>>[vector<16xi32>], vector<16xi32>,
        %gather3A_263 = tpu.vector_load_idx %arg9[%gather3A_262] : memref<4096xf32, #tpu.memory_space<vmem>>[vector<16xi32>], vector<16xf32>,
        %add3A_264 = arith.addf %get3A_158, %gather3A_263 : vector<16xf32>
        %mul3A_265 = arith.constant 2.000000e-01 : f32
        %mul3A_266 = vector.broadcast %mul3A_265 : f32 to vector<16xf32>
        %mul3A_267 = arith.mulf %mul3A_266, %add3A_264 : vector<16xf32>
        %max3A_268 = arith.maximumf %add3A_264, %mul3A_267 : vector<16xf32>
        %eq3A_269 = arith.cmpi eq, %gather3A_262, %add3A_152 : vector<16xi32>
        %jit3A_270 = arith.constant -1.000000e+09 : f32
        %broadcast_in_dim3A_271 = vector.broadcast %jit3A_270 : f32 to vector<16xf32>
        %select_n3A_272 = arith.select %eq3A_269, %broadcast_in_dim3A_271, %max3A_268 : vector<16xi1>, vector<16xf32>
        %add3A_273 = arith.constant 8 : i32
        %add3A_274 = vector.broadcast %add3A_273 : i32 to vector<16xi32>
        %add3A_275 = arith.addi %mul3A_157, %add3A_274 : vector<16xi32>
        %gather3A_276 = tpu.vector_load_idx %arg7[%add3A_275] : memref<4096xi32, #tpu.memory_space<vmem>>[vector<16xi32>], vector<16xi32>,
        %gather3A_277 = tpu.vector_load_idx %arg9[%gather3A_276] : memref<4096xf32, #tpu.memory_space<vmem>>[vector<16xi32>], vector<16xf32>,
        %add3A_278 = arith.addf %get3A_158, %gather3A_277 : vector<16xf32>
        %mul3A_279 = arith.constant 2.000000e-01 : f32
        %mul3A_280 = vector.broadcast %mul3A_279 : f32 to vector<16xf32>
        %mul3A_281 = arith.mulf %mul3A_280, %add3A_278 : vector<16xf32>
        %max3A_282 = arith.maximumf %add3A_278, %mul3A_281 : vector<16xf32>
        %eq3A_283 = arith.cmpi eq, %gather3A_276, %add3A_152 : vector<16xi32>
        %jit3A_284 = arith.constant -1.000000e+09 : f32
        %broadcast_in_dim3A_285 = vector.broadcast %jit3A_284 : f32 to vector<16xf32>
        %select_n3A_286 = arith.select %eq3A_283, %broadcast_in_dim3A_285, %max3A_282 : vector<16xi1>, vector<16xf32>
        %add3A_287 = arith.constant 9 : i32
        %add3A_288 = vector.broadcast %add3A_287 : i32 to vector<16xi32>
        %add3A_289 = arith.addi %mul3A_157, %add3A_288 : vector<16xi32>
        %gather3A_290 = tpu.vector_load_idx %arg7[%add3A_289] : memref<4096xi32, #tpu.memory_space<vmem>>[vector<16xi32>], vector<16xi32>,
        %gather3A_291 = tpu.vector_load_idx %arg9[%gather3A_290] : memref<4096xf32, #tpu.memory_space<vmem>>[vector<16xi32>], vector<16xf32>,
        %add3A_292 = arith.addf %get3A_158, %gather3A_291 : vector<16xf32>
        %mul3A_293 = arith.constant 2.000000e-01 : f32
        %mul3A_294 = vector.broadcast %mul3A_293 : f32 to vector<16xf32>
        %mul3A_295 = arith.mulf %mul3A_294, %add3A_292 : vector<16xf32>
        %max3A_296 = arith.maximumf %add3A_292, %mul3A_295 : vector<16xf32>
        %eq3A_297 = arith.cmpi eq, %gather3A_290, %add3A_152 : vector<16xi32>
        %jit3A_298 = arith.constant -1.000000e+09 : f32
        %broadcast_in_dim3A_299 = vector.broadcast %jit3A_298 : f32 to vector<16xf32>
        %select_n3A_300 = arith.select %eq3A_297, %broadcast_in_dim3A_299, %max3A_296 : vector<16xi1>, vector<16xf32>
        %add3A_301 = arith.constant 10 : i32
        %add3A_302 = vector.broadcast %add3A_301 : i32 to vector<16xi32>
        %add3A_303 = arith.addi %mul3A_157, %add3A_302 : vector<16xi32>
        %gather3A_304 = tpu.vector_load_idx %arg7[%add3A_303] : memref<4096xi32, #tpu.memory_space<vmem>>[vector<16xi32>], vector<16xi32>,
        %gather3A_305 = tpu.vector_load_idx %arg9[%gather3A_304] : memref<4096xf32, #tpu.memory_space<vmem>>[vector<16xi32>], vector<16xf32>,
        %add3A_306 = arith.addf %get3A_158, %gather3A_305 : vector<16xf32>
        %mul3A_307 = arith.constant 2.000000e-01 : f32
        %mul3A_308 = vector.broadcast %mul3A_307 : f32 to vector<16xf32>
        %mul3A_309 = arith.mulf %mul3A_308, %add3A_306 : vector<16xf32>
        %max3A_310 = arith.maximumf %add3A_306, %mul3A_309 : vector<16xf32>
        %eq3A_311 = arith.cmpi eq, %gather3A_304, %add3A_152 : vector<16xi32>
        %jit3A_312 = arith.constant -1.000000e+09 : f32
        %broadcast_in_dim3A_313 = vector.broadcast %jit3A_312 : f32 to vector<16xf32>
        %select_n3A_314 = arith.select %eq3A_311, %broadcast_in_dim3A_313, %max3A_310 : vector<16xi1>, vector<16xf32>
        %add3A_315 = arith.constant 11 : i32
        %add3A_316 = vector.broadcast %add3A_315 : i32 to vector<16xi32>
        %add3A_317 = arith.addi %mul3A_157, %add3A_316 : vector<16xi32>
        %gather3A_318 = tpu.vector_load_idx %arg7[%add3A_317] : memref<4096xi32, #tpu.memory_space<vmem>>[vector<16xi32>], vector<16xi32>,
        %gather3A_319 = tpu.vector_load_idx %arg9[%gather3A_318] : memref<4096xf32, #tpu.memory_space<vmem>>[vector<16xi32>], vector<16xf32>,
        %add3A_320 = arith.addf %get3A_158, %gather3A_319 : vector<16xf32>
        %mul3A_321 = arith.constant 2.000000e-01 : f32
        %mul3A_322 = vector.broadcast %mul3A_321 : f32 to vector<16xf32>
        %mul3A_323 = arith.mulf %mul3A_322, %add3A_320 : vector<16xf32>
        %max3A_324 = arith.maximumf %add3A_320, %mul3A_323 : vector<16xf32>
        %eq3A_325 = arith.cmpi eq, %gather3A_318, %add3A_152 : vector<16xi32>
        %jit3A_326 = arith.constant -1.000000e+09 : f32
        %broadcast_in_dim3A_327 = vector.broadcast %jit3A_326 : f32 to vector<16xf32>
        %select_n3A_328 = arith.select %eq3A_325, %broadcast_in_dim3A_327, %max3A_324 : vector<16xi1>, vector<16xf32>
        %add3A_329 = arith.constant 12 : i32
        %add3A_330 = vector.broadcast %add3A_329 : i32 to vector<16xi32>
        %add3A_331 = arith.addi %mul3A_157, %add3A_330 : vector<16xi32>
        %gather3A_332 = tpu.vector_load_idx %arg7[%add3A_331] : memref<4096xi32, #tpu.memory_space<vmem>>[vector<16xi32>], vector<16xi32>,
        %gather3A_333 = tpu.vector_load_idx %arg9[%gather3A_332] : memref<4096xf32, #tpu.memory_space<vmem>>[vector<16xi32>], vector<16xf32>,
        %add3A_334 = arith.addf %get3A_158, %gather3A_333 : vector<16xf32>
        %mul3A_335 = arith.constant 2.000000e-01 : f32
        %mul3A_336 = vector.broadcast %mul3A_335 : f32 to vector<16xf32>
        %mul3A_337 = arith.mulf %mul3A_336, %add3A_334 : vector<16xf32>
        %max3A_338 = arith.maximumf %add3A_334, %mul3A_337 : vector<16xf32>
        %eq3A_339 = arith.cmpi eq, %gather3A_332, %add3A_152 : vector<16xi32>
        %jit3A_340 = arith.constant -1.000000e+09 : f32
        %broadcast_in_dim3A_341 = vector.broadcast %jit3A_340 : f32 to vector<16xf32>
        %select_n3A_342 = arith.select %eq3A_339, %broadcast_in_dim3A_341, %max3A_338 : vector<16xi1>, vector<16xf32>
        %add3A_343 = arith.constant 13 : i32
        %add3A_344 = vector.broadcast %add3A_343 : i32 to vector<16xi32>
        %add3A_345 = arith.addi %mul3A_157, %add3A_344 : vector<16xi32>
        %gather3A_346 = tpu.vector_load_idx %arg7[%add3A_345] : memref<4096xi32, #tpu.memory_space<vmem>>[vector<16xi32>], vector<16xi32>,
        %gather3A_347 = tpu.vector_load_idx %arg9[%gather3A_346] : memref<4096xf32, #tpu.memory_space<vmem>>[vector<16xi32>], vector<16xf32>,
        %add3A_348 = arith.addf %get3A_158, %gather3A_347 : vector<16xf32>
        %mul3A_349 = arith.constant 2.000000e-01 : f32
        %mul3A_350 = vector.broadcast %mul3A_349 : f32 to vector<16xf32>
        %mul3A_351 = arith.mulf %mul3A_350, %add3A_348 : vector<16xf32>
        %max3A_352 = arith.maximumf %add3A_348, %mul3A_351 : vector<16xf32>
        %eq3A_353 = arith.cmpi eq, %gather3A_346, %add3A_152 : vector<16xi32>
        %jit3A_354 = arith.constant -1.000000e+09 : f32
        %broadcast_in_dim3A_355 = vector.broadcast %jit3A_354 : f32 to vector<16xf32>
        %select_n3A_356 = arith.select %eq3A_353, %broadcast_in_dim3A_355, %max3A_352 : vector<16xi1>, vector<16xf32>
        %add3A_357 = arith.constant 14 : i32
        %add3A_358 = vector.broadcast %add3A_357 : i32 to vector<16xi32>
        %add3A_359 = arith.addi %mul3A_157, %add3A_358 : vector<16xi32>
        %gather3A_360 = tpu.vector_load_idx %arg7[%add3A_359] : memref<4096xi32, #tpu.memory_space<vmem>>[vector<16xi32>], vector<16xi32>,
        %gather3A_361 = tpu.vector_load_idx %arg9[%gather3A_360] : memref<4096xf32, #tpu.memory_space<vmem>>[vector<16xi32>], vector<16xf32>,
        %add3A_362 = arith.addf %get3A_158, %gather3A_361 : vector<16xf32>
        %mul3A_363 = arith.constant 2.000000e-01 : f32
        %mul3A_364 = vector.broadcast %mul3A_363 : f32 to vector<16xf32>
        %mul3A_365 = arith.mulf %mul3A_364, %add3A_362 : vector<16xf32>
        %max3A_366 = arith.maximumf %add3A_362, %mul3A_365 : vector<16xf32>
        %eq3A_367 = arith.cmpi eq, %gather3A_360, %add3A_152 : vector<16xi32>
        %jit3A_368 = arith.constant -1.000000e+09 : f32
        %broadcast_in_dim3A_369 = vector.broadcast %jit3A_368 : f32 to vector<16xf32>
        %select_n3A_370 = arith.select %eq3A_367, %broadcast_in_dim3A_369, %max3A_366 : vector<16xi1>, vector<16xf32>
        %add3A_371 = arith.constant 15 : i32
        %add3A_372 = vector.broadcast %add3A_371 : i32 to vector<16xi32>
        %add3A_373 = arith.addi %mul3A_157, %add3A_372 : vector<16xi32>
        %gather3A_374 = tpu.vector_load_idx %arg7[%add3A_373] : memref<4096xi32, #tpu.memory_space<vmem>>[vector<16xi32>], vector<16xi32>,
        %gather3A_375 = tpu.vector_load_idx %arg9[%gather3A_374] : memref<4096xf32, #tpu.memory_space<vmem>>[vector<16xi32>], vector<16xf32>,
        %add3A_376 = arith.addf %get3A_158, %gather3A_375 : vector<16xf32>
        %mul3A_377 = arith.constant 2.000000e-01 : f32
        %mul3A_378 = vector.broadcast %mul3A_377 : f32 to vector<16xf32>
        %mul3A_379 = arith.mulf %mul3A_378, %add3A_376 : vector<16xf32>
        %max3A_380 = arith.maximumf %add3A_376, %mul3A_379 : vector<16xf32>
        %eq3A_381 = arith.cmpi eq, %gather3A_374, %add3A_152 : vector<16xi32>
        %jit3A_382 = arith.constant -1.000000e+09 : f32
        %broadcast_in_dim3A_383 = vector.broadcast %jit3A_382 : f32 to vector<16xf32>
        %select_n3A_384 = arith.select %eq3A_381, %broadcast_in_dim3A_383, %max3A_380 : vector<16xi1>, vector<16xf32>
        %add3A_385 = arith.constant 16 : i32
        %add3A_386 = vector.broadcast %add3A_385 : i32 to vector<16xi32>
        %add3A_387 = arith.addi %mul3A_157, %add3A_386 : vector<16xi32>
        %gather3A_388 = tpu.vector_load_idx %arg7[%add3A_387] : memref<4096xi32, #tpu.memory_space<vmem>>[vector<16xi32>], vector<16xi32>,
        %gather3A_389 = tpu.vector_load_idx %arg9[%gather3A_388] : memref<4096xf32, #tpu.memory_space<vmem>>[vector<16xi32>], vector<16xf32>,
        %add3A_390 = arith.addf %get3A_158, %gather3A_389 : vector<16xf32>
        %mul3A_391 = arith.constant 2.000000e-01 : f32
        %mul3A_392 = vector.broadcast %mul3A_391 : f32 to vector<16xf32>
        %mul3A_393 = arith.mulf %mul3A_392, %add3A_390 : vector<16xf32>
        %max3A_394 = arith.maximumf %add3A_390, %mul3A_393 : vector<16xf32>
        %eq3A_395 = arith.cmpi eq, %gather3A_388, %add3A_152 : vector<16xi32>
        %jit3A_396 = arith.constant -1.000000e+09 : f32
        %broadcast_in_dim3A_397 = vector.broadcast %jit3A_396 : f32 to vector<16xf32>
        %select_n3A_398 = arith.select %eq3A_395, %broadcast_in_dim3A_397, %max3A_394 : vector<16xi1>, vector<16xf32>
        %add3A_399 = arith.constant 17 : i32
        %add3A_400 = vector.broadcast %add3A_399 : i32 to vector<16xi32>
        %add3A_401 = arith.addi %mul3A_157, %add3A_400 : vector<16xi32>
        %gather3A_402 = tpu.vector_load_idx %arg7[%add3A_401] : memref<4096xi32, #tpu.memory_space<vmem>>[vector<16xi32>], vector<16xi32>,
        %gather3A_403 = tpu.vector_load_idx %arg9[%gather3A_402] : memref<4096xf32, #tpu.memory_space<vmem>>[vector<16xi32>], vector<16xf32>,
        %add3A_404 = arith.addf %get3A_158, %gather3A_403 : vector<16xf32>
        %mul3A_405 = arith.constant 2.000000e-01 : f32
        %mul3A_406 = vector.broadcast %mul3A_405 : f32 to vector<16xf32>
        %mul3A_407 = arith.mulf %mul3A_406, %add3A_404 : vector<16xf32>
        %max3A_408 = arith.maximumf %add3A_404, %mul3A_407 : vector<16xf32>
        %eq3A_409 = arith.cmpi eq, %gather3A_402, %add3A_152 : vector<16xi32>
        %jit3A_410 = arith.constant -1.000000e+09 : f32
        %broadcast_in_dim3A_411 = vector.broadcast %jit3A_410 : f32 to vector<16xf32>
        %select_n3A_412 = arith.select %eq3A_409, %broadcast_in_dim3A_411, %max3A_408 : vector<16xi1>, vector<16xf32>
        %add3A_413 = arith.constant 18 : i32
        %add3A_414 = vector.broadcast %add3A_413 : i32 to vector<16xi32>
        %add3A_415 = arith.addi %mul3A_157, %add3A_414 : vector<16xi32>
        %gather3A_416 = tpu.vector_load_idx %arg7[%add3A_415] : memref<4096xi32, #tpu.memory_space<vmem>>[vector<16xi32>], vector<16xi32>,
        %gather3A_417 = tpu.vector_load_idx %arg9[%gather3A_416] : memref<4096xf32, #tpu.memory_space<vmem>>[vector<16xi32>], vector<16xf32>,
        %add3A_418 = arith.addf %get3A_158, %gather3A_417 : vector<16xf32>
        %mul3A_419 = arith.constant 2.000000e-01 : f32
        %mul3A_420 = vector.broadcast %mul3A_419 : f32 to vector<16xf32>
        %mul3A_421 = arith.mulf %mul3A_420, %add3A_418 : vector<16xf32>
        %max3A_422 = arith.maximumf %add3A_418, %mul3A_421 : vector<16xf32>
        %eq3A_423 = arith.cmpi eq, %gather3A_416, %add3A_152 : vector<16xi32>
        %jit3A_424 = arith.constant -1.000000e+09 : f32
        %broadcast_in_dim3A_425 = vector.broadcast %jit3A_424 : f32 to vector<16xf32>
        %select_n3A_426 = arith.select %eq3A_423, %broadcast_in_dim3A_425, %max3A_422 : vector<16xi1>, vector<16xf32>
        %add3A_427 = arith.constant 19 : i32
        %add3A_428 = vector.broadcast %add3A_427 : i32 to vector<16xi32>
        %add3A_429 = arith.addi %mul3A_157, %add3A_428 : vector<16xi32>
        %gather3A_430 = tpu.vector_load_idx %arg7[%add3A_429] : memref<4096xi32, #tpu.memory_space<vmem>>[vector<16xi32>], vector<16xi32>,
        %gather3A_431 = tpu.vector_load_idx %arg9[%gather3A_430] : memref<4096xf32, #tpu.memory_space<vmem>>[vector<16xi32>], vector<16xf32>,
        %add3A_432 = arith.addf %get3A_158, %gather3A_431 : vector<16xf32>
        %mul3A_433 = arith.constant 2.000000e-01 : f32
        %mul3A_434 = vector.broadcast %mul3A_433 : f32 to vector<16xf32>
        %mul3A_435 = arith.mulf %mul3A_434, %add3A_432 : vector<16xf32>
        %max3A_436 = arith.maximumf %add3A_432, %mul3A_435 : vector<16xf32>
        %eq3A_437 = arith.cmpi eq, %gather3A_430, %add3A_152 : vector<16xi32>
        %jit3A_438 = arith.constant -1.000000e+09 : f32
        %broadcast_in_dim3A_439 = vector.broadcast %jit3A_438 : f32 to vector<16xf32>
        %select_n3A_440 = arith.select %eq3A_437, %broadcast_in_dim3A_439, %max3A_436 : vector<16xi1>, vector<16xf32>
        %max3A_441 = arith.maximumf %max3A, %select_n3A : vector<16xf32>
        %max3A_442 = arith.maximumf %max3A_441, %select_n3A_188 : vector<16xf32>
        %max3A_443 = arith.maximumf %max3A_442, %select_n3A_202 : vector<16xf32>
        %max3A_444 = arith.maximumf %max3A_443, %select_n3A_216 : vector<16xf32>
        %max3A_445 = arith.maximumf %max3A_444, %select_n3A_230 : vector<16xf32>
        %max3A_446 = arith.maximumf %max3A_445, %select_n3A_244 : vector<16xf32>
        %max3A_447 = arith.maximumf %max3A_446, %select_n3A_258 : vector<16xf32>
        %max3A_448 = arith.maximumf %max3A_447, %select_n3A_272 : vector<16xf32>
        %max3A_449 = arith.maximumf %max3A_448, %select_n3A_286 : vector<16xf32>
        %max3A_450 = arith.maximumf %max3A_449, %select_n3A_300 : vector<16xf32>
        %max3A_451 = arith.maximumf %max3A_450, %select_n3A_314 : vector<16xf32>
        %max3A_452 = arith.maximumf %max3A_451, %select_n3A_328 : vector<16xf32>
        %max3A_453 = arith.maximumf %max3A_452, %select_n3A_342 : vector<16xf32>
        %max3A_454 = arith.maximumf %max3A_453, %select_n3A_356 : vector<16xf32>
        %max3A_455 = arith.maximumf %max3A_454, %select_n3A_370 : vector<16xf32>
        %max3A_456 = arith.maximumf %max3A_455, %select_n3A_384 : vector<16xf32>
        %max3A_457 = arith.maximumf %max3A_456, %select_n3A_398 : vector<16xf32>
        %max3A_458 = arith.maximumf %max3A_457, %select_n3A_412 : vector<16xf32>
        %max3A_459 = arith.maximumf %max3A_458, %select_n3A_426 : vector<16xf32>
        %max3A_460 = arith.maximumf %max3A_459, %select_n3A_440 : vector<16xf32>
        %sub3A = arith.subf %max3A, %max3A_460 : vector<16xf32>
        %exp3A = math.exp %sub3A : vector<16xf32>
        %sub3A_461 = arith.subf %select_n3A, %max3A_460 : vector<16xf32>
        %exp3A_462 = math.exp %sub3A_461 : vector<16xf32>
        %add3A_463 = arith.addf %exp3A, %exp3A_462 : vector<16xf32>
        %sub3A_464 = arith.subf %select_n3A_188, %max3A_460 : vector<16xf32>
        %exp3A_465 = math.exp %sub3A_464 : vector<16xf32>
        %add3A_466 = arith.addf %add3A_463, %exp3A_465 : vector<16xf32>
        %sub3A_467 = arith.subf %select_n3A_202, %max3A_460 : vector<16xf32>
        %exp3A_468 = math.exp %sub3A_467 : vector<16xf32>
        %add3A_469 = arith.addf %add3A_466, %exp3A_468 : vector<16xf32>
        %sub3A_470 = arith.subf %select_n3A_216, %max3A_460 : vector<16xf32>
        %exp3A_471 = math.exp %sub3A_470 : vector<16xf32>
        %add3A_472 = arith.addf %add3A_469, %exp3A_471 : vector<16xf32>
        %sub3A_473 = arith.subf %select_n3A_230, %max3A_460 : vector<16xf32>
        %exp3A_474 = math.exp %sub3A_473 : vector<16xf32>
        %add3A_475 = arith.addf %add3A_472, %exp3A_474 : vector<16xf32>
        %sub3A_476 = arith.subf %select_n3A_244, %max3A_460 : vector<16xf32>
        %exp3A_477 = math.exp %sub3A_476 : vector<16xf32>
        %add3A_478 = arith.addf %add3A_475, %exp3A_477 : vector<16xf32>
        %sub3A_479 = arith.subf %select_n3A_258, %max3A_460 : vector<16xf32>
        %exp3A_480 = math.exp %sub3A_479 : vector<16xf32>
        %add3A_481 = arith.addf %add3A_478, %exp3A_480 : vector<16xf32>
        %sub3A_482 = arith.subf %select_n3A_272, %max3A_460 : vector<16xf32>
        %exp3A_483 = math.exp %sub3A_482 : vector<16xf32>
        %add3A_484 = arith.addf %add3A_481, %exp3A_483 : vector<16xf32>
        %sub3A_485 = arith.subf %select_n3A_286, %max3A_460 : vector<16xf32>
        %exp3A_486 = math.exp %sub3A_485 : vector<16xf32>
        %add3A_487 = arith.addf %add3A_484, %exp3A_486 : vector<16xf32>
        %sub3A_488 = arith.subf %select_n3A_300, %max3A_460 : vector<16xf32>
        %exp3A_489 = math.exp %sub3A_488 : vector<16xf32>
        %add3A_490 = arith.addf %add3A_487, %exp3A_489 : vector<16xf32>
        %sub3A_491 = arith.subf %select_n3A_314, %max3A_460 : vector<16xf32>
        %exp3A_492 = math.exp %sub3A_491 : vector<16xf32>
        %add3A_493 = arith.addf %add3A_490, %exp3A_492 : vector<16xf32>
        %sub3A_494 = arith.subf %select_n3A_328, %max3A_460 : vector<16xf32>
        %exp3A_495 = math.exp %sub3A_494 : vector<16xf32>
        %add3A_496 = arith.addf %add3A_493, %exp3A_495 : vector<16xf32>
        %sub3A_497 = arith.subf %select_n3A_342, %max3A_460 : vector<16xf32>
        %exp3A_498 = math.exp %sub3A_497 : vector<16xf32>
        %add3A_499 = arith.addf %add3A_496, %exp3A_498 : vector<16xf32>
        %sub3A_500 = arith.subf %select_n3A_356, %max3A_460 : vector<16xf32>
        %exp3A_501 = math.exp %sub3A_500 : vector<16xf32>
        %add3A_502 = arith.addf %add3A_499, %exp3A_501 : vector<16xf32>
        %sub3A_503 = arith.subf %select_n3A_370, %max3A_460 : vector<16xf32>
        %exp3A_504 = math.exp %sub3A_503 : vector<16xf32>
        %add3A_505 = arith.addf %add3A_502, %exp3A_504 : vector<16xf32>
        %sub3A_506 = arith.subf %select_n3A_384, %max3A_460 : vector<16xf32>
        %exp3A_507 = math.exp %sub3A_506 : vector<16xf32>
        %add3A_508 = arith.addf %add3A_505, %exp3A_507 : vector<16xf32>
        %sub3A_509 = arith.subf %select_n3A_398, %max3A_460 : vector<16xf32>
        %exp3A_510 = math.exp %sub3A_509 : vector<16xf32>
        %add3A_511 = arith.addf %add3A_508, %exp3A_510 : vector<16xf32>
        %sub3A_512 = arith.subf %select_n3A_412, %max3A_460 : vector<16xf32>
        %exp3A_513 = math.exp %sub3A_512 : vector<16xf32>
        %add3A_514 = arith.addf %add3A_511, %exp3A_513 : vector<16xf32>
        %sub3A_515 = arith.subf %select_n3A_426, %max3A_460 : vector<16xf32>
        %exp3A_516 = math.exp %sub3A_515 : vector<16xf32>
        %add3A_517 = arith.addf %add3A_514, %exp3A_516 : vector<16xf32>
        %sub3A_518 = arith.subf %select_n3A_440, %max3A_460 : vector<16xf32>
        %exp3A_519 = math.exp %sub3A_518 : vector<16xf32>
        %add3A_520 = arith.addf %add3A_517, %exp3A_519 : vector<16xf32>
        %add3A_521 = arith.constant 1.000000e-16 : f32
        %add3A_522 = vector.broadcast %add3A_521 : f32 to vector<16xf32>
        %add3A_523 = arith.addf %add3A_520, %add3A_522 : vector<16xf32>
        %broadcast_in_dim3A_524 = arith.constant 0 : i32
        %broadcast_in_dim3A_525 = vector.broadcast %broadcast_in_dim3A_524 : i32 to vector<16xi32>
        %add3A_526 = arith.constant 0 : i32
        %add3A_527 = vector.broadcast %add3A_526 : i32 to vector<16xi32>
        %add3A_528 = arith.addi %broadcast_in_dim3A_525, %add3A_527 : vector<16xi32>
        %div3A = arith.divf %exp3A_462, %add3A_523 : vector<16xf32>
        tpu.vector_store_idx %arg12[%iota3A, %add3A_528], %div3A : memref<16x32xf32, #tpu.memory_space<vmem>>[vector<16xi32>, vector<16xi32>], vector<16xf32>,
        %broadcast_in_dim3A_529 = arith.constant 0 : i32
        %broadcast_in_dim3A_530 = vector.broadcast %broadcast_in_dim3A_529 : i32 to vector<16xi32>
        %add3A_531 = arith.constant 1 : i32
        %add3A_532 = vector.broadcast %add3A_531 : i32 to vector<16xi32>
        %add3A_533 = arith.addi %broadcast_in_dim3A_530, %add3A_532 : vector<16xi32>
        %div3A_534 = arith.divf %exp3A_465, %add3A_523 : vector<16xf32>
        tpu.vector_store_idx %arg12[%iota3A, %add3A_533], %div3A_534 : memref<16x32xf32, #tpu.memory_space<vmem>>[vector<16xi32>, vector<16xi32>], vector<16xf32>,
        %broadcast_in_dim3A_535 = arith.constant 0 : i32
        %broadcast_in_dim3A_536 = vector.broadcast %broadcast_in_dim3A_535 : i32 to vector<16xi32>
        %add3A_537 = arith.constant 2 : i32
        %add3A_538 = vector.broadcast %add3A_537 : i32 to vector<16xi32>
        %add3A_539 = arith.addi %broadcast_in_dim3A_536, %add3A_538 : vector<16xi32>
        %div3A_540 = arith.divf %exp3A_468, %add3A_523 : vector<16xf32>
        tpu.vector_store_idx %arg12[%iota3A, %add3A_539], %div3A_540 : memref<16x32xf32, #tpu.memory_space<vmem>>[vector<16xi32>, vector<16xi32>], vector<16xf32>,
        %broadcast_in_dim3A_541 = arith.constant 0 : i32
        %broadcast_in_dim3A_542 = vector.broadcast %broadcast_in_dim3A_541 : i32 to vector<16xi32>
        %add3A_543 = arith.constant 3 : i32
        %add3A_544 = vector.broadcast %add3A_543 : i32 to vector<16xi32>
        %add3A_545 = arith.addi %broadcast_in_dim3A_542, %add3A_544 : vector<16xi32>
        %div3A_546 = arith.divf %exp3A_471, %add3A_523 : vector<16xf32>
        tpu.vector_store_idx %arg12[%iota3A, %add3A_545], %div3A_546 : memref<16x32xf32, #tpu.memory_space<vmem>>[vector<16xi32>, vector<16xi32>], vector<16xf32>,
        %broadcast_in_dim3A_547 = arith.constant 0 : i32
        %broadcast_in_dim3A_548 = vector.broadcast %broadcast_in_dim3A_547 : i32 to vector<16xi32>
        %add3A_549 = arith.constant 4 : i32
        %add3A_550 = vector.broadcast %add3A_549 : i32 to vector<16xi32>
        %add3A_551 = arith.addi %broadcast_in_dim3A_548, %add3A_550 : vector<16xi32>
        %div3A_552 = arith.divf %exp3A_474, %add3A_523 : vector<16xf32>
        tpu.vector_store_idx %arg12[%iota3A, %add3A_551], %div3A_552 : memref<16x32xf32, #tpu.memory_space<vmem>>[vector<16xi32>, vector<16xi32>], vector<16xf32>,
        %broadcast_in_dim3A_553 = arith.constant 0 : i32
        %broadcast_in_dim3A_554 = vector.broadcast %broadcast_in_dim3A_553 : i32 to vector<16xi32>
        %add3A_555 = arith.constant 5 : i32
        %add3A_556 = vector.broadcast %add3A_555 : i32 to vector<16xi32>
        %add3A_557 = arith.addi %broadcast_in_dim3A_554, %add3A_556 : vector<16xi32>
        %div3A_558 = arith.divf %exp3A_477, %add3A_523 : vector<16xf32>
        tpu.vector_store_idx %arg12[%iota3A, %add3A_557], %div3A_558 : memref<16x32xf32, #tpu.memory_space<vmem>>[vector<16xi32>, vector<16xi32>], vector<16xf32>,
        %broadcast_in_dim3A_559 = arith.constant 0 : i32
        %broadcast_in_dim3A_560 = vector.broadcast %broadcast_in_dim3A_559 : i32 to vector<16xi32>
        %add3A_561 = arith.constant 6 : i32
        %add3A_562 = vector.broadcast %add3A_561 : i32 to vector<16xi32>
        %add3A_563 = arith.addi %broadcast_in_dim3A_560, %add3A_562 : vector<16xi32>
        %div3A_564 = arith.divf %exp3A_480, %add3A_523 : vector<16xf32>
        tpu.vector_store_idx %arg12[%iota3A, %add3A_563], %div3A_564 : memref<16x32xf32, #tpu.memory_space<vmem>>[vector<16xi32>, vector<16xi32>], vector<16xf32>,
        %broadcast_in_dim3A_565 = arith.constant 0 : i32
        %broadcast_in_dim3A_566 = vector.broadcast %broadcast_in_dim3A_565 : i32 to vector<16xi32>
        %add3A_567 = arith.constant 7 : i32
        %add3A_568 = vector.broadcast %add3A_567 : i32 to vector<16xi32>
        %add3A_569 = arith.addi %broadcast_in_dim3A_566, %add3A_568 : vector<16xi32>
        %div3A_570 = arith.divf %exp3A_483, %add3A_523 : vector<16xf32>
        tpu.vector_store_idx %arg12[%iota3A, %add3A_569], %div3A_570 : memref<16x32xf32, #tpu.memory_space<vmem>>[vector<16xi32>, vector<16xi32>], vector<16xf32>,
        %broadcast_in_dim3A_571 = arith.constant 0 : i32
        %broadcast_in_dim3A_572 = vector.broadcast %broadcast_in_dim3A_571 : i32 to vector<16xi32>
        %add3A_573 = arith.constant 8 : i32
        %add3A_574 = vector.broadcast %add3A_573 : i32 to vector<16xi32>
        %add3A_575 = arith.addi %broadcast_in_dim3A_572, %add3A_574 : vector<16xi32>
        %div3A_576 = arith.divf %exp3A_486, %add3A_523 : vector<16xf32>
        tpu.vector_store_idx %arg12[%iota3A, %add3A_575], %div3A_576 : memref<16x32xf32, #tpu.memory_space<vmem>>[vector<16xi32>, vector<16xi32>], vector<16xf32>,
        %broadcast_in_dim3A_577 = arith.constant 0 : i32
        %broadcast_in_dim3A_578 = vector.broadcast %broadcast_in_dim3A_577 : i32 to vector<16xi32>
        %add3A_579 = arith.constant 9 : i32
        %add3A_580 = vector.broadcast %add3A_579 : i32 to vector<16xi32>
        %add3A_581 = arith.addi %broadcast_in_dim3A_578, %add3A_580 : vector<16xi32>
        %div3A_582 = arith.divf %exp3A_489, %add3A_523 : vector<16xf32>
        tpu.vector_store_idx %arg12[%iota3A, %add3A_581], %div3A_582 : memref<16x32xf32, #tpu.memory_space<vmem>>[vector<16xi32>, vector<16xi32>], vector<16xf32>,
        %broadcast_in_dim3A_583 = arith.constant 0 : i32
        %broadcast_in_dim3A_584 = vector.broadcast %broadcast_in_dim3A_583 : i32 to vector<16xi32>
        %add3A_585 = arith.constant 10 : i32
        %add3A_586 = vector.broadcast %add3A_585 : i32 to vector<16xi32>
        %add3A_587 = arith.addi %broadcast_in_dim3A_584, %add3A_586 : vector<16xi32>
        %div3A_588 = arith.divf %exp3A_492, %add3A_523 : vector<16xf32>
        tpu.vector_store_idx %arg12[%iota3A, %add3A_587], %div3A_588 : memref<16x32xf32, #tpu.memory_space<vmem>>[vector<16xi32>, vector<16xi32>], vector<16xf32>,
        %broadcast_in_dim3A_589 = arith.constant 0 : i32
        %broadcast_in_dim3A_590 = vector.broadcast %broadcast_in_dim3A_589 : i32 to vector<16xi32>
        %add3A_591 = arith.constant 11 : i32
        %add3A_592 = vector.broadcast %add3A_591 : i32 to vector<16xi32>
        %add3A_593 = arith.addi %broadcast_in_dim3A_590, %add3A_592 : vector<16xi32>
        %div3A_594 = arith.divf %exp3A_495, %add3A_523 : vector<16xf32>
        tpu.vector_store_idx %arg12[%iota3A, %add3A_593], %div3A_594 : memref<16x32xf32, #tpu.memory_space<vmem>>[vector<16xi32>, vector<16xi32>], vector<16xf32>,
        %broadcast_in_dim3A_595 = arith.constant 0 : i32
        %broadcast_in_dim3A_596 = vector.broadcast %broadcast_in_dim3A_595 : i32 to vector<16xi32>
        %add3A_597 = arith.constant 12 : i32
        %add3A_598 = vector.broadcast %add3A_597 : i32 to vector<16xi32>
        %add3A_599 = arith.addi %broadcast_in_dim3A_596, %add3A_598 : vector<16xi32>
        %div3A_600 = arith.divf %exp3A_498, %add3A_523 : vector<16xf32>
        tpu.vector_store_idx %arg12[%iota3A, %add3A_599], %div3A_600 : memref<16x32xf32, #tpu.memory_space<vmem>>[vector<16xi32>, vector<16xi32>], vector<16xf32>,
        %broadcast_in_dim3A_601 = arith.constant 0 : i32
        %broadcast_in_dim3A_602 = vector.broadcast %broadcast_in_dim3A_601 : i32 to vector<16xi32>
        %add3A_603 = arith.constant 13 : i32
        %add3A_604 = vector.broadcast %add3A_603 : i32 to vector<16xi32>
        %add3A_605 = arith.addi %broadcast_in_dim3A_602, %add3A_604 : vector<16xi32>
        %div3A_606 = arith.divf %exp3A_501, %add3A_523 : vector<16xf32>
        tpu.vector_store_idx %arg12[%iota3A, %add3A_605], %div3A_606 : memref<16x32xf32, #tpu.memory_space<vmem>>[vector<16xi32>, vector<16xi32>], vector<16xf32>,
        %broadcast_in_dim3A_607 = arith.constant 0 : i32
        %broadcast_in_dim3A_608 = vector.broadcast %broadcast_in_dim3A_607 : i32 to vector<16xi32>
        %add3A_609 = arith.constant 14 : i32
        %add3A_610 = vector.broadcast %add3A_609 : i32 to vector<16xi32>
        %add3A_611 = arith.addi %broadcast_in_dim3A_608, %add3A_610 : vector<16xi32>
        %div3A_612 = arith.divf %exp3A_504, %add3A_523 : vector<16xf32>
        tpu.vector_store_idx %arg12[%iota3A, %add3A_611], %div3A_612 : memref<16x32xf32, #tpu.memory_space<vmem>>[vector<16xi32>, vector<16xi32>], vector<16xf32>,
        %broadcast_in_dim3A_613 = arith.constant 0 : i32
        %broadcast_in_dim3A_614 = vector.broadcast %broadcast_in_dim3A_613 : i32 to vector<16xi32>
        %add3A_615 = arith.constant 15 : i32
        %add3A_616 = vector.broadcast %add3A_615 : i32 to vector<16xi32>
        %add3A_617 = arith.addi %broadcast_in_dim3A_614, %add3A_616 : vector<16xi32>
        %div3A_618 = arith.divf %exp3A_507, %add3A_523 : vector<16xf32>
        tpu.vector_store_idx %arg12[%iota3A, %add3A_617], %div3A_618 : memref<16x32xf32, #tpu.memory_space<vmem>>[vector<16xi32>, vector<16xi32>], vector<16xf32>,
        %broadcast_in_dim3A_619 = arith.constant 0 : i32
        %broadcast_in_dim3A_620 = vector.broadcast %broadcast_in_dim3A_619 : i32 to vector<16xi32>
        %add3A_621 = arith.constant 16 : i32
        %add3A_622 = vector.broadcast %add3A_621 : i32 to vector<16xi32>
        %add3A_623 = arith.addi %broadcast_in_dim3A_620, %add3A_622 : vector<16xi32>
        %div3A_624 = arith.divf %exp3A_510, %add3A_523 : vector<16xf32>
        tpu.vector_store_idx %arg12[%iota3A, %add3A_623], %div3A_624 : memref<16x32xf32, #tpu.memory_space<vmem>>[vector<16xi32>, vector<16xi32>], vector<16xf32>,
        %broadcast_in_dim3A_625 = arith.constant 0 : i32
        %broadcast_in_dim3A_626 = vector.broadcast %broadcast_in_dim3A_625 : i32 to vector<16xi32>
        %add3A_627 = arith.constant 17 : i32
        %add3A_628 = vector.broadcast %add3A_627 : i32 to vector<16xi32>
        %add3A_629 = arith.addi %broadcast_in_dim3A_626, %add3A_628 : vector<16xi32>
        %div3A_630 = arith.divf %exp3A_513, %add3A_523 : vector<16xf32>
        tpu.vector_store_idx %arg12[%iota3A, %add3A_629], %div3A_630 : memref<16x32xf32, #tpu.memory_space<vmem>>[vector<16xi32>, vector<16xi32>], vector<16xf32>,
        %broadcast_in_dim3A_631 = arith.constant 0 : i32
        %broadcast_in_dim3A_632 = vector.broadcast %broadcast_in_dim3A_631 : i32 to vector<16xi32>
        %add3A_633 = arith.constant 18 : i32
        %add3A_634 = vector.broadcast %add3A_633 : i32 to vector<16xi32>
        %add3A_635 = arith.addi %broadcast_in_dim3A_632, %add3A_634 : vector<16xi32>
        %div3A_636 = arith.divf %exp3A_516, %add3A_523 : vector<16xf32>
        tpu.vector_store_idx %arg12[%iota3A, %add3A_635], %div3A_636 : memref<16x32xf32, #tpu.memory_space<vmem>>[vector<16xi32>, vector<16xi32>], vector<16xf32>,
        %broadcast_in_dim3A_637 = arith.constant 0 : i32
        %broadcast_in_dim3A_638 = vector.broadcast %broadcast_in_dim3A_637 : i32 to vector<16xi32>
        %add3A_639 = arith.constant 19 : i32
        %add3A_640 = vector.broadcast %add3A_639 : i32 to vector<16xi32>
        %add3A_641 = arith.addi %broadcast_in_dim3A_638, %add3A_640 : vector<16xi32>
        %div3A_642 = arith.divf %exp3A_519, %add3A_523 : vector<16xf32>
        tpu.vector_store_idx %arg12[%iota3A, %add3A_641], %div3A_642 : memref<16x32xf32, #tpu.memory_space<vmem>>[vector<16xi32>, vector<16xi32>], vector<16xf32>,
        %broadcast_in_dim3A_643 = arith.constant 0 : i32
        %broadcast_in_dim3A_644 = vector.broadcast %broadcast_in_dim3A_643 : i32 to vector<16xi32>
        %add3A_645 = arith.constant 20 : i32
        %add3A_646 = vector.broadcast %add3A_645 : i32 to vector<16xi32>
        %add3A_647 = arith.addi %broadcast_in_dim3A_644, %add3A_646 : vector<16xi32>
        %div3A_648 = arith.divf %exp3A, %add3A_523 : vector<16xf32>
        tpu.vector_store_idx %arg12[%iota3A, %add3A_647], %div3A_648 : memref<16x32xf32, #tpu.memory_space<vmem>>[vector<16xi32>, vector<16xi32>], vector<16xf32>,
        %scan3A_649 = arith.constant 0 : i32
        %scan3A_650 = arith.constant 0 : i32
        %scan3A_651 = arith.constant 16 : i32
        %scan3A_652 = arith.addi %scan3A_650, %scan3A_651 : i32
        %scan3A_653 = arith.constant 1 : i32
        scf.for %scan3A_671 = %scan3A_650 to %scan3A_652 step %scan3A_653  : i32 {
          %mul3A_672 = arith.constant 24 : i32
          %mul3A_673 = arith.muli %scan3A_671, %mul3A_672 : i32
          %get3A_674 = arith.index_cast %scan3A_671 : i32 to index
          %get3A_675 = arith.constant 0 : index
          %get3A_676 = tpu.vector_load %arg12[%get3A_674, %get3A_675] {strides = array<i32>} : memref<16x32xf32, #tpu.memory_space<vmem>>, vector<16xf32>,
          %get3A_677 = arith.index_cast %scan3A_671 : i32 to index
          %get3A_678 = arith.constant 16 : index
          %get3A_679 = tpu.vector_load %arg12[%get3A_677, %get3A_678] {strides = array<i32>} : memref<16x32xf32, #tpu.memory_space<vmem>>, vector<16xf32>,
          %slice3A = vector.extract_strided_slice %get3A_676 {offsets = [0], sizes = [1], strides = [1]} : vector<16xf32> to vector<1xf32>
          %squeeze3A = vector.extract %slice3A[0] : f32 from vector<1xf32>
          %get3A_680 = arith.index_cast %rem3A_101 : i32 to index
          %get3A_681 = arith.index_cast %mul3A_673 : i32 to index
          %get3A_682 = arith.constant 0 : index
          %get3A_683 = tpu.vector_load %arg11[%get3A_680, %get3A_681, %get3A_682] {strides = array<i32>} : memref<2x384x64xf32, #tpu.memory_space<vmem>>, vector<16xf32>,
          %mul3A_684 = vector.broadcast %squeeze3A : f32 to vector<16xf32>
          %mul3A_685 = arith.mulf %mul3A_684, %get3A_683 : vector<16xf32>
          %get3A_686 = arith.index_cast %rem3A_101 : i32 to index
          %get3A_687 = arith.index_cast %mul3A_673 : i32 to index
          %get3A_688 = arith.constant 16 : index
          %get3A_689 = tpu.vector_load %arg11[%get3A_686, %get3A_687, %get3A_688] {strides = array<i32>} : memref<2x384x64xf32, #tpu.memory_space<vmem>>, vector<16xf32>,
          %mul3A_690 = vector.broadcast %squeeze3A : f32 to vector<16xf32>
          %mul3A_691 = arith.mulf %mul3A_690, %get3A_689 : vector<16xf32>
          %get3A_692 = arith.index_cast %rem3A_101 : i32 to index
          %get3A_693 = arith.index_cast %mul3A_673 : i32 to index
          %get3A_694 = arith.constant 32 : index
          %get3A_695 = tpu.vector_load %arg11[%get3A_692, %get3A_693, %get3A_694] {strides = array<i32>} : memref<2x384x64xf32, #tpu.memory_space<vmem>>, vector<16xf32>,
          %mul3A_696 = vector.broadcast %squeeze3A : f32 to vector<16xf32>
          %mul3A_697 = arith.mulf %mul3A_696, %get3A_695 : vector<16xf32>
          %get3A_698 = arith.index_cast %rem3A_101 : i32 to index
          %get3A_699 = arith.index_cast %mul3A_673 : i32 to index
          %get3A_700 = arith.constant 48 : index
          %get3A_701 = tpu.vector_load %arg11[%get3A_698, %get3A_699, %get3A_700] {strides = array<i32>} : memref<2x384x64xf32, #tpu.memory_space<vmem>>, vector<16xf32>,
          %mul3A_702 = vector.broadcast %squeeze3A : f32 to vector<16xf32>
          %mul3A_703 = arith.mulf %mul3A_702, %get3A_701 : vector<16xf32>
          %slice3A_704 = vector.extract_strided_slice %get3A_676 {offsets = [1], sizes = [1], strides = [1]} : vector<16xf32> to vector<1xf32>
          %squeeze3A_705 = vector.extract %slice3A_704[0] : f32 from vector<1xf32>
          %add3A_706 = arith.constant 1 : i32
          %add3A_707 = arith.addi %mul3A_673, %add3A_706 : i32
          %get3A_708 = arith.index_cast %rem3A_101 : i32 to index
          %get3A_709 = arith.index_cast %add3A_707 : i32 to index
          %get3A_710 = arith.constant 0 : index
          %get3A_711 = tpu.vector_load %arg11[%get3A_708, %get3A_709, %get3A_710] {strides = array<i32>} : memref<2x384x64xf32, #tpu.memory_space<vmem>>, vector<16xf32>,
          %mul3A_712 = vector.broadcast %squeeze3A_705 : f32 to vector<16xf32>
          %mul3A_713 = arith.mulf %mul3A_712, %get3A_711 : vector<16xf32>
          %add3A_714 = arith.addf %mul3A_685, %mul3A_713 : vector<16xf32>
          %add3A_715 = arith.constant 1 : i32
          %add3A_716 = arith.addi %mul3A_673, %add3A_715 : i32
          %get3A_717 = arith.index_cast %rem3A_101 : i32 to index
          %get3A_718 = arith.index_cast %add3A_716 : i32 to index
          %get3A_719 = arith.constant 16 : index
          %get3A_720 = tpu.vector_load %arg11[%get3A_717, %get3A_718, %get3A_719] {strides = array<i32>} : memref<2x384x64xf32, #tpu.memory_space<vmem>>, vector<16xf32>,
          %mul3A_721 = vector.broadcast %squeeze3A_705 : f32 to vector<16xf32>
          %mul3A_722 = arith.mulf %mul3A_721, %get3A_720 : vector<16xf32>
          %add3A_723 = arith.addf %mul3A_691, %mul3A_722 : vector<16xf32>
          %add3A_724 = arith.constant 1 : i32
          %add3A_725 = arith.addi %mul3A_673, %add3A_724 : i32
          %get3A_726 = arith.index_cast %rem3A_101 : i32 to index
          %get3A_727 = arith.index_cast %add3A_725 : i32 to index
          %get3A_728 = arith.constant 32 : index
          %get3A_729 = tpu.vector_load %arg11[%get3A_726, %get3A_727, %get3A_728] {strides = array<i32>} : memref<2x384x64xf32, #tpu.memory_space<vmem>>, vector<16xf32>,
          %mul3A_730 = vector.broadcast %squeeze3A_705 : f32 to vector<16xf32>
          %mul3A_731 = arith.mulf %mul3A_730, %get3A_729 : vector<16xf32>
          %add3A_732 = arith.addf %mul3A_697, %mul3A_731 : vector<16xf32>
          %add3A_733 = arith.constant 1 : i32
          %add3A_734 = arith.addi %mul3A_673, %add3A_733 : i32
          %get3A_735 = arith.index_cast %rem3A_101 : i32 to index
          %get3A_736 = arith.index_cast %add3A_734 : i32 to index
          %get3A_737 = arith.constant 48 : index
          %get3A_738 = tpu.vector_load %arg11[%get3A_735, %get3A_736, %get3A_737] {strides = array<i32>} : memref<2x384x64xf32, #tpu.memory_space<vmem>>, vector<16xf32>,
          %mul3A_739 = vector.broadcast %squeeze3A_705 : f32 to vector<16xf32>
          %mul3A_740 = arith.mulf %mul3A_739, %get3A_738 : vector<16xf32>
          %add3A_741 = arith.addf %mul3A_703, %mul3A_740 : vector<16xf32>
          %slice3A_742 = vector.extract_strided_slice %get3A_676 {offsets = [2], sizes = [1], strides = [1]} : vector<16xf32> to vector<1xf32>
          %squeeze3A_743 = vector.extract %slice3A_742[0] : f32 from vector<1xf32>
          %add3A_744 = arith.constant 2 : i32
          %add3A_745 = arith.addi %mul3A_673, %add3A_744 : i32
          %get3A_746 = arith.index_cast %rem3A_101 : i32 to index
          %get3A_747 = arith.index_cast %add3A_745 : i32 to index
          %get3A_748 = arith.constant 0 : index
          %get3A_749 = tpu.vector_load %arg11[%get3A_746, %get3A_747, %get3A_748] {strides = array<i32>} : memref<2x384x64xf32, #tpu.memory_space<vmem>>, vector<16xf32>,
          %mul3A_750 = vector.broadcast %squeeze3A_743 : f32 to vector<16xf32>
          %mul3A_751 = arith.mulf %mul3A_750, %get3A_749 : vector<16xf32>
          %add3A_752 = arith.addf %add3A_714, %mul3A_751 : vector<16xf32>
          %add3A_753 = arith.constant 2 : i32
          %add3A_754 = arith.addi %mul3A_673, %add3A_753 : i32
          %get3A_755 = arith.index_cast %rem3A_101 : i32 to index
          %get3A_756 = arith.index_cast %add3A_754 : i32 to index
          %get3A_757 = arith.constant 16 : index
          %get3A_758 = tpu.vector_load %arg11[%get3A_755, %get3A_756, %get3A_757] {strides = array<i32>} : memref<2x384x64xf32, #tpu.memory_space<vmem>>, vector<16xf32>,
          %mul3A_759 = vector.broadcast %squeeze3A_743 : f32 to vector<16xf32>
          %mul3A_760 = arith.mulf %mul3A_759, %get3A_758 : vector<16xf32>
          %add3A_761 = arith.addf %add3A_723, %mul3A_760 : vector<16xf32>
          %add3A_762 = arith.constant 2 : i32
          %add3A_763 = arith.addi %mul3A_673, %add3A_762 : i32
          %get3A_764 = arith.index_cast %rem3A_101 : i32 to index
          %get3A_765 = arith.index_cast %add3A_763 : i32 to index
          %get3A_766 = arith.constant 32 : index
          %get3A_767 = tpu.vector_load %arg11[%get3A_764, %get3A_765, %get3A_766] {strides = array<i32>} : memref<2x384x64xf32, #tpu.memory_space<vmem>>, vector<16xf32>,
          %mul3A_768 = vector.broadcast %squeeze3A_743 : f32 to vector<16xf32>
          %mul3A_769 = arith.mulf %mul3A_768, %get3A_767 : vector<16xf32>
          %add3A_770 = arith.addf %add3A_732, %mul3A_769 : vector<16xf32>
          %add3A_771 = arith.constant 2 : i32
          %add3A_772 = arith.addi %mul3A_673, %add3A_771 : i32
          %get3A_773 = arith.index_cast %rem3A_101 : i32 to index
          %get3A_774 = arith.index_cast %add3A_772 : i32 to index
          %get3A_775 = arith.constant 48 : index
          %get3A_776 = tpu.vector_load %arg11[%get3A_773, %get3A_774, %get3A_775] {strides = array<i32>} : memref<2x384x64xf32, #tpu.memory_space<vmem>>, vector<16xf32>,
          %mul3A_777 = vector.broadcast %squeeze3A_743 : f32 to vector<16xf32>
          %mul3A_778 = arith.mulf %mul3A_777, %get3A_776 : vector<16xf32>
          %add3A_779 = arith.addf %add3A_741, %mul3A_778 : vector<16xf32>
          %slice3A_780 = vector.extract_strided_slice %get3A_676 {offsets = [3], sizes = [1], strides = [1]} : vector<16xf32> to vector<1xf32>
          %squeeze3A_781 = vector.extract %slice3A_780[0] : f32 from vector<1xf32>
          %add3A_782 = arith.constant 3 : i32
          %add3A_783 = arith.addi %mul3A_673, %add3A_782 : i32
          %get3A_784 = arith.index_cast %rem3A_101 : i32 to index
          %get3A_785 = arith.index_cast %add3A_783 : i32 to index
          %get3A_786 = arith.constant 0 : index
          %get3A_787 = tpu.vector_load %arg11[%get3A_784, %get3A_785, %get3A_786] {strides = array<i32>} : memref<2x384x64xf32, #tpu.memory_space<vmem>>, vector<16xf32>,
          %mul3A_788 = vector.broadcast %squeeze3A_781 : f32 to vector<16xf32>
          %mul3A_789 = arith.mulf %mul3A_788, %get3A_787 : vector<16xf32>
          %add3A_790 = arith.addf %add3A_752, %mul3A_789 : vector<16xf32>
          %add3A_791 = arith.constant 3 : i32
          %add3A_792 = arith.addi %mul3A_673, %add3A_791 : i32
          %get3A_793 = arith.index_cast %rem3A_101 : i32 to index
          %get3A_794 = arith.index_cast %add3A_792 : i32 to index
          %get3A_795 = arith.constant 16 : index
          %get3A_796 = tpu.vector_load %arg11[%get3A_793, %get3A_794, %get3A_795] {strides = array<i32>} : memref<2x384x64xf32, #tpu.memory_space<vmem>>, vector<16xf32>,
          %mul3A_797 = vector.broadcast %squeeze3A_781 : f32 to vector<16xf32>
          %mul3A_798 = arith.mulf %mul3A_797, %get3A_796 : vector<16xf32>
          %add3A_799 = arith.addf %add3A_761, %mul3A_798 : vector<16xf32>
          %add3A_800 = arith.constant 3 : i32
          %add3A_801 = arith.addi %mul3A_673, %add3A_800 : i32
          %get3A_802 = arith.index_cast %rem3A_101 : i32 to index
          %get3A_803 = arith.index_cast %add3A_801 : i32 to index
          %get3A_804 = arith.constant 32 : index
          %get3A_805 = tpu.vector_load %arg11[%get3A_802, %get3A_803, %get3A_804] {strides = array<i32>} : memref<2x384x64xf32, #tpu.memory_space<vmem>>, vector<16xf32>,
          %mul3A_806 = vector.broadcast %squeeze3A_781 : f32 to vector<16xf32>
          %mul3A_807 = arith.mulf %mul3A_806, %get3A_805 : vector<16xf32>
          %add3A_808 = arith.addf %add3A_770, %mul3A_807 : vector<16xf32>
          %add3A_809 = arith.constant 3 : i32
          %add3A_810 = arith.addi %mul3A_673, %add3A_809 : i32
          %get3A_811 = arith.index_cast %rem3A_101 : i32 to index
          %get3A_812 = arith.index_cast %add3A_810 : i32 to index
          %get3A_813 = arith.constant 48 : index
          %get3A_814 = tpu.vector_load %arg11[%get3A_811, %get3A_812, %get3A_813] {strides = array<i32>} : memref<2x384x64xf32, #tpu.memory_space<vmem>>, vector<16xf32>,
          %mul3A_815 = vector.broadcast %squeeze3A_781 : f32 to vector<16xf32>
          %mul3A_816 = arith.mulf %mul3A_815, %get3A_814 : vector<16xf32>
          %add3A_817 = arith.addf %add3A_779, %mul3A_816 : vector<16xf32>
          %slice3A_818 = vector.extract_strided_slice %get3A_676 {offsets = [4], sizes = [1], strides = [1]} : vector<16xf32> to vector<1xf32>
          %squeeze3A_819 = vector.extract %slice3A_818[0] : f32 from vector<1xf32>
          %add3A_820 = arith.constant 4 : i32
          %add3A_821 = arith.addi %mul3A_673, %add3A_820 : i32
          %get3A_822 = arith.index_cast %rem3A_101 : i32 to index
          %get3A_823 = arith.index_cast %add3A_821 : i32 to index
          %get3A_824 = arith.constant 0 : index
          %get3A_825 = tpu.vector_load %arg11[%get3A_822, %get3A_823, %get3A_824] {strides = array<i32>} : memref<2x384x64xf32, #tpu.memory_space<vmem>>, vector<16xf32>,
          %mul3A_826 = vector.broadcast %squeeze3A_819 : f32 to vector<16xf32>
          %mul3A_827 = arith.mulf %mul3A_826, %get3A_825 : vector<16xf32>
          %add3A_828 = arith.addf %add3A_790, %mul3A_827 : vector<16xf32>
          %add3A_829 = arith.constant 4 : i32
          %add3A_830 = arith.addi %mul3A_673, %add3A_829 : i32
          %get3A_831 = arith.index_cast %rem3A_101 : i32 to index
          %get3A_832 = arith.index_cast %add3A_830 : i32 to index
          %get3A_833 = arith.constant 16 : index
          %get3A_834 = tpu.vector_load %arg11[%get3A_831, %get3A_832, %get3A_833] {strides = array<i32>} : memref<2x384x64xf32, #tpu.memory_space<vmem>>, vector<16xf32>,
          %mul3A_835 = vector.broadcast %squeeze3A_819 : f32 to vector<16xf32>
          %mul3A_836 = arith.mulf %mul3A_835, %get3A_834 : vector<16xf32>
          %add3A_837 = arith.addf %add3A_799, %mul3A_836 : vector<16xf32>
          %add3A_838 = arith.constant 4 : i32
          %add3A_839 = arith.addi %mul3A_673, %add3A_838 : i32
          %get3A_840 = arith.index_cast %rem3A_101 : i32 to index
          %get3A_841 = arith.index_cast %add3A_839 : i32 to index
          %get3A_842 = arith.constant 32 : index
          %get3A_843 = tpu.vector_load %arg11[%get3A_840, %get3A_841, %get3A_842] {strides = array<i32>} : memref<2x384x64xf32, #tpu.memory_space<vmem>>, vector<16xf32>,
          %mul3A_844 = vector.broadcast %squeeze3A_819 : f32 to vector<16xf32>
          %mul3A_845 = arith.mulf %mul3A_844, %get3A_843 : vector<16xf32>
          %add3A_846 = arith.addf %add3A_808, %mul3A_845 : vector<16xf32>
          %add3A_847 = arith.constant 4 : i32
          %add3A_848 = arith.addi %mul3A_673, %add3A_847 : i32
          %get3A_849 = arith.index_cast %rem3A_101 : i32 to index
          %get3A_850 = arith.index_cast %add3A_848 : i32 to index
          %get3A_851 = arith.constant 48 : index
          %get3A_852 = tpu.vector_load %arg11[%get3A_849, %get3A_850, %get3A_851] {strides = array<i32>} : memref<2x384x64xf32, #tpu.memory_space<vmem>>, vector<16xf32>,
          %mul3A_853 = vector.broadcast %squeeze3A_819 : f32 to vector<16xf32>
          %mul3A_854 = arith.mulf %mul3A_853, %get3A_852 : vector<16xf32>
          %add3A_855 = arith.addf %add3A_817, %mul3A_854 : vector<16xf32>
          %slice3A_856 = vector.extract_strided_slice %get3A_676 {offsets = [5], sizes = [1], strides = [1]} : vector<16xf32> to vector<1xf32>
          %squeeze3A_857 = vector.extract %slice3A_856[0] : f32 from vector<1xf32>
          %add3A_858 = arith.constant 5 : i32
          %add3A_859 = arith.addi %mul3A_673, %add3A_858 : i32
          %get3A_860 = arith.index_cast %rem3A_101 : i32 to index
          %get3A_861 = arith.index_cast %add3A_859 : i32 to index
          %get3A_862 = arith.constant 0 : index
          %get3A_863 = tpu.vector_load %arg11[%get3A_860, %get3A_861, %get3A_862] {strides = array<i32>} : memref<2x384x64xf32, #tpu.memory_space<vmem>>, vector<16xf32>,
          %mul3A_864 = vector.broadcast %squeeze3A_857 : f32 to vector<16xf32>
          %mul3A_865 = arith.mulf %mul3A_864, %get3A_863 : vector<16xf32>
          %add3A_866 = arith.addf %add3A_828, %mul3A_865 : vector<16xf32>
          %add3A_867 = arith.constant 5 : i32
          %add3A_868 = arith.addi %mul3A_673, %add3A_867 : i32
          %get3A_869 = arith.index_cast %rem3A_101 : i32 to index
          %get3A_870 = arith.index_cast %add3A_868 : i32 to index
          %get3A_871 = arith.constant 16 : index
          %get3A_872 = tpu.vector_load %arg11[%get3A_869, %get3A_870, %get3A_871] {strides = array<i32>} : memref<2x384x64xf32, #tpu.memory_space<vmem>>, vector<16xf32>,
          %mul3A_873 = vector.broadcast %squeeze3A_857 : f32 to vector<16xf32>
          %mul3A_874 = arith.mulf %mul3A_873, %get3A_872 : vector<16xf32>
          %add3A_875 = arith.addf %add3A_837, %mul3A_874 : vector<16xf32>
          %add3A_876 = arith.constant 5 : i32
          %add3A_877 = arith.addi %mul3A_673, %add3A_876 : i32
          %get3A_878 = arith.index_cast %rem3A_101 : i32 to index
          %get3A_879 = arith.index_cast %add3A_877 : i32 to index
          %get3A_880 = arith.constant 32 : index
          %get3A_881 = tpu.vector_load %arg11[%get3A_878, %get3A_879, %get3A_880] {strides = array<i32>} : memref<2x384x64xf32, #tpu.memory_space<vmem>>, vector<16xf32>,
          %mul3A_882 = vector.broadcast %squeeze3A_857 : f32 to vector<16xf32>
          %mul3A_883 = arith.mulf %mul3A_882, %get3A_881 : vector<16xf32>
          %add3A_884 = arith.addf %add3A_846, %mul3A_883 : vector<16xf32>
          %add3A_885 = arith.constant 5 : i32
          %add3A_886 = arith.addi %mul3A_673, %add3A_885 : i32
          %get3A_887 = arith.index_cast %rem3A_101 : i32 to index
          %get3A_888 = arith.index_cast %add3A_886 : i32 to index
          %get3A_889 = arith.constant 48 : index
          %get3A_890 = tpu.vector_load %arg11[%get3A_887, %get3A_888, %get3A_889] {strides = array<i32>} : memref<2x384x64xf32, #tpu.memory_space<vmem>>, vector<16xf32>,
          %mul3A_891 = vector.broadcast %squeeze3A_857 : f32 to vector<16xf32>
          %mul3A_892 = arith.mulf %mul3A_891, %get3A_890 : vector<16xf32>
          %add3A_893 = arith.addf %add3A_855, %mul3A_892 : vector<16xf32>
          %slice3A_894 = vector.extract_strided_slice %get3A_676 {offsets = [6], sizes = [1], strides = [1]} : vector<16xf32> to vector<1xf32>
          %squeeze3A_895 = vector.extract %slice3A_894[0] : f32 from vector<1xf32>
          %add3A_896 = arith.constant 6 : i32
          %add3A_897 = arith.addi %mul3A_673, %add3A_896 : i32
          %get3A_898 = arith.index_cast %rem3A_101 : i32 to index
          %get3A_899 = arith.index_cast %add3A_897 : i32 to index
          %get3A_900 = arith.constant 0 : index
          %get3A_901 = tpu.vector_load %arg11[%get3A_898, %get3A_899, %get3A_900] {strides = array<i32>} : memref<2x384x64xf32, #tpu.memory_space<vmem>>, vector<16xf32>,
          %mul3A_902 = vector.broadcast %squeeze3A_895 : f32 to vector<16xf32>
          %mul3A_903 = arith.mulf %mul3A_902, %get3A_901 : vector<16xf32>
          %add3A_904 = arith.addf %add3A_866, %mul3A_903 : vector<16xf32>
          %add3A_905 = arith.constant 6 : i32
          %add3A_906 = arith.addi %mul3A_673, %add3A_905 : i32
          %get3A_907 = arith.index_cast %rem3A_101 : i32 to index
          %get3A_908 = arith.index_cast %add3A_906 : i32 to index
          %get3A_909 = arith.constant 16 : index
          %get3A_910 = tpu.vector_load %arg11[%get3A_907, %get3A_908, %get3A_909] {strides = array<i32>} : memref<2x384x64xf32, #tpu.memory_space<vmem>>, vector<16xf32>,
          %mul3A_911 = vector.broadcast %squeeze3A_895 : f32 to vector<16xf32>
          %mul3A_912 = arith.mulf %mul3A_911, %get3A_910 : vector<16xf32>
          %add3A_913 = arith.addf %add3A_875, %mul3A_912 : vector<16xf32>
          %add3A_914 = arith.constant 6 : i32
          %add3A_915 = arith.addi %mul3A_673, %add3A_914 : i32
          %get3A_916 = arith.index_cast %rem3A_101 : i32 to index
          %get3A_917 = arith.index_cast %add3A_915 : i32 to index
          %get3A_918 = arith.constant 32 : index
          %get3A_919 = tpu.vector_load %arg11[%get3A_916, %get3A_917, %get3A_918] {strides = array<i32>} : memref<2x384x64xf32, #tpu.memory_space<vmem>>, vector<16xf32>,
          %mul3A_920 = vector.broadcast %squeeze3A_895 : f32 to vector<16xf32>
          %mul3A_921 = arith.mulf %mul3A_920, %get3A_919 : vector<16xf32>
          %add3A_922 = arith.addf %add3A_884, %mul3A_921 : vector<16xf32>
          %add3A_923 = arith.constant 6 : i32
          %add3A_924 = arith.addi %mul3A_673, %add3A_923 : i32
          %get3A_925 = arith.index_cast %rem3A_101 : i32 to index
          %get3A_926 = arith.index_cast %add3A_924 : i32 to index
          %get3A_927 = arith.constant 48 : index
          %get3A_928 = tpu.vector_load %arg11[%get3A_925, %get3A_926, %get3A_927] {strides = array<i32>} : memref<2x384x64xf32, #tpu.memory_space<vmem>>, vector<16xf32>,
          %mul3A_929 = vector.broadcast %squeeze3A_895 : f32 to vector<16xf32>
          %mul3A_930 = arith.mulf %mul3A_929, %get3A_928 : vector<16xf32>
          %add3A_931 = arith.addf %add3A_893, %mul3A_930 : vector<16xf32>
          %slice3A_932 = vector.extract_strided_slice %get3A_676 {offsets = [7], sizes = [1], strides = [1]} : vector<16xf32> to vector<1xf32>
          %squeeze3A_933 = vector.extract %slice3A_932[0] : f32 from vector<1xf32>
          %add3A_934 = arith.constant 7 : i32
          %add3A_935 = arith.addi %mul3A_673, %add3A_934 : i32
          %get3A_936 = arith.index_cast %rem3A_101 : i32 to index
          %get3A_937 = arith.index_cast %add3A_935 : i32 to index
          %get3A_938 = arith.constant 0 : index
          %get3A_939 = tpu.vector_load %arg11[%get3A_936, %get3A_937, %get3A_938] {strides = array<i32>} : memref<2x384x64xf32, #tpu.memory_space<vmem>>, vector<16xf32>,
          %mul3A_940 = vector.broadcast %squeeze3A_933 : f32 to vector<16xf32>
          %mul3A_941 = arith.mulf %mul3A_940, %get3A_939 : vector<16xf32>
          %add3A_942 = arith.addf %add3A_904, %mul3A_941 : vector<16xf32>
          %add3A_943 = arith.constant 7 : i32
          %add3A_944 = arith.addi %mul3A_673, %add3A_943 : i32
          %get3A_945 = arith.index_cast %rem3A_101 : i32 to index
          %get3A_946 = arith.index_cast %add3A_944 : i32 to index
          %get3A_947 = arith.constant 16 : index
          %get3A_948 = tpu.vector_load %arg11[%get3A_945, %get3A_946, %get3A_947] {strides = array<i32>} : memref<2x384x64xf32, #tpu.memory_space<vmem>>, vector<16xf32>,
          %mul3A_949 = vector.broadcast %squeeze3A_933 : f32 to vector<16xf32>
          %mul3A_950 = arith.mulf %mul3A_949, %get3A_948 : vector<16xf32>
          %add3A_951 = arith.addf %add3A_913, %mul3A_950 : vector<16xf32>
          %add3A_952 = arith.constant 7 : i32
          %add3A_953 = arith.addi %mul3A_673, %add3A_952 : i32
          %get3A_954 = arith.index_cast %rem3A_101 : i32 to index
          %get3A_955 = arith.index_cast %add3A_953 : i32 to index
          %get3A_956 = arith.constant 32 : index
          %get3A_957 = tpu.vector_load %arg11[%get3A_954, %get3A_955, %get3A_956] {strides = array<i32>} : memref<2x384x64xf32, #tpu.memory_space<vmem>>, vector<16xf32>,
          %mul3A_958 = vector.broadcast %squeeze3A_933 : f32 to vector<16xf32>
          %mul3A_959 = arith.mulf %mul3A_958, %get3A_957 : vector<16xf32>
          %add3A_960 = arith.addf %add3A_922, %mul3A_959 : vector<16xf32>
          %add3A_961 = arith.constant 7 : i32
          %add3A_962 = arith.addi %mul3A_673, %add3A_961 : i32
          %get3A_963 = arith.index_cast %rem3A_101 : i32 to index
          %get3A_964 = arith.index_cast %add3A_962 : i32 to index
          %get3A_965 = arith.constant 48 : index
          %get3A_966 = tpu.vector_load %arg11[%get3A_963, %get3A_964, %get3A_965] {strides = array<i32>} : memref<2x384x64xf32, #tpu.memory_space<vmem>>, vector<16xf32>,
          %mul3A_967 = vector.broadcast %squeeze3A_933 : f32 to vector<16xf32>
          %mul3A_968 = arith.mulf %mul3A_967, %get3A_966 : vector<16xf32>
          %add3A_969 = arith.addf %add3A_931, %mul3A_968 : vector<16xf32>
          %slice3A_970 = vector.extract_strided_slice %get3A_676 {offsets = [8], sizes = [1], strides = [1]} : vector<16xf32> to vector<1xf32>
          %squeeze3A_971 = vector.extract %slice3A_970[0] : f32 from vector<1xf32>
          %add3A_972 = arith.constant 8 : i32
          %add3A_973 = arith.addi %mul3A_673, %add3A_972 : i32
          %get3A_974 = arith.index_cast %rem3A_101 : i32 to index
          %get3A_975 = arith.index_cast %add3A_973 : i32 to index
          %get3A_976 = arith.constant 0 : index
          %get3A_977 = tpu.vector_load %arg11[%get3A_974, %get3A_975, %get3A_976] {strides = array<i32>} : memref<2x384x64xf32, #tpu.memory_space<vmem>>, vector<16xf32>,
          %mul3A_978 = vector.broadcast %squeeze3A_971 : f32 to vector<16xf32>
          %mul3A_979 = arith.mulf %mul3A_978, %get3A_977 : vector<16xf32>
          %add3A_980 = arith.addf %add3A_942, %mul3A_979 : vector<16xf32>
          %add3A_981 = arith.constant 8 : i32
          %add3A_982 = arith.addi %mul3A_673, %add3A_981 : i32
          %get3A_983 = arith.index_cast %rem3A_101 : i32 to index
          %get3A_984 = arith.index_cast %add3A_982 : i32 to index
          %get3A_985 = arith.constant 16 : index
          %get3A_986 = tpu.vector_load %arg11[%get3A_983, %get3A_984, %get3A_985] {strides = array<i32>} : memref<2x384x64xf32, #tpu.memory_space<vmem>>, vector<16xf32>,
          %mul3A_987 = vector.broadcast %squeeze3A_971 : f32 to vector<16xf32>
          %mul3A_988 = arith.mulf %mul3A_987, %get3A_986 : vector<16xf32>
          %add3A_989 = arith.addf %add3A_951, %mul3A_988 : vector<16xf32>
          %add3A_990 = arith.constant 8 : i32
          %add3A_991 = arith.addi %mul3A_673, %add3A_990 : i32
          %get3A_992 = arith.index_cast %rem3A_101 : i32 to index
          %get3A_993 = arith.index_cast %add3A_991 : i32 to index
          %get3A_994 = arith.constant 32 : index
          %get3A_995 = tpu.vector_load %arg11[%get3A_992, %get3A_993, %get3A_994] {strides = array<i32>} : memref<2x384x64xf32, #tpu.memory_space<vmem>>, vector<16xf32>,
          %mul3A_996 = vector.broadcast %squeeze3A_971 : f32 to vector<16xf32>
          %mul3A_997 = arith.mulf %mul3A_996, %get3A_995 : vector<16xf32>
          %add3A_998 = arith.addf %add3A_960, %mul3A_997 : vector<16xf32>
          %add3A_999 = arith.constant 8 : i32
          %add3A_1000 = arith.addi %mul3A_673, %add3A_999 : i32
          %get3A_1001 = arith.index_cast %rem3A_101 : i32 to index
          %get3A_1002 = arith.index_cast %add3A_1000 : i32 to index
          %get3A_1003 = arith.constant 48 : index
          %get3A_1004 = tpu.vector_load %arg11[%get3A_1001, %get3A_1002, %get3A_1003] {strides = array<i32>} : memref<2x384x64xf32, #tpu.memory_space<vmem>>, vector<16xf32>,
          %mul3A_1005 = vector.broadcast %squeeze3A_971 : f32 to vector<16xf32>
          %mul3A_1006 = arith.mulf %mul3A_1005, %get3A_1004 : vector<16xf32>
          %add3A_1007 = arith.addf %add3A_969, %mul3A_1006 : vector<16xf32>
          %slice3A_1008 = vector.extract_strided_slice %get3A_676 {offsets = [9], sizes = [1], strides = [1]} : vector<16xf32> to vector<1xf32>
          %squeeze3A_1009 = vector.extract %slice3A_1008[0] : f32 from vector<1xf32>
          %add3A_1010 = arith.constant 9 : i32
          %add3A_1011 = arith.addi %mul3A_673, %add3A_1010 : i32
          %get3A_1012 = arith.index_cast %rem3A_101 : i32 to index
          %get3A_1013 = arith.index_cast %add3A_1011 : i32 to index
          %get3A_1014 = arith.constant 0 : index
          %get3A_1015 = tpu.vector_load %arg11[%get3A_1012, %get3A_1013, %get3A_1014] {strides = array<i32>} : memref<2x384x64xf32, #tpu.memory_space<vmem>>, vector<16xf32>,
          %mul3A_1016 = vector.broadcast %squeeze3A_1009 : f32 to vector<16xf32>
          %mul3A_1017 = arith.mulf %mul3A_1016, %get3A_1015 : vector<16xf32>
          %add3A_1018 = arith.addf %add3A_980, %mul3A_1017 : vector<16xf32>
          %add3A_1019 = arith.constant 9 : i32
          %add3A_1020 = arith.addi %mul3A_673, %add3A_1019 : i32
          %get3A_1021 = arith.index_cast %rem3A_101 : i32 to index
          %get3A_1022 = arith.index_cast %add3A_1020 : i32 to index
          %get3A_1023 = arith.constant 16 : index
          %get3A_1024 = tpu.vector_load %arg11[%get3A_1021, %get3A_1022, %get3A_1023] {strides = array<i32>} : memref<2x384x64xf32, #tpu.memory_space<vmem>>, vector<16xf32>,
          %mul3A_1025 = vector.broadcast %squeeze3A_1009 : f32 to vector<16xf32>
          %mul3A_1026 = arith.mulf %mul3A_1025, %get3A_1024 : vector<16xf32>
          %add3A_1027 = arith.addf %add3A_989, %mul3A_1026 : vector<16xf32>
          %add3A_1028 = arith.constant 9 : i32
          %add3A_1029 = arith.addi %mul3A_673, %add3A_1028 : i32
          %get3A_1030 = arith.index_cast %rem3A_101 : i32 to index
          %get3A_1031 = arith.index_cast %add3A_1029 : i32 to index
          %get3A_1032 = arith.constant 32 : index
          %get3A_1033 = tpu.vector_load %arg11[%get3A_1030, %get3A_1031, %get3A_1032] {strides = array<i32>} : memref<2x384x64xf32, #tpu.memory_space<vmem>>, vector<16xf32>,
          %mul3A_1034 = vector.broadcast %squeeze3A_1009 : f32 to vector<16xf32>
          %mul3A_1035 = arith.mulf %mul3A_1034, %get3A_1033 : vector<16xf32>
          %add3A_1036 = arith.addf %add3A_998, %mul3A_1035 : vector<16xf32>
          %add3A_1037 = arith.constant 9 : i32
          %add3A_1038 = arith.addi %mul3A_673, %add3A_1037 : i32
          %get3A_1039 = arith.index_cast %rem3A_101 : i32 to index
          %get3A_1040 = arith.index_cast %add3A_1038 : i32 to index
          %get3A_1041 = arith.constant 48 : index
          %get3A_1042 = tpu.vector_load %arg11[%get3A_1039, %get3A_1040, %get3A_1041] {strides = array<i32>} : memref<2x384x64xf32, #tpu.memory_space<vmem>>, vector<16xf32>,
          %mul3A_1043 = vector.broadcast %squeeze3A_1009 : f32 to vector<16xf32>
          %mul3A_1044 = arith.mulf %mul3A_1043, %get3A_1042 : vector<16xf32>
          %add3A_1045 = arith.addf %add3A_1007, %mul3A_1044 : vector<16xf32>
          %slice3A_1046 = vector.extract_strided_slice %get3A_676 {offsets = [10], sizes = [1], strides = [1]} : vector<16xf32> to vector<1xf32>
          %squeeze3A_1047 = vector.extract %slice3A_1046[0] : f32 from vector<1xf32>
          %add3A_1048 = arith.constant 10 : i32
          %add3A_1049 = arith.addi %mul3A_673, %add3A_1048 : i32
          %get3A_1050 = arith.index_cast %rem3A_101 : i32 to index
          %get3A_1051 = arith.index_cast %add3A_1049 : i32 to index
          %get3A_1052 = arith.constant 0 : index
          %get3A_1053 = tpu.vector_load %arg11[%get3A_1050, %get3A_1051, %get3A_1052] {strides = array<i32>} : memref<2x384x64xf32, #tpu.memory_space<vmem>>, vector<16xf32>,
          %mul3A_1054 = vector.broadcast %squeeze3A_1047 : f32 to vector<16xf32>
          %mul3A_1055 = arith.mulf %mul3A_1054, %get3A_1053 : vector<16xf32>
          %add3A_1056 = arith.addf %add3A_1018, %mul3A_1055 : vector<16xf32>
          %add3A_1057 = arith.constant 10 : i32
          %add3A_1058 = arith.addi %mul3A_673, %add3A_1057 : i32
          %get3A_1059 = arith.index_cast %rem3A_101 : i32 to index
          %get3A_1060 = arith.index_cast %add3A_1058 : i32 to index
          %get3A_1061 = arith.constant 16 : index
          %get3A_1062 = tpu.vector_load %arg11[%get3A_1059, %get3A_1060, %get3A_1061] {strides = array<i32>} : memref<2x384x64xf32, #tpu.memory_space<vmem>>, vector<16xf32>,
          %mul3A_1063 = vector.broadcast %squeeze3A_1047 : f32 to vector<16xf32>
          %mul3A_1064 = arith.mulf %mul3A_1063, %get3A_1062 : vector<16xf32>
          %add3A_1065 = arith.addf %add3A_1027, %mul3A_1064 : vector<16xf32>
          %add3A_1066 = arith.constant 10 : i32
          %add3A_1067 = arith.addi %mul3A_673, %add3A_1066 : i32
          %get3A_1068 = arith.index_cast %rem3A_101 : i32 to index
          %get3A_1069 = arith.index_cast %add3A_1067 : i32 to index
          %get3A_1070 = arith.constant 32 : index
          %get3A_1071 = tpu.vector_load %arg11[%get3A_1068, %get3A_1069, %get3A_1070] {strides = array<i32>} : memref<2x384x64xf32, #tpu.memory_space<vmem>>, vector<16xf32>,
          %mul3A_1072 = vector.broadcast %squeeze3A_1047 : f32 to vector<16xf32>
          %mul3A_1073 = arith.mulf %mul3A_1072, %get3A_1071 : vector<16xf32>
          %add3A_1074 = arith.addf %add3A_1036, %mul3A_1073 : vector<16xf32>
          %add3A_1075 = arith.constant 10 : i32
          %add3A_1076 = arith.addi %mul3A_673, %add3A_1075 : i32
          %get3A_1077 = arith.index_cast %rem3A_101 : i32 to index
          %get3A_1078 = arith.index_cast %add3A_1076 : i32 to index
          %get3A_1079 = arith.constant 48 : index
          %get3A_1080 = tpu.vector_load %arg11[%get3A_1077, %get3A_1078, %get3A_1079] {strides = array<i32>} : memref<2x384x64xf32, #tpu.memory_space<vmem>>, vector<16xf32>,
          %mul3A_1081 = vector.broadcast %squeeze3A_1047 : f32 to vector<16xf32>
          %mul3A_1082 = arith.mulf %mul3A_1081, %get3A_1080 : vector<16xf32>
          %add3A_1083 = arith.addf %add3A_1045, %mul3A_1082 : vector<16xf32>
          %slice3A_1084 = vector.extract_strided_slice %get3A_676 {offsets = [11], sizes = [1], strides = [1]} : vector<16xf32> to vector<1xf32>
          %squeeze3A_1085 = vector.extract %slice3A_1084[0] : f32 from vector<1xf32>
          %add3A_1086 = arith.constant 11 : i32
          %add3A_1087 = arith.addi %mul3A_673, %add3A_1086 : i32
          %get3A_1088 = arith.index_cast %rem3A_101 : i32 to index
          %get3A_1089 = arith.index_cast %add3A_1087 : i32 to index
          %get3A_1090 = arith.constant 0 : index
          %get3A_1091 = tpu.vector_load %arg11[%get3A_1088, %get3A_1089, %get3A_1090] {strides = array<i32>} : memref<2x384x64xf32, #tpu.memory_space<vmem>>, vector<16xf32>,
          %mul3A_1092 = vector.broadcast %squeeze3A_1085 : f32 to vector<16xf32>
          %mul3A_1093 = arith.mulf %mul3A_1092, %get3A_1091 : vector<16xf32>
          %add3A_1094 = arith.addf %add3A_1056, %mul3A_1093 : vector<16xf32>
          %add3A_1095 = arith.constant 11 : i32
          %add3A_1096 = arith.addi %mul3A_673, %add3A_1095 : i32
          %get3A_1097 = arith.index_cast %rem3A_101 : i32 to index
          %get3A_1098 = arith.index_cast %add3A_1096 : i32 to index
          %get3A_1099 = arith.constant 16 : index
          %get3A_1100 = tpu.vector_load %arg11[%get3A_1097, %get3A_1098, %get3A_1099] {strides = array<i32>} : memref<2x384x64xf32, #tpu.memory_space<vmem>>, vector<16xf32>,
          %mul3A_1101 = vector.broadcast %squeeze3A_1085 : f32 to vector<16xf32>
          %mul3A_1102 = arith.mulf %mul3A_1101, %get3A_1100 : vector<16xf32>
          %add3A_1103 = arith.addf %add3A_1065, %mul3A_1102 : vector<16xf32>
          %add3A_1104 = arith.constant 11 : i32
          %add3A_1105 = arith.addi %mul3A_673, %add3A_1104 : i32
          %get3A_1106 = arith.index_cast %rem3A_101 : i32 to index
          %get3A_1107 = arith.index_cast %add3A_1105 : i32 to index
          %get3A_1108 = arith.constant 32 : index
          %get3A_1109 = tpu.vector_load %arg11[%get3A_1106, %get3A_1107, %get3A_1108] {strides = array<i32>} : memref<2x384x64xf32, #tpu.memory_space<vmem>>, vector<16xf32>,
          %mul3A_1110 = vector.broadcast %squeeze3A_1085 : f32 to vector<16xf32>
          %mul3A_1111 = arith.mulf %mul3A_1110, %get3A_1109 : vector<16xf32>
          %add3A_1112 = arith.addf %add3A_1074, %mul3A_1111 : vector<16xf32>
          %add3A_1113 = arith.constant 11 : i32
          %add3A_1114 = arith.addi %mul3A_673, %add3A_1113 : i32
          %get3A_1115 = arith.index_cast %rem3A_101 : i32 to index
          %get3A_1116 = arith.index_cast %add3A_1114 : i32 to index
          %get3A_1117 = arith.constant 48 : index
          %get3A_1118 = tpu.vector_load %arg11[%get3A_1115, %get3A_1116, %get3A_1117] {strides = array<i32>} : memref<2x384x64xf32, #tpu.memory_space<vmem>>, vector<16xf32>,
          %mul3A_1119 = vector.broadcast %squeeze3A_1085 : f32 to vector<16xf32>
          %mul3A_1120 = arith.mulf %mul3A_1119, %get3A_1118 : vector<16xf32>
          %add3A_1121 = arith.addf %add3A_1083, %mul3A_1120 : vector<16xf32>
          %slice3A_1122 = vector.extract_strided_slice %get3A_676 {offsets = [12], sizes = [1], strides = [1]} : vector<16xf32> to vector<1xf32>
          %squeeze3A_1123 = vector.extract %slice3A_1122[0] : f32 from vector<1xf32>
          %add3A_1124 = arith.constant 12 : i32
          %add3A_1125 = arith.addi %mul3A_673, %add3A_1124 : i32
          %get3A_1126 = arith.index_cast %rem3A_101 : i32 to index
          %get3A_1127 = arith.index_cast %add3A_1125 : i32 to index
          %get3A_1128 = arith.constant 0 : index
          %get3A_1129 = tpu.vector_load %arg11[%get3A_1126, %get3A_1127, %get3A_1128] {strides = array<i32>} : memref<2x384x64xf32, #tpu.memory_space<vmem>>, vector<16xf32>,
          %mul3A_1130 = vector.broadcast %squeeze3A_1123 : f32 to vector<16xf32>
          %mul3A_1131 = arith.mulf %mul3A_1130, %get3A_1129 : vector<16xf32>
          %add3A_1132 = arith.addf %add3A_1094, %mul3A_1131 : vector<16xf32>
          %add3A_1133 = arith.constant 12 : i32
          %add3A_1134 = arith.addi %mul3A_673, %add3A_1133 : i32
          %get3A_1135 = arith.index_cast %rem3A_101 : i32 to index
          %get3A_1136 = arith.index_cast %add3A_1134 : i32 to index
          %get3A_1137 = arith.constant 16 : index
          %get3A_1138 = tpu.vector_load %arg11[%get3A_1135, %get3A_1136, %get3A_1137] {strides = array<i32>} : memref<2x384x64xf32, #tpu.memory_space<vmem>>, vector<16xf32>,
          %mul3A_1139 = vector.broadcast %squeeze3A_1123 : f32 to vector<16xf32>
          %mul3A_1140 = arith.mulf %mul3A_1139, %get3A_1138 : vector<16xf32>
          %add3A_1141 = arith.addf %add3A_1103, %mul3A_1140 : vector<16xf32>
          %add3A_1142 = arith.constant 12 : i32
          %add3A_1143 = arith.addi %mul3A_673, %add3A_1142 : i32
          %get3A_1144 = arith.index_cast %rem3A_101 : i32 to index
          %get3A_1145 = arith.index_cast %add3A_1143 : i32 to index
          %get3A_1146 = arith.constant 32 : index
          %get3A_1147 = tpu.vector_load %arg11[%get3A_1144, %get3A_1145, %get3A_1146] {strides = array<i32>} : memref<2x384x64xf32, #tpu.memory_space<vmem>>, vector<16xf32>,
          %mul3A_1148 = vector.broadcast %squeeze3A_1123 : f32 to vector<16xf32>
          %mul3A_1149 = arith.mulf %mul3A_1148, %get3A_1147 : vector<16xf32>
          %add3A_1150 = arith.addf %add3A_1112, %mul3A_1149 : vector<16xf32>
          %add3A_1151 = arith.constant 12 : i32
          %add3A_1152 = arith.addi %mul3A_673, %add3A_1151 : i32
          %get3A_1153 = arith.index_cast %rem3A_101 : i32 to index
          %get3A_1154 = arith.index_cast %add3A_1152 : i32 to index
          %get3A_1155 = arith.constant 48 : index
          %get3A_1156 = tpu.vector_load %arg11[%get3A_1153, %get3A_1154, %get3A_1155] {strides = array<i32>} : memref<2x384x64xf32, #tpu.memory_space<vmem>>, vector<16xf32>,
          %mul3A_1157 = vector.broadcast %squeeze3A_1123 : f32 to vector<16xf32>
          %mul3A_1158 = arith.mulf %mul3A_1157, %get3A_1156 : vector<16xf32>
          %add3A_1159 = arith.addf %add3A_1121, %mul3A_1158 : vector<16xf32>
          %slice3A_1160 = vector.extract_strided_slice %get3A_676 {offsets = [13], sizes = [1], strides = [1]} : vector<16xf32> to vector<1xf32>
          %squeeze3A_1161 = vector.extract %slice3A_1160[0] : f32 from vector<1xf32>
          %add3A_1162 = arith.constant 13 : i32
          %add3A_1163 = arith.addi %mul3A_673, %add3A_1162 : i32
          %get3A_1164 = arith.index_cast %rem3A_101 : i32 to index
          %get3A_1165 = arith.index_cast %add3A_1163 : i32 to index
          %get3A_1166 = arith.constant 0 : index
          %get3A_1167 = tpu.vector_load %arg11[%get3A_1164, %get3A_1165, %get3A_1166] {strides = array<i32>} : memref<2x384x64xf32, #tpu.memory_space<vmem>>, vector<16xf32>,
          %mul3A_1168 = vector.broadcast %squeeze3A_1161 : f32 to vector<16xf32>
          %mul3A_1169 = arith.mulf %mul3A_1168, %get3A_1167 : vector<16xf32>
          %add3A_1170 = arith.addf %add3A_1132, %mul3A_1169 : vector<16xf32>
          %add3A_1171 = arith.constant 13 : i32
          %add3A_1172 = arith.addi %mul3A_673, %add3A_1171 : i32
          %get3A_1173 = arith.index_cast %rem3A_101 : i32 to index
          %get3A_1174 = arith.index_cast %add3A_1172 : i32 to index
          %get3A_1175 = arith.constant 16 : index
          %get3A_1176 = tpu.vector_load %arg11[%get3A_1173, %get3A_1174, %get3A_1175] {strides = array<i32>} : memref<2x384x64xf32, #tpu.memory_space<vmem>>, vector<16xf32>,
          %mul3A_1177 = vector.broadcast %squeeze3A_1161 : f32 to vector<16xf32>
          %mul3A_1178 = arith.mulf %mul3A_1177, %get3A_1176 : vector<16xf32>
          %add3A_1179 = arith.addf %add3A_1141, %mul3A_1178 : vector<16xf32>
          %add3A_1180 = arith.constant 13 : i32
          %add3A_1181 = arith.addi %mul3A_673, %add3A_1180 : i32
          %get3A_1182 = arith.index_cast %rem3A_101 : i32 to index
          %get3A_1183 = arith.index_cast %add3A_1181 : i32 to index
          %get3A_1184 = arith.constant 32 : index
          %get3A_1185 = tpu.vector_load %arg11[%get3A_1182, %get3A_1183, %get3A_1184] {strides = array<i32>} : memref<2x384x64xf32, #tpu.memory_space<vmem>>, vector<16xf32>,
          %mul3A_1186 = vector.broadcast %squeeze3A_1161 : f32 to vector<16xf32>
          %mul3A_1187 = arith.mulf %mul3A_1186, %get3A_1185 : vector<16xf32>
          %add3A_1188 = arith.addf %add3A_1150, %mul3A_1187 : vector<16xf32>
          %add3A_1189 = arith.constant 13 : i32
          %add3A_1190 = arith.addi %mul3A_673, %add3A_1189 : i32
          %get3A_1191 = arith.index_cast %rem3A_101 : i32 to index
          %get3A_1192 = arith.index_cast %add3A_1190 : i32 to index
          %get3A_1193 = arith.constant 48 : index
          %get3A_1194 = tpu.vector_load %arg11[%get3A_1191, %get3A_1192, %get3A_1193] {strides = array<i32>} : memref<2x384x64xf32, #tpu.memory_space<vmem>>, vector<16xf32>,
          %mul3A_1195 = vector.broadcast %squeeze3A_1161 : f32 to vector<16xf32>
          %mul3A_1196 = arith.mulf %mul3A_1195, %get3A_1194 : vector<16xf32>
          %add3A_1197 = arith.addf %add3A_1159, %mul3A_1196 : vector<16xf32>
          %slice3A_1198 = vector.extract_strided_slice %get3A_676 {offsets = [14], sizes = [1], strides = [1]} : vector<16xf32> to vector<1xf32>
          %squeeze3A_1199 = vector.extract %slice3A_1198[0] : f32 from vector<1xf32>
          %add3A_1200 = arith.constant 14 : i32
          %add3A_1201 = arith.addi %mul3A_673, %add3A_1200 : i32
          %get3A_1202 = arith.index_cast %rem3A_101 : i32 to index
          %get3A_1203 = arith.index_cast %add3A_1201 : i32 to index
          %get3A_1204 = arith.constant 0 : index
          %get3A_1205 = tpu.vector_load %arg11[%get3A_1202, %get3A_1203, %get3A_1204] {strides = array<i32>} : memref<2x384x64xf32, #tpu.memory_space<vmem>>, vector<16xf32>,
          %mul3A_1206 = vector.broadcast %squeeze3A_1199 : f32 to vector<16xf32>
          %mul3A_1207 = arith.mulf %mul3A_1206, %get3A_1205 : vector<16xf32>
          %add3A_1208 = arith.addf %add3A_1170, %mul3A_1207 : vector<16xf32>
          %add3A_1209 = arith.constant 14 : i32
          %add3A_1210 = arith.addi %mul3A_673, %add3A_1209 : i32
          %get3A_1211 = arith.index_cast %rem3A_101 : i32 to index
          %get3A_1212 = arith.index_cast %add3A_1210 : i32 to index
          %get3A_1213 = arith.constant 16 : index
          %get3A_1214 = tpu.vector_load %arg11[%get3A_1211, %get3A_1212, %get3A_1213] {strides = array<i32>} : memref<2x384x64xf32, #tpu.memory_space<vmem>>, vector<16xf32>,
          %mul3A_1215 = vector.broadcast %squeeze3A_1199 : f32 to vector<16xf32>
          %mul3A_1216 = arith.mulf %mul3A_1215, %get3A_1214 : vector<16xf32>
          %add3A_1217 = arith.addf %add3A_1179, %mul3A_1216 : vector<16xf32>
          %add3A_1218 = arith.constant 14 : i32
          %add3A_1219 = arith.addi %mul3A_673, %add3A_1218 : i32
          %get3A_1220 = arith.index_cast %rem3A_101 : i32 to index
          %get3A_1221 = arith.index_cast %add3A_1219 : i32 to index
          %get3A_1222 = arith.constant 32 : index
          %get3A_1223 = tpu.vector_load %arg11[%get3A_1220, %get3A_1221, %get3A_1222] {strides = array<i32>} : memref<2x384x64xf32, #tpu.memory_space<vmem>>, vector<16xf32>,
          %mul3A_1224 = vector.broadcast %squeeze3A_1199 : f32 to vector<16xf32>
          %mul3A_1225 = arith.mulf %mul3A_1224, %get3A_1223 : vector<16xf32>
          %add3A_1226 = arith.addf %add3A_1188, %mul3A_1225 : vector<16xf32>
          %add3A_1227 = arith.constant 14 : i32
          %add3A_1228 = arith.addi %mul3A_673, %add3A_1227 : i32
          %get3A_1229 = arith.index_cast %rem3A_101 : i32 to index
          %get3A_1230 = arith.index_cast %add3A_1228 : i32 to index
          %get3A_1231 = arith.constant 48 : index
          %get3A_1232 = tpu.vector_load %arg11[%get3A_1229, %get3A_1230, %get3A_1231] {strides = array<i32>} : memref<2x384x64xf32, #tpu.memory_space<vmem>>, vector<16xf32>,
          %mul3A_1233 = vector.broadcast %squeeze3A_1199 : f32 to vector<16xf32>
          %mul3A_1234 = arith.mulf %mul3A_1233, %get3A_1232 : vector<16xf32>
          %add3A_1235 = arith.addf %add3A_1197, %mul3A_1234 : vector<16xf32>
          %slice3A_1236 = vector.extract_strided_slice %get3A_676 {offsets = [15], sizes = [1], strides = [1]} : vector<16xf32> to vector<1xf32>
          %squeeze3A_1237 = vector.extract %slice3A_1236[0] : f32 from vector<1xf32>
          %add3A_1238 = arith.constant 15 : i32
          %add3A_1239 = arith.addi %mul3A_673, %add3A_1238 : i32
          %get3A_1240 = arith.index_cast %rem3A_101 : i32 to index
          %get3A_1241 = arith.index_cast %add3A_1239 : i32 to index
          %get3A_1242 = arith.constant 0 : index
          %get3A_1243 = tpu.vector_load %arg11[%get3A_1240, %get3A_1241, %get3A_1242] {strides = array<i32>} : memref<2x384x64xf32, #tpu.memory_space<vmem>>, vector<16xf32>,
          %mul3A_1244 = vector.broadcast %squeeze3A_1237 : f32 to vector<16xf32>
          %mul3A_1245 = arith.mulf %mul3A_1244, %get3A_1243 : vector<16xf32>
          %add3A_1246 = arith.addf %add3A_1208, %mul3A_1245 : vector<16xf32>
          %add3A_1247 = arith.constant 15 : i32
          %add3A_1248 = arith.addi %mul3A_673, %add3A_1247 : i32
          %get3A_1249 = arith.index_cast %rem3A_101 : i32 to index
          %get3A_1250 = arith.index_cast %add3A_1248 : i32 to index
          %get3A_1251 = arith.constant 16 : index
          %get3A_1252 = tpu.vector_load %arg11[%get3A_1249, %get3A_1250, %get3A_1251] {strides = array<i32>} : memref<2x384x64xf32, #tpu.memory_space<vmem>>, vector<16xf32>,
          %mul3A_1253 = vector.broadcast %squeeze3A_1237 : f32 to vector<16xf32>
          %mul3A_1254 = arith.mulf %mul3A_1253, %get3A_1252 : vector<16xf32>
          %add3A_1255 = arith.addf %add3A_1217, %mul3A_1254 : vector<16xf32>
          %add3A_1256 = arith.constant 15 : i32
          %add3A_1257 = arith.addi %mul3A_673, %add3A_1256 : i32
          %get3A_1258 = arith.index_cast %rem3A_101 : i32 to index
          %get3A_1259 = arith.index_cast %add3A_1257 : i32 to index
          %get3A_1260 = arith.constant 32 : index
          %get3A_1261 = tpu.vector_load %arg11[%get3A_1258, %get3A_1259, %get3A_1260] {strides = array<i32>} : memref<2x384x64xf32, #tpu.memory_space<vmem>>, vector<16xf32>,
          %mul3A_1262 = vector.broadcast %squeeze3A_1237 : f32 to vector<16xf32>
          %mul3A_1263 = arith.mulf %mul3A_1262, %get3A_1261 : vector<16xf32>
          %add3A_1264 = arith.addf %add3A_1226, %mul3A_1263 : vector<16xf32>
          %add3A_1265 = arith.constant 15 : i32
          %add3A_1266 = arith.addi %mul3A_673, %add3A_1265 : i32
          %get3A_1267 = arith.index_cast %rem3A_101 : i32 to index
          %get3A_1268 = arith.index_cast %add3A_1266 : i32 to index
          %get3A_1269 = arith.constant 48 : index
          %get3A_1270 = tpu.vector_load %arg11[%get3A_1267, %get3A_1268, %get3A_1269] {strides = array<i32>} : memref<2x384x64xf32, #tpu.memory_space<vmem>>, vector<16xf32>,
          %mul3A_1271 = vector.broadcast %squeeze3A_1237 : f32 to vector<16xf32>
          %mul3A_1272 = arith.mulf %mul3A_1271, %get3A_1270 : vector<16xf32>
          %add3A_1273 = arith.addf %add3A_1235, %mul3A_1272 : vector<16xf32>
          %slice3A_1274 = vector.extract_strided_slice %get3A_679 {offsets = [0], sizes = [1], strides = [1]} : vector<16xf32> to vector<1xf32>
          %squeeze3A_1275 = vector.extract %slice3A_1274[0] : f32 from vector<1xf32>
          %add3A_1276 = arith.constant 16 : i32
          %add3A_1277 = arith.addi %mul3A_673, %add3A_1276 : i32
          %get3A_1278 = arith.index_cast %rem3A_101 : i32 to index
          %get3A_1279 = arith.index_cast %add3A_1277 : i32 to index
          %get3A_1280 = arith.constant 0 : index
          %get3A_1281 = tpu.vector_load %arg11[%get3A_1278, %get3A_1279, %get3A_1280] {strides = array<i32>} : memref<2x384x64xf32, #tpu.memory_space<vmem>>, vector<16xf32>,
          %mul3A_1282 = vector.broadcast %squeeze3A_1275 : f32 to vector<16xf32>
          %mul3A_1283 = arith.mulf %mul3A_1282, %get3A_1281 : vector<16xf32>
          %add3A_1284 = arith.addf %add3A_1246, %mul3A_1283 : vector<16xf32>
          %add3A_1285 = arith.constant 16 : i32
          %add3A_1286 = arith.addi %mul3A_673, %add3A_1285 : i32
          %get3A_1287 = arith.index_cast %rem3A_101 : i32 to index
          %get3A_1288 = arith.index_cast %add3A_1286 : i32 to index
          %get3A_1289 = arith.constant 16 : index
          %get3A_1290 = tpu.vector_load %arg11[%get3A_1287, %get3A_1288, %get3A_1289] {strides = array<i32>} : memref<2x384x64xf32, #tpu.memory_space<vmem>>, vector<16xf32>,
          %mul3A_1291 = vector.broadcast %squeeze3A_1275 : f32 to vector<16xf32>
          %mul3A_1292 = arith.mulf %mul3A_1291, %get3A_1290 : vector<16xf32>
          %add3A_1293 = arith.addf %add3A_1255, %mul3A_1292 : vector<16xf32>
          %add3A_1294 = arith.constant 16 : i32
          %add3A_1295 = arith.addi %mul3A_673, %add3A_1294 : i32
          %get3A_1296 = arith.index_cast %rem3A_101 : i32 to index
          %get3A_1297 = arith.index_cast %add3A_1295 : i32 to index
          %get3A_1298 = arith.constant 32 : index
          %get3A_1299 = tpu.vector_load %arg11[%get3A_1296, %get3A_1297, %get3A_1298] {strides = array<i32>} : memref<2x384x64xf32, #tpu.memory_space<vmem>>, vector<16xf32>,
          %mul3A_1300 = vector.broadcast %squeeze3A_1275 : f32 to vector<16xf32>
          %mul3A_1301 = arith.mulf %mul3A_1300, %get3A_1299 : vector<16xf32>
          %add3A_1302 = arith.addf %add3A_1264, %mul3A_1301 : vector<16xf32>
          %add3A_1303 = arith.constant 16 : i32
          %add3A_1304 = arith.addi %mul3A_673, %add3A_1303 : i32
          %get3A_1305 = arith.index_cast %rem3A_101 : i32 to index
          %get3A_1306 = arith.index_cast %add3A_1304 : i32 to index
          %get3A_1307 = arith.constant 48 : index
          %get3A_1308 = tpu.vector_load %arg11[%get3A_1305, %get3A_1306, %get3A_1307] {strides = array<i32>} : memref<2x384x64xf32, #tpu.memory_space<vmem>>, vector<16xf32>,
          %mul3A_1309 = vector.broadcast %squeeze3A_1275 : f32 to vector<16xf32>
          %mul3A_1310 = arith.mulf %mul3A_1309, %get3A_1308 : vector<16xf32>
          %add3A_1311 = arith.addf %add3A_1273, %mul3A_1310 : vector<16xf32>
          %slice3A_1312 = vector.extract_strided_slice %get3A_679 {offsets = [1], sizes = [1], strides = [1]} : vector<16xf32> to vector<1xf32>
          %squeeze3A_1313 = vector.extract %slice3A_1312[0] : f32 from vector<1xf32>
          %add3A_1314 = arith.constant 17 : i32
          %add3A_1315 = arith.addi %mul3A_673, %add3A_1314 : i32
          %get3A_1316 = arith.index_cast %rem3A_101 : i32 to index
          %get3A_1317 = arith.index_cast %add3A_1315 : i32 to index
          %get3A_1318 = arith.constant 0 : index
          %get3A_1319 = tpu.vector_load %arg11[%get3A_1316, %get3A_1317, %get3A_1318] {strides = array<i32>} : memref<2x384x64xf32, #tpu.memory_space<vmem>>, vector<16xf32>,
          %mul3A_1320 = vector.broadcast %squeeze3A_1313 : f32 to vector<16xf32>
          %mul3A_1321 = arith.mulf %mul3A_1320, %get3A_1319 : vector<16xf32>
          %add3A_1322 = arith.addf %add3A_1284, %mul3A_1321 : vector<16xf32>
          %add3A_1323 = arith.constant 17 : i32
          %add3A_1324 = arith.addi %mul3A_673, %add3A_1323 : i32
          %get3A_1325 = arith.index_cast %rem3A_101 : i32 to index
          %get3A_1326 = arith.index_cast %add3A_1324 : i32 to index
          %get3A_1327 = arith.constant 16 : index
          %get3A_1328 = tpu.vector_load %arg11[%get3A_1325, %get3A_1326, %get3A_1327] {strides = array<i32>} : memref<2x384x64xf32, #tpu.memory_space<vmem>>, vector<16xf32>,
          %mul3A_1329 = vector.broadcast %squeeze3A_1313 : f32 to vector<16xf32>
          %mul3A_1330 = arith.mulf %mul3A_1329, %get3A_1328 : vector<16xf32>
          %add3A_1331 = arith.addf %add3A_1293, %mul3A_1330 : vector<16xf32>
          %add3A_1332 = arith.constant 17 : i32
          %add3A_1333 = arith.addi %mul3A_673, %add3A_1332 : i32
          %get3A_1334 = arith.index_cast %rem3A_101 : i32 to index
          %get3A_1335 = arith.index_cast %add3A_1333 : i32 to index
          %get3A_1336 = arith.constant 32 : index
          %get3A_1337 = tpu.vector_load %arg11[%get3A_1334, %get3A_1335, %get3A_1336] {strides = array<i32>} : memref<2x384x64xf32, #tpu.memory_space<vmem>>, vector<16xf32>,
          %mul3A_1338 = vector.broadcast %squeeze3A_1313 : f32 to vector<16xf32>
          %mul3A_1339 = arith.mulf %mul3A_1338, %get3A_1337 : vector<16xf32>
          %add3A_1340 = arith.addf %add3A_1302, %mul3A_1339 : vector<16xf32>
          %add3A_1341 = arith.constant 17 : i32
          %add3A_1342 = arith.addi %mul3A_673, %add3A_1341 : i32
          %get3A_1343 = arith.index_cast %rem3A_101 : i32 to index
          %get3A_1344 = arith.index_cast %add3A_1342 : i32 to index
          %get3A_1345 = arith.constant 48 : index
          %get3A_1346 = tpu.vector_load %arg11[%get3A_1343, %get3A_1344, %get3A_1345] {strides = array<i32>} : memref<2x384x64xf32, #tpu.memory_space<vmem>>, vector<16xf32>,
          %mul3A_1347 = vector.broadcast %squeeze3A_1313 : f32 to vector<16xf32>
          %mul3A_1348 = arith.mulf %mul3A_1347, %get3A_1346 : vector<16xf32>
          %add3A_1349 = arith.addf %add3A_1311, %mul3A_1348 : vector<16xf32>
          %slice3A_1350 = vector.extract_strided_slice %get3A_679 {offsets = [2], sizes = [1], strides = [1]} : vector<16xf32> to vector<1xf32>
          %squeeze3A_1351 = vector.extract %slice3A_1350[0] : f32 from vector<1xf32>
          %add3A_1352 = arith.constant 18 : i32
          %add3A_1353 = arith.addi %mul3A_673, %add3A_1352 : i32
          %get3A_1354 = arith.index_cast %rem3A_101 : i32 to index
          %get3A_1355 = arith.index_cast %add3A_1353 : i32 to index
          %get3A_1356 = arith.constant 0 : index
          %get3A_1357 = tpu.vector_load %arg11[%get3A_1354, %get3A_1355, %get3A_1356] {strides = array<i32>} : memref<2x384x64xf32, #tpu.memory_space<vmem>>, vector<16xf32>,
          %mul3A_1358 = vector.broadcast %squeeze3A_1351 : f32 to vector<16xf32>
          %mul3A_1359 = arith.mulf %mul3A_1358, %get3A_1357 : vector<16xf32>
          %add3A_1360 = arith.addf %add3A_1322, %mul3A_1359 : vector<16xf32>
          %add3A_1361 = arith.constant 18 : i32
          %add3A_1362 = arith.addi %mul3A_673, %add3A_1361 : i32
          %get3A_1363 = arith.index_cast %rem3A_101 : i32 to index
          %get3A_1364 = arith.index_cast %add3A_1362 : i32 to index
          %get3A_1365 = arith.constant 16 : index
          %get3A_1366 = tpu.vector_load %arg11[%get3A_1363, %get3A_1364, %get3A_1365] {strides = array<i32>} : memref<2x384x64xf32, #tpu.memory_space<vmem>>, vector<16xf32>,
          %mul3A_1367 = vector.broadcast %squeeze3A_1351 : f32 to vector<16xf32>
          %mul3A_1368 = arith.mulf %mul3A_1367, %get3A_1366 : vector<16xf32>
          %add3A_1369 = arith.addf %add3A_1331, %mul3A_1368 : vector<16xf32>
          %add3A_1370 = arith.constant 18 : i32
          %add3A_1371 = arith.addi %mul3A_673, %add3A_1370 : i32
          %get3A_1372 = arith.index_cast %rem3A_101 : i32 to index
          %get3A_1373 = arith.index_cast %add3A_1371 : i32 to index
          %get3A_1374 = arith.constant 32 : index
          %get3A_1375 = tpu.vector_load %arg11[%get3A_1372, %get3A_1373, %get3A_1374] {strides = array<i32>} : memref<2x384x64xf32, #tpu.memory_space<vmem>>, vector<16xf32>,
          %mul3A_1376 = vector.broadcast %squeeze3A_1351 : f32 to vector<16xf32>
          %mul3A_1377 = arith.mulf %mul3A_1376, %get3A_1375 : vector<16xf32>
          %add3A_1378 = arith.addf %add3A_1340, %mul3A_1377 : vector<16xf32>
          %add3A_1379 = arith.constant 18 : i32
          %add3A_1380 = arith.addi %mul3A_673, %add3A_1379 : i32
          %get3A_1381 = arith.index_cast %rem3A_101 : i32 to index
          %get3A_1382 = arith.index_cast %add3A_1380 : i32 to index
          %get3A_1383 = arith.constant 48 : index
          %get3A_1384 = tpu.vector_load %arg11[%get3A_1381, %get3A_1382, %get3A_1383] {strides = array<i32>} : memref<2x384x64xf32, #tpu.memory_space<vmem>>, vector<16xf32>,
          %mul3A_1385 = vector.broadcast %squeeze3A_1351 : f32 to vector<16xf32>
          %mul3A_1386 = arith.mulf %mul3A_1385, %get3A_1384 : vector<16xf32>
          %add3A_1387 = arith.addf %add3A_1349, %mul3A_1386 : vector<16xf32>
          %slice3A_1388 = vector.extract_strided_slice %get3A_679 {offsets = [3], sizes = [1], strides = [1]} : vector<16xf32> to vector<1xf32>
          %squeeze3A_1389 = vector.extract %slice3A_1388[0] : f32 from vector<1xf32>
          %add3A_1390 = arith.constant 19 : i32
          %add3A_1391 = arith.addi %mul3A_673, %add3A_1390 : i32
          %get3A_1392 = arith.index_cast %rem3A_101 : i32 to index
          %get3A_1393 = arith.index_cast %add3A_1391 : i32 to index
          %get3A_1394 = arith.constant 0 : index
          %get3A_1395 = tpu.vector_load %arg11[%get3A_1392, %get3A_1393, %get3A_1394] {strides = array<i32>} : memref<2x384x64xf32, #tpu.memory_space<vmem>>, vector<16xf32>,
          %mul3A_1396 = vector.broadcast %squeeze3A_1389 : f32 to vector<16xf32>
          %mul3A_1397 = arith.mulf %mul3A_1396, %get3A_1395 : vector<16xf32>
          %add3A_1398 = arith.addf %add3A_1360, %mul3A_1397 : vector<16xf32>
          %add3A_1399 = arith.constant 19 : i32
          %add3A_1400 = arith.addi %mul3A_673, %add3A_1399 : i32
          %get3A_1401 = arith.index_cast %rem3A_101 : i32 to index
          %get3A_1402 = arith.index_cast %add3A_1400 : i32 to index
          %get3A_1403 = arith.constant 16 : index
          %get3A_1404 = tpu.vector_load %arg11[%get3A_1401, %get3A_1402, %get3A_1403] {strides = array<i32>} : memref<2x384x64xf32, #tpu.memory_space<vmem>>, vector<16xf32>,
          %mul3A_1405 = vector.broadcast %squeeze3A_1389 : f32 to vector<16xf32>
          %mul3A_1406 = arith.mulf %mul3A_1405, %get3A_1404 : vector<16xf32>
          %add3A_1407 = arith.addf %add3A_1369, %mul3A_1406 : vector<16xf32>
          %add3A_1408 = arith.constant 19 : i32
          %add3A_1409 = arith.addi %mul3A_673, %add3A_1408 : i32
          %get3A_1410 = arith.index_cast %rem3A_101 : i32 to index
          %get3A_1411 = arith.index_cast %add3A_1409 : i32 to index
          %get3A_1412 = arith.constant 32 : index
          %get3A_1413 = tpu.vector_load %arg11[%get3A_1410, %get3A_1411, %get3A_1412] {strides = array<i32>} : memref<2x384x64xf32, #tpu.memory_space<vmem>>, vector<16xf32>,
          %mul3A_1414 = vector.broadcast %squeeze3A_1389 : f32 to vector<16xf32>
          %mul3A_1415 = arith.mulf %mul3A_1414, %get3A_1413 : vector<16xf32>
          %add3A_1416 = arith.addf %add3A_1378, %mul3A_1415 : vector<16xf32>
          %add3A_1417 = arith.constant 19 : i32
          %add3A_1418 = arith.addi %mul3A_673, %add3A_1417 : i32
          %get3A_1419 = arith.index_cast %rem3A_101 : i32 to index
          %get3A_1420 = arith.index_cast %add3A_1418 : i32 to index
          %get3A_1421 = arith.constant 48 : index
          %get3A_1422 = tpu.vector_load %arg11[%get3A_1419, %get3A_1420, %get3A_1421] {strides = array<i32>} : memref<2x384x64xf32, #tpu.memory_space<vmem>>, vector<16xf32>,
          %mul3A_1423 = vector.broadcast %squeeze3A_1389 : f32 to vector<16xf32>
          %mul3A_1424 = arith.mulf %mul3A_1423, %get3A_1422 : vector<16xf32>
          %add3A_1425 = arith.addf %add3A_1387, %mul3A_1424 : vector<16xf32>
          %slice3A_1426 = vector.extract_strided_slice %get3A_679 {offsets = [4], sizes = [1], strides = [1]} : vector<16xf32> to vector<1xf32>
          %squeeze3A_1427 = vector.extract %slice3A_1426[0] : f32 from vector<1xf32>
          %add3A_1428 = arith.constant 20 : i32
          %add3A_1429 = arith.addi %mul3A_673, %add3A_1428 : i32
          %get3A_1430 = arith.index_cast %rem3A_101 : i32 to index
          %get3A_1431 = arith.index_cast %add3A_1429 : i32 to index
          %get3A_1432 = arith.constant 0 : index
          %get3A_1433 = tpu.vector_load %arg11[%get3A_1430, %get3A_1431, %get3A_1432] {strides = array<i32>} : memref<2x384x64xf32, #tpu.memory_space<vmem>>, vector<16xf32>,
          %mul3A_1434 = vector.broadcast %squeeze3A_1427 : f32 to vector<16xf32>
          %mul3A_1435 = arith.mulf %mul3A_1434, %get3A_1433 : vector<16xf32>
          %add3A_1436 = arith.addf %add3A_1398, %mul3A_1435 : vector<16xf32>
          %add3A_1437 = arith.constant 20 : i32
          %add3A_1438 = arith.addi %mul3A_673, %add3A_1437 : i32
          %get3A_1439 = arith.index_cast %rem3A_101 : i32 to index
          %get3A_1440 = arith.index_cast %add3A_1438 : i32 to index
          %get3A_1441 = arith.constant 16 : index
          %get3A_1442 = tpu.vector_load %arg11[%get3A_1439, %get3A_1440, %get3A_1441] {strides = array<i32>} : memref<2x384x64xf32, #tpu.memory_space<vmem>>, vector<16xf32>,
          %mul3A_1443 = vector.broadcast %squeeze3A_1427 : f32 to vector<16xf32>
          %mul3A_1444 = arith.mulf %mul3A_1443, %get3A_1442 : vector<16xf32>
          %add3A_1445 = arith.addf %add3A_1407, %mul3A_1444 : vector<16xf32>
          %add3A_1446 = arith.constant 20 : i32
          %add3A_1447 = arith.addi %mul3A_673, %add3A_1446 : i32
          %get3A_1448 = arith.index_cast %rem3A_101 : i32 to index
          %get3A_1449 = arith.index_cast %add3A_1447 : i32 to index
          %get3A_1450 = arith.constant 32 : index
          %get3A_1451 = tpu.vector_load %arg11[%get3A_1448, %get3A_1449, %get3A_1450] {strides = array<i32>} : memref<2x384x64xf32, #tpu.memory_space<vmem>>, vector<16xf32>,
          %mul3A_1452 = vector.broadcast %squeeze3A_1427 : f32 to vector<16xf32>
          %mul3A_1453 = arith.mulf %mul3A_1452, %get3A_1451 : vector<16xf32>
          %add3A_1454 = arith.addf %add3A_1416, %mul3A_1453 : vector<16xf32>
          %add3A_1455 = arith.constant 20 : i32
          %add3A_1456 = arith.addi %mul3A_673, %add3A_1455 : i32
          %get3A_1457 = arith.index_cast %rem3A_101 : i32 to index
          %get3A_1458 = arith.index_cast %add3A_1456 : i32 to index
          %get3A_1459 = arith.constant 48 : index
          %get3A_1460 = tpu.vector_load %arg11[%get3A_1457, %get3A_1458, %get3A_1459] {strides = array<i32>} : memref<2x384x64xf32, #tpu.memory_space<vmem>>, vector<16xf32>,
          %mul3A_1461 = vector.broadcast %squeeze3A_1427 : f32 to vector<16xf32>
          %mul3A_1462 = arith.mulf %mul3A_1461, %get3A_1460 : vector<16xf32>
          %add3A_1463 = arith.addf %add3A_1425, %mul3A_1462 : vector<16xf32>
          %swap3A = arith.index_cast %rem3A_101 : i32 to index
          %swap3A_1464 = arith.index_cast %scan3A_671 : i32 to index
          %swap3A_1465 = arith.constant 0 : index
          %swap3A_1466 = tpu.vector_load %arg13[%swap3A, %swap3A_1464, %swap3A_1465] {strides = array<i32>} : memref<2x16x64xf32, #tpu.memory_space<vmem>>, vector<16xf32>,
          tpu.vector_store %arg13[%swap3A, %swap3A_1464, %swap3A_1465], %add3A_1436 {strides = array<i32>} : memref<2x16x64xf32, #tpu.memory_space<vmem>>, vector<16xf32>,
          %swap3A_1467 = arith.index_cast %rem3A_101 : i32 to index
          %swap3A_1468 = arith.index_cast %scan3A_671 : i32 to index
          %swap3A_1469 = arith.constant 16 : index
          %swap3A_1470 = tpu.vector_load %arg13[%swap3A_1467, %swap3A_1468, %swap3A_1469] {strides = array<i32>} : memref<2x16x64xf32, #tpu.memory_space<vmem>>, vector<16xf32>,
          tpu.vector_store %arg13[%swap3A_1467, %swap3A_1468, %swap3A_1469], %add3A_1445 {strides = array<i32>} : memref<2x16x64xf32, #tpu.memory_space<vmem>>, vector<16xf32>,
          %swap3A_1471 = arith.index_cast %rem3A_101 : i32 to index
          %swap3A_1472 = arith.index_cast %scan3A_671 : i32 to index
          %swap3A_1473 = arith.constant 32 : index
          %swap3A_1474 = tpu.vector_load %arg13[%swap3A_1471, %swap3A_1472, %swap3A_1473] {strides = array<i32>} : memref<2x16x64xf32, #tpu.memory_space<vmem>>, vector<16xf32>,
          tpu.vector_store %arg13[%swap3A_1471, %swap3A_1472, %swap3A_1473], %add3A_1454 {strides = array<i32>} : memref<2x16x64xf32, #tpu.memory_space<vmem>>, vector<16xf32>,
          %swap3A_1475 = arith.index_cast %rem3A_101 : i32 to index
          %swap3A_1476 = arith.index_cast %scan3A_671 : i32 to index
          %swap3A_1477 = arith.constant 48 : index
          %swap3A_1478 = tpu.vector_load %arg13[%swap3A_1475, %swap3A_1476, %swap3A_1477] {strides = array<i32>} : memref<2x16x64xf32, #tpu.memory_space<vmem>>, vector<16xf32>,
          tpu.vector_store %arg13[%swap3A_1475, %swap3A_1476, %swap3A_1477], %add3A_1463 {strides = array<i32>} : memref<2x16x64xf32, #tpu.memory_space<vmem>>, vector<16xf32>,
        }
        %scan3A_654 = arith.constant 16 : i32
        %add3A_655 = arith.addi %mul3A_12, %mul3A_2 : i32
        %add3A_656 = arith.addi %add3A_655, %mul3A_99 : i32
        %dma_start3A_657 = arith.constant 0 : i32
        %dma_start3A_658 = arith.constant 0 : i32
        %dma_start3A_659 = tpu.memref_slice %arg13[%rem3A_101, %dma_start3A_657, %dma_start3A_658] : memref<2x16x64xf32, #tpu.memory_space<vmem>> -> memref<1x16x64xf32, #tpu.memory_space<vmem>>
        %dma_start3A_660 = tpu.memref_squeeze %dma_start3A_659 : memref<1x16x64xf32, #tpu.memory_space<vmem>> -> memref<16x64xf32, #tpu.memory_space<vmem>>
        %dma_start3A_661 = arith.constant 0 : i32
        %dma_start3A_662 = tpu.memref_slice %arg6[%add3A_656, %dma_start3A_661] : memref<32768x64xf32, #tpu.memory_space<hbm>> -> memref<16x64xf32, #tpu.memory_space<hbm>>
        %dma_start3A_663 = tpu.memref_slice %arg15[%rem3A_101] : memref<2x!tpu.dma_semaphore, #tpu.memory_space<semaphore_mem>> -> memref<1x!tpu.dma_semaphore, #tpu.memory_space<semaphore_mem>>
        %dma_start3A_664 = tpu.memref_squeeze %dma_start3A_663 : memref<1x!tpu.dma_semaphore, #tpu.memory_space<semaphore_mem>> -> memref<!tpu.dma_semaphore, #tpu.memory_space<semaphore_mem>>
        %dma_start3A_665 = arith.constant 0 : i32
        %dma_start3A_666 = tpu.memref_slice %arg6[%add3A_656, %dma_start3A_665] : memref<32768x64xf32, #tpu.memory_space<hbm>> -> memref<16x64xf32, #tpu.memory_space<hbm>>
        %dma_start3A_667 = arith.constant 0 : i32
        %dma_start3A_668 = arith.constant 0 : i32
        %dma_start3A_669 = tpu.memref_slice %arg13[%rem3A_101, %dma_start3A_667, %dma_start3A_668] : memref<2x16x64xf32, #tpu.memory_space<vmem>> -> memref<1x16x64xf32, #tpu.memory_space<vmem>>
        %dma_start3A_670 = tpu.memref_squeeze %dma_start3A_669 : memref<1x16x64xf32, #tpu.memory_space<vmem>> -> memref<16x64xf32, #tpu.memory_space<vmem>>
        tpu.enqueue_dma source(%dma_start3A_670 : memref<16x64xf32, #tpu.memory_space<vmem>>) target(%dma_start3A_666 : memref<16x64xf32, #tpu.memory_space<hbm>>) target_semaphore(%dma_start3A_664 : memref<!tpu.dma_semaphore, #tpu.memory_space<semaphore_mem>>)
      }
      %scan3A_59 = arith.constant 8 : i32
      %add3A_60 = arith.addi %mul3A_12, %mul3A_2 : i32
      %add3A_61 = arith.constant 96 : i32
      %add3A_62 = arith.addi %add3A_60, %add3A_61 : i32
      %dma_wait3A = arith.constant 0 : i32
      %dma_wait3A_63 = arith.constant 0 : i32
      %dma_wait3A_64 = arith.constant 0 : i32
      %dma_wait3A_65 = arith.constant 0 : i32
      %dma_wait3A_66 = tpu.memref_slice %arg13[%dma_wait3A, %dma_wait3A_64, %dma_wait3A_65] : memref<2x16x64xf32, #tpu.memory_space<vmem>> -> memref<1x16x64xf32, #tpu.memory_space<vmem>>
      %dma_wait3A_67 = tpu.memref_squeeze %dma_wait3A_66 : memref<1x16x64xf32, #tpu.memory_space<vmem>> -> memref<16x64xf32, #tpu.memory_space<vmem>>
      %dma_wait3A_68 = arith.constant 0 : i32
      %dma_wait3A_69 = tpu.memref_slice %arg6[%add3A_62, %dma_wait3A_68] : memref<32768x64xf32, #tpu.memory_space<hbm>> -> memref<16x64xf32, #tpu.memory_space<hbm>>
      %dma_wait3A_70 = tpu.memref_slice %arg15[%dma_wait3A_63] : memref<2x!tpu.dma_semaphore, #tpu.memory_space<semaphore_mem>> -> memref<1x!tpu.dma_semaphore, #tpu.memory_space<semaphore_mem>>
      %dma_wait3A_71 = tpu.memref_squeeze %dma_wait3A_70 : memref<1x!tpu.dma_semaphore, #tpu.memory_space<semaphore_mem>> -> memref<!tpu.dma_semaphore, #tpu.memory_space<semaphore_mem>>
      %dma_wait3A_72 = arith.constant 0 : i32
      %dma_wait3A_73 = tpu.memref_slice %arg6[%add3A_62, %dma_wait3A_72] : memref<32768x64xf32, #tpu.memory_space<hbm>> -> memref<16x64xf32, #tpu.memory_space<hbm>>
      %dma_wait3A_74 = arith.constant 0 : i32
      %dma_wait3A_75 = arith.constant 0 : i32
      %dma_wait3A_76 = tpu.memref_slice %arg13[%dma_wait3A, %dma_wait3A_74, %dma_wait3A_75] : memref<2x16x64xf32, #tpu.memory_space<vmem>> -> memref<1x16x64xf32, #tpu.memory_space<vmem>>
      %dma_wait3A_77 = tpu.memref_squeeze %dma_wait3A_76 : memref<1x16x64xf32, #tpu.memory_space<vmem>> -> memref<16x64xf32, #tpu.memory_space<vmem>>
      tpu.wait_dma2 semaphore(%dma_wait3A_71 : memref<!tpu.dma_semaphore, #tpu.memory_space<semaphore_mem>>) src(%dma_wait3A_77 : memref<16x64xf32, #tpu.memory_space<vmem>>) dst(%dma_wait3A_73 : memref<16x64xf32, #tpu.memory_space<hbm>>)
      %add3A_78 = arith.addi %mul3A_12, %mul3A_2 : i32
      %add3A_79 = arith.constant 112 : i32
      %add3A_80 = arith.addi %add3A_78, %add3A_79 : i32
      %dma_wait3A_81 = arith.constant 1 : i32
      %dma_wait3A_82 = arith.constant 1 : i32
      %dma_wait3A_83 = arith.constant 0 : i32
      %dma_wait3A_84 = arith.constant 0 : i32
      %dma_wait3A_85 = tpu.memref_slice %arg13[%dma_wait3A_81, %dma_wait3A_83, %dma_wait3A_84] : memref<2x16x64xf32, #tpu.memory_space<vmem>> -> memref<1x16x64xf32, #tpu.memory_space<vmem>>
      %dma_wait3A_86 = tpu.memref_squeeze %dma_wait3A_85 : memref<1x16x64xf32, #tpu.memory_space<vmem>> -> memref<16x64xf32, #tpu.memory_space<vmem>>
      %dma_wait3A_87 = arith.constant 0 : i32
      %dma_wait3A_88 = tpu.memref_slice %arg6[%add3A_80, %dma_wait3A_87] : memref<32768x64xf32, #tpu.memory_space<hbm>> -> memref<16x64xf32, #tpu.memory_space<hbm>>
      %dma_wait3A_89 = tpu.memref_slice %arg15[%dma_wait3A_82] : memref<2x!tpu.dma_semaphore, #tpu.memory_space<semaphore_mem>> -> memref<1x!tpu.dma_semaphore, #tpu.memory_space<semaphore_mem>>
      %dma_wait3A_90 = tpu.memref_squeeze %dma_wait3A_89 : memref<1x!tpu.dma_semaphore, #tpu.memory_space<semaphore_mem>> -> memref<!tpu.dma_semaphore, #tpu.memory_space<semaphore_mem>>
      %dma_wait3A_91 = arith.constant 0 : i32
      %dma_wait3A_92 = tpu.memref_slice %arg6[%add3A_80, %dma_wait3A_91] : memref<32768x64xf32, #tpu.memory_space<hbm>> -> memref<16x64xf32, #tpu.memory_space<hbm>>
      %dma_wait3A_93 = arith.constant 0 : i32
      %dma_wait3A_94 = arith.constant 0 : i32
      %dma_wait3A_95 = tpu.memref_slice %arg13[%dma_wait3A_81, %dma_wait3A_93, %dma_wait3A_94] : memref<2x16x64xf32, #tpu.memory_space<vmem>> -> memref<1x16x64xf32, #tpu.memory_space<vmem>>
      %dma_wait3A_96 = tpu.memref_squeeze %dma_wait3A_95 : memref<1x16x64xf32, #tpu.memory_space<vmem>> -> memref<16x64xf32, #tpu.memory_space<vmem>>
      tpu.wait_dma2 semaphore(%dma_wait3A_90 : memref<!tpu.dma_semaphore, #tpu.memory_space<semaphore_mem>>) src(%dma_wait3A_96 : memref<16x64xf32, #tpu.memory_space<vmem>>) dst(%dma_wait3A_92 : memref<16x64xf32, #tpu.memory_space<hbm>>)
    }
    %scan3A_9 = arith.constant 8 : i32
    return
  }
}

module attributes {stable_mosaic.version = 14 : i64} {
  func.func @_lin_body(%arg0: i32, %arg1: memref<1x4096x128xf32, #tpu.memory_space<vmem>>, %arg2: memref<128x64xf32, #tpu.memory_space<vmem>>, %arg3: memref<4096x64xf32, #tpu.memory_space<vmem>>, %arg4: memref<1x64xf32, #tpu.memory_space<vmem>>, %arg5: memref<1x64xf32, #tpu.memory_space<vmem>>, %arg6: memref<1x64xf32, #tpu.memory_space<vmem>>, %arg7: memref<1x64xf32, #tpu.memory_space<vmem>>, %arg8: memref<1x4096x64xf32, #tpu.memory_space<vmem>>, %arg9: memref<1x1x4096xf32, #tpu.memory_space<vmem>>, %arg10: memref<1x1x4096xf32, #tpu.memory_space<vmem>>) attributes {dimension_semantics = [#tpu.dimension_semantics<arbitrary>], iteration_bounds = array<i64: 8>, scalar_prefetch = 0 : i64, scratch_operands = 0 : i64, tpu.core_type = #tpu.core_type<tc>, window_params = [{transform_indices = @transform_0, window_bounds = array<i64: 1, 4096, 128>}, {pipeline_mode = #tpu.pipeline_mode<synchronous>, transform_indices = @transform_1, window_bounds = array<i64: 128, 64>}, {pipeline_mode = #tpu.pipeline_mode<synchronous>, transform_indices = @transform_2, window_bounds = array<i64: 4096, 64>}, {pipeline_mode = #tpu.pipeline_mode<synchronous>, transform_indices = @transform_3, window_bounds = array<i64: 1, 64>}, {pipeline_mode = #tpu.pipeline_mode<synchronous>, transform_indices = @transform_4, window_bounds = array<i64: 1, 64>}, {pipeline_mode = #tpu.pipeline_mode<synchronous>, transform_indices = @transform_5, window_bounds = array<i64: 1, 64>}, {pipeline_mode = #tpu.pipeline_mode<synchronous>, transform_indices = @transform_6, window_bounds = array<i64: 1, 64>}, {transform_indices = @transform_7, window_bounds = array<i64: 1, 4096, 64>}, {transform_indices = @transform_8, window_bounds = array<i64: 1, 1, 4096>}, {transform_indices = @transform_9, window_bounds = array<i64: 1, 1, 4096>}]} {
    %get3A = arith.constant 0 : index
    %get3A_0 = arith.constant 0 : index
    %get3A_1 = arith.constant 0 : index
    %get3A_2 = vector.load %arg1[%get3A, %get3A_0, %get3A_1] : memref<1x4096x128xf32, #tpu.memory_space<vmem>>, vector<1x4096x128xf32>
    %get3A_3 = vector.shape_cast %get3A_2 : vector<1x4096x128xf32> to vector<4096x128xf32>
    %get3A_4 = arith.constant 0 : index
    %get3A_5 = arith.constant 0 : index
    %get3A_6 = vector.load %arg2[%get3A_4, %get3A_5] : memref<128x64xf32, #tpu.memory_space<vmem>>, vector<128x64xf32>
    %dot_general3A = arith.constant dense<0.000000e+00> : vector<4096x64xf32>
    %dot_general3A_7 = tpu.matmul %get3A_3, %get3A_6, %dot_general3A {dimension_numbers = #tpu.dot_dimension_numbers<[1], [0], [0], [1], [0, 0, 1, 1], [], []>, transpose_lhs_hint = false} : vector<4096x128xf32>, vector<128x64xf32>, vector<4096x64xf32> -> vector<4096x64xf32>
    %swap3A = arith.constant 0 : index
    %swap3A_8 = arith.constant 0 : index
    %swap3A_9 = arith.constant 0 : index
    %swap3A_10 = vector.load %arg8[%swap3A, %swap3A_8, %swap3A_9] : memref<1x4096x64xf32, #tpu.memory_space<vmem>>, vector<1x4096x64xf32>
    %swap3A_11 = vector.shape_cast %swap3A_10 : vector<1x4096x64xf32> to vector<4096x64xf32>
    %swap3A_12 = vector.shape_cast %dot_general3A_7 : vector<4096x64xf32> to vector<1x4096x64xf32>
    tpu.vector_store %arg8[%swap3A, %swap3A_8, %swap3A_9], %swap3A_12 {strides = array<i32>} : memref<1x4096x64xf32, #tpu.memory_space<vmem>>, vector<1x4096x64xf32>,
    %get3A_13 = arith.constant 0 : index
    %get3A_14 = arith.constant 0 : index
    %get3A_15 = vector.load %arg3[%get3A_13, %get3A_14] : memref<4096x64xf32, #tpu.memory_space<vmem>>, vector<4096x64xf32>
    %get3A_16 = arith.constant 0 : index
    %get3A_17 = arith.constant 0 : index
    %get3A_18 = vector.load %arg6[%get3A_16, %get3A_17] : memref<1x64xf32, #tpu.memory_space<vmem>>, vector<1x64xf32>
    %mul3A = vector.broadcast %get3A_18 : vector<1x64xf32> to vector<4096x64xf32>
    %mul3A_19 = arith.mulf %get3A_15, %mul3A : vector<4096x64xf32>
    %reduce_sum3A = arith.constant dense<0.000000e+00> : vector<4096xf32>
    %reduce_sum3A_20 = vector.multi_reduction <add>, %mul3A_19, %reduce_sum3A [1] : vector<4096x64xf32> to vector<4096xf32>
    %get3A_21 = arith.constant 0 : index
    %get3A_22 = arith.constant 0 : index
    %get3A_23 = vector.load %arg7[%get3A_21, %get3A_22] : memref<1x64xf32, #tpu.memory_space<vmem>>, vector<1x64xf32>
    %mul3A_24 = vector.broadcast %get3A_23 : vector<1x64xf32> to vector<4096x64xf32>
    %mul3A_25 = arith.mulf %get3A_15, %mul3A_24 : vector<4096x64xf32>
    %reduce_sum3A_26 = arith.constant dense<0.000000e+00> : vector<4096xf32>
    %reduce_sum3A_27 = vector.multi_reduction <add>, %mul3A_25, %reduce_sum3A_26 [1] : vector<4096x64xf32> to vector<4096xf32>
    %get3A_28 = arith.constant 0 : index
    %get3A_29 = arith.constant 0 : index
    %get3A_30 = vector.load %arg4[%get3A_28, %get3A_29] : memref<1x64xf32, #tpu.memory_space<vmem>>, vector<1x64xf32>
    %mul3A_31 = vector.broadcast %get3A_30 : vector<1x64xf32> to vector<4096x64xf32>
    %mul3A_32 = arith.mulf %dot_general3A_7, %mul3A_31 : vector<4096x64xf32>
    %reduce_sum3A_33 = arith.constant dense<0.000000e+00> : vector<4096xf32>
    %reduce_sum3A_34 = vector.multi_reduction <add>, %mul3A_32, %reduce_sum3A_33 [1] : vector<4096x64xf32> to vector<4096xf32>
    %add3A = arith.addf %reduce_sum3A_34, %reduce_sum3A_20 : vector<4096xf32>
    %swap3A_35 = arith.constant 0 : index
    %swap3A_36 = arith.constant 0 : index
    %swap3A_37 = arith.constant 0 : index
    %swap3A_38 = vector.load %arg9[%swap3A_35, %swap3A_36, %swap3A_37] : memref<1x1x4096xf32, #tpu.memory_space<vmem>>, vector<1x1x4096xf32>
    %swap3A_39 = vector.shape_cast %swap3A_38 : vector<1x1x4096xf32> to vector<4096xf32>
    %swap3A_40 = vector.shape_cast %add3A : vector<4096xf32> to vector<1x1x4096xf32>
    tpu.vector_store %arg9[%swap3A_35, %swap3A_36, %swap3A_37], %swap3A_40 {strides = array<i32>} : memref<1x1x4096xf32, #tpu.memory_space<vmem>>, vector<1x1x4096xf32>,
    %get3A_41 = arith.constant 0 : index
    %get3A_42 = arith.constant 0 : index
    %get3A_43 = vector.load %arg5[%get3A_41, %get3A_42] : memref<1x64xf32, #tpu.memory_space<vmem>>, vector<1x64xf32>
    %mul3A_44 = vector.broadcast %get3A_43 : vector<1x64xf32> to vector<4096x64xf32>
    %mul3A_45 = arith.mulf %dot_general3A_7, %mul3A_44 : vector<4096x64xf32>
    %reduce_sum3A_46 = arith.constant dense<0.000000e+00> : vector<4096xf32>
    %reduce_sum3A_47 = vector.multi_reduction <add>, %mul3A_45, %reduce_sum3A_46 [1] : vector<4096x64xf32> to vector<4096xf32>
    %add3A_48 = arith.addf %reduce_sum3A_47, %reduce_sum3A_27 : vector<4096xf32>
    %swap3A_49 = arith.constant 0 : index
    %swap3A_50 = arith.constant 0 : index
    %swap3A_51 = arith.constant 0 : index
    %swap3A_52 = vector.load %arg10[%swap3A_49, %swap3A_50, %swap3A_51] : memref<1x1x4096xf32, #tpu.memory_space<vmem>>, vector<1x1x4096xf32>
    %swap3A_53 = vector.shape_cast %swap3A_52 : vector<1x1x4096xf32> to vector<4096xf32>
    %swap3A_54 = vector.shape_cast %add3A_48 : vector<4096xf32> to vector<1x1x4096xf32>
    tpu.vector_store %arg10[%swap3A_49, %swap3A_50, %swap3A_51], %swap3A_54 {strides = array<i32>} : memref<1x1x4096xf32, #tpu.memory_space<vmem>>, vector<1x1x4096xf32>,
    return
  }
  func.func @transform_0(%arg0: i32) -> (i32, i32, i32) {
    %c0_i32 = arith.constant 0 : i32
    %c0_i32_0 = arith.constant 0 : i32
    %c0_i32_1 = arith.constant 0 : i32
    return %arg0, %c0_i32, %c0_i32_0 : i32, i32, i32
  }
  func.func @transform_1(%arg0: i32) -> (i32, i32) {
    %c0_i32 = arith.constant 0 : i32
    %c0_i32_0 = arith.constant 0 : i32
    %c0_i32_1 = arith.constant 0 : i32
    return %c0_i32, %c0_i32_0 : i32, i32
  }
  func.func @transform_2(%arg0: i32) -> (i32, i32) {
    %c0_i32 = arith.constant 0 : i32
    %c0_i32_0 = arith.constant 0 : i32
    %c0_i32_1 = arith.constant 0 : i32
    return %c0_i32, %c0_i32_0 : i32, i32
  }
  func.func @transform_3(%arg0: i32) -> (i32, i32) {
    %c0_i32 = arith.constant 0 : i32
    %c0_i32_0 = arith.constant 0 : i32
    %c0_i32_1 = arith.constant 0 : i32
    return %c0_i32, %c0_i32_0 : i32, i32
  }
  func.func @transform_4(%arg0: i32) -> (i32, i32) {
    %c0_i32 = arith.constant 0 : i32
    %c0_i32_0 = arith.constant 0 : i32
    %c0_i32_1 = arith.constant 0 : i32
    return %c0_i32, %c0_i32_0 : i32, i32
  }
  func.func @transform_5(%arg0: i32) -> (i32, i32) {
    %c0_i32 = arith.constant 0 : i32
    %c0_i32_0 = arith.constant 0 : i32
    %c0_i32_1 = arith.constant 0 : i32
    return %c0_i32, %c0_i32_0 : i32, i32
  }
  func.func @transform_6(%arg0: i32) -> (i32, i32) {
    %c0_i32 = arith.constant 0 : i32
    %c0_i32_0 = arith.constant 0 : i32
    %c0_i32_1 = arith.constant 0 : i32
    return %c0_i32, %c0_i32_0 : i32, i32
  }
  func.func @transform_7(%arg0: i32) -> (i32, i32, i32) {
    %c0_i32 = arith.constant 0 : i32
    %c0_i32_0 = arith.constant 0 : i32
    %c0_i32_1 = arith.constant 0 : i32
    return %arg0, %c0_i32, %c0_i32_0 : i32, i32, i32
  }
  func.func @transform_8(%arg0: i32) -> (i32, i32, i32) {
    %c0_i32 = arith.constant 0 : i32
    %c0_i32_0 = arith.constant 0 : i32
    %c0_i32_1 = arith.constant 0 : i32
    return %arg0, %c0_i32, %c0_i32_0 : i32, i32, i32
  }
  func.func @transform_9(%arg0: i32) -> (i32, i32, i32) {
    %c0_i32 = arith.constant 0 : i32
    %c0_i32_0 = arith.constant 0 : i32
    %c0_i32_1 = arith.constant 0 : i32
    return %arg0, %c0_i32, %c0_i32_0 : i32, i32, i32
  }
}

module attributes {stable_mosaic.version = 14 : i64} {
  func.func @_topk_body(%arg0: i32, %arg1: memref<128x64xf32, #tpu.memory_space<vmem>>, %arg2: memref<4096x64xf32, #tpu.memory_space<vmem>>, %arg3: memref<128x32xi32, #tpu.memory_space<vmem>>) attributes {dimension_semantics = [#tpu.dimension_semantics<arbitrary>], iteration_bounds = array<i64: 32>, scalar_prefetch = 0 : i64, scratch_operands = 0 : i64, tpu.core_type = #tpu.core_type<tc>, window_params = [{transform_indices = @transform_0, window_bounds = array<i64: 128, 64>}, {pipeline_mode = #tpu.pipeline_mode<synchronous>, transform_indices = @transform_1, window_bounds = array<i64: 4096, 64>}, {transform_indices = @transform_2, window_bounds = array<i64: 128, 32>}]} {
    %get3A = arith.constant 0 : index
    %get3A_0 = arith.constant 0 : index
    %get3A_1 = vector.load %arg1[%get3A, %get3A_0] : memref<128x64xf32, #tpu.memory_space<vmem>>, vector<128x64xf32>
    %get3A_2 = arith.constant 0 : index
    %get3A_3 = arith.constant 0 : index
    %get3A_4 = vector.load %arg2[%get3A_2, %get3A_3] : memref<4096x64xf32, #tpu.memory_space<vmem>>, vector<4096x64xf32>
    %mul3A = arith.mulf %get3A_4, %get3A_4 : vector<4096x64xf32>
    %reduce_sum3A = arith.constant dense<0.000000e+00> : vector<4096xf32>
    %reduce_sum3A_5 = vector.multi_reduction <add>, %mul3A, %reduce_sum3A [1] : vector<4096x64xf32> to vector<4096xf32>
    %dot_general3A = arith.constant dense<0.000000e+00> : vector<128x4096xf32>
    %dot_general3A_6 = tpu.matmul %get3A_1, %get3A_4, %dot_general3A {dimension_numbers = #tpu.dot_dimension_numbers<[1], [1], [0], [0], [0, 0, 1, 0], [], []>, transpose_lhs_hint = false} : vector<128x64xf32>, vector<4096x64xf32>, vector<128x4096xf32> -> vector<128x4096xf32>
    %sqrt3A = math.sqrt %reduce_sum3A_5 : vector<4096xf32>
    %broadcast_in_dim3A = vector.shape_cast %sqrt3A : vector<4096xf32> to vector<1x4096xf32>
    %div3A = vector.broadcast %broadcast_in_dim3A : vector<1x4096xf32> to vector<128x4096xf32>
    %div3A_7 = arith.divf %dot_general3A_6, %div3A : vector<128x4096xf32>
    %iota3A = tpu.iota {dimensions = array<i32: 1>} : vector<128x4096xi32>
    %reduce_max3A = arith.constant dense<0xFF800000> : vector<128xf32>
    %reduce_max3A_8 = vector.multi_reduction <maximumf>, %div3A_7, %reduce_max3A [1] : vector<128x4096xf32> to vector<128xf32>
    %broadcast_in_dim3A_9 = vector.shape_cast %reduce_max3A_8 : vector<128xf32> to vector<128x1xf32>
    %lt3A = vector.broadcast %broadcast_in_dim3A_9 : vector<128x1xf32> to vector<128x4096xf32>
    %lt3A_10 = arith.cmpf olt, %div3A_7, %lt3A : vector<128x4096xf32>
    %jit3A = arith.constant 4096 : i32
    %broadcast_in_dim3A_11 = vector.broadcast %jit3A : i32 to vector<128x4096xi32>
    %select_n3A = arith.select %lt3A_10, %broadcast_in_dim3A_11, %iota3A : vector<128x4096xi1>, vector<128x4096xi32>
    %reduce_min3A = arith.constant dense<2147483647> : vector<128xi32>
    %reduce_min3A_12 = vector.multi_reduction <minsi>, %select_n3A, %reduce_min3A [1] : vector<128x4096xi32> to vector<128xi32>
    %broadcast_in_dim3A_13 = vector.shape_cast %reduce_min3A_12 : vector<128xi32> to vector<128x1xi32>
    %eq3A = vector.broadcast %broadcast_in_dim3A_13 : vector<128x1xi32> to vector<128x4096xi32>
    %eq3A_14 = arith.cmpi eq, %iota3A, %eq3A : vector<128x4096xi32>
    %jit3A_15 = arith.constant 0xFF800000 : f32
    %broadcast_in_dim3A_16 = vector.broadcast %jit3A_15 : f32 to vector<128x4096xf32>
    %select_n3A_17 = arith.select %eq3A_14, %broadcast_in_dim3A_16, %div3A_7 : vector<128x4096xi1>, vector<128x4096xf32>
    %reduce_max3A_18 = arith.constant dense<0xFF800000> : vector<128xf32>
    %reduce_max3A_19 = vector.multi_reduction <maximumf>, %select_n3A_17, %reduce_max3A_18 [1] : vector<128x4096xf32> to vector<128xf32>
    %broadcast_in_dim3A_20 = vector.shape_cast %reduce_max3A_19 : vector<128xf32> to vector<128x1xf32>
    %lt3A_21 = vector.broadcast %broadcast_in_dim3A_20 : vector<128x1xf32> to vector<128x4096xf32>
    %lt3A_22 = arith.cmpf olt, %select_n3A_17, %lt3A_21 : vector<128x4096xf32>
    %jit3A_23 = arith.constant 4096 : i32
    %broadcast_in_dim3A_24 = vector.broadcast %jit3A_23 : i32 to vector<128x4096xi32>
    %select_n3A_25 = arith.select %lt3A_22, %broadcast_in_dim3A_24, %iota3A : vector<128x4096xi1>, vector<128x4096xi32>
    %reduce_min3A_26 = arith.constant dense<2147483647> : vector<128xi32>
    %reduce_min3A_27 = vector.multi_reduction <minsi>, %select_n3A_25, %reduce_min3A_26 [1] : vector<128x4096xi32> to vector<128xi32>
    %broadcast_in_dim3A_28 = vector.shape_cast %reduce_min3A_27 : vector<128xi32> to vector<128x1xi32>
    %eq3A_29 = vector.broadcast %broadcast_in_dim3A_28 : vector<128x1xi32> to vector<128x4096xi32>
    %eq3A_30 = arith.cmpi eq, %iota3A, %eq3A_29 : vector<128x4096xi32>
    %jit3A_31 = arith.constant 0xFF800000 : f32
    %broadcast_in_dim3A_32 = vector.broadcast %jit3A_31 : f32 to vector<128x4096xf32>
    %select_n3A_33 = arith.select %eq3A_30, %broadcast_in_dim3A_32, %select_n3A_17 : vector<128x4096xi1>, vector<128x4096xf32>
    %reduce_max3A_34 = arith.constant dense<0xFF800000> : vector<128xf32>
    %reduce_max3A_35 = vector.multi_reduction <maximumf>, %select_n3A_33, %reduce_max3A_34 [1] : vector<128x4096xf32> to vector<128xf32>
    %broadcast_in_dim3A_36 = vector.shape_cast %reduce_max3A_35 : vector<128xf32> to vector<128x1xf32>
    %lt3A_37 = vector.broadcast %broadcast_in_dim3A_36 : vector<128x1xf32> to vector<128x4096xf32>
    %lt3A_38 = arith.cmpf olt, %select_n3A_33, %lt3A_37 : vector<128x4096xf32>
    %jit3A_39 = arith.constant 4096 : i32
    %broadcast_in_dim3A_40 = vector.broadcast %jit3A_39 : i32 to vector<128x4096xi32>
    %select_n3A_41 = arith.select %lt3A_38, %broadcast_in_dim3A_40, %iota3A : vector<128x4096xi1>, vector<128x4096xi32>
    %reduce_min3A_42 = arith.constant dense<2147483647> : vector<128xi32>
    %reduce_min3A_43 = vector.multi_reduction <minsi>, %select_n3A_41, %reduce_min3A_42 [1] : vector<128x4096xi32> to vector<128xi32>
    %broadcast_in_dim3A_44 = vector.shape_cast %reduce_min3A_43 : vector<128xi32> to vector<128x1xi32>
    %eq3A_45 = vector.broadcast %broadcast_in_dim3A_44 : vector<128x1xi32> to vector<128x4096xi32>
    %eq3A_46 = arith.cmpi eq, %iota3A, %eq3A_45 : vector<128x4096xi32>
    %jit3A_47 = arith.constant 0xFF800000 : f32
    %broadcast_in_dim3A_48 = vector.broadcast %jit3A_47 : f32 to vector<128x4096xf32>
    %select_n3A_49 = arith.select %eq3A_46, %broadcast_in_dim3A_48, %select_n3A_33 : vector<128x4096xi1>, vector<128x4096xf32>
    %reduce_max3A_50 = arith.constant dense<0xFF800000> : vector<128xf32>
    %reduce_max3A_51 = vector.multi_reduction <maximumf>, %select_n3A_49, %reduce_max3A_50 [1] : vector<128x4096xf32> to vector<128xf32>
    %broadcast_in_dim3A_52 = vector.shape_cast %reduce_max3A_51 : vector<128xf32> to vector<128x1xf32>
    %lt3A_53 = vector.broadcast %broadcast_in_dim3A_52 : vector<128x1xf32> to vector<128x4096xf32>
    %lt3A_54 = arith.cmpf olt, %select_n3A_49, %lt3A_53 : vector<128x4096xf32>
    %jit3A_55 = arith.constant 4096 : i32
    %broadcast_in_dim3A_56 = vector.broadcast %jit3A_55 : i32 to vector<128x4096xi32>
    %select_n3A_57 = arith.select %lt3A_54, %broadcast_in_dim3A_56, %iota3A : vector<128x4096xi1>, vector<128x4096xi32>
    %reduce_min3A_58 = arith.constant dense<2147483647> : vector<128xi32>
    %reduce_min3A_59 = vector.multi_reduction <minsi>, %select_n3A_57, %reduce_min3A_58 [1] : vector<128x4096xi32> to vector<128xi32>
    %broadcast_in_dim3A_60 = vector.shape_cast %reduce_min3A_59 : vector<128xi32> to vector<128x1xi32>
    %eq3A_61 = vector.broadcast %broadcast_in_dim3A_60 : vector<128x1xi32> to vector<128x4096xi32>
    %eq3A_62 = arith.cmpi eq, %iota3A, %eq3A_61 : vector<128x4096xi32>
    %jit3A_63 = arith.constant 0xFF800000 : f32
    %broadcast_in_dim3A_64 = vector.broadcast %jit3A_63 : f32 to vector<128x4096xf32>
    %select_n3A_65 = arith.select %eq3A_62, %broadcast_in_dim3A_64, %select_n3A_49 : vector<128x4096xi1>, vector<128x4096xf32>
    %reduce_max3A_66 = arith.constant dense<0xFF800000> : vector<128xf32>
    %reduce_max3A_67 = vector.multi_reduction <maximumf>, %select_n3A_65, %reduce_max3A_66 [1] : vector<128x4096xf32> to vector<128xf32>
    %broadcast_in_dim3A_68 = vector.shape_cast %reduce_max3A_67 : vector<128xf32> to vector<128x1xf32>
    %lt3A_69 = vector.broadcast %broadcast_in_dim3A_68 : vector<128x1xf32> to vector<128x4096xf32>
    %lt3A_70 = arith.cmpf olt, %select_n3A_65, %lt3A_69 : vector<128x4096xf32>
    %jit3A_71 = arith.constant 4096 : i32
    %broadcast_in_dim3A_72 = vector.broadcast %jit3A_71 : i32 to vector<128x4096xi32>
    %select_n3A_73 = arith.select %lt3A_70, %broadcast_in_dim3A_72, %iota3A : vector<128x4096xi1>, vector<128x4096xi32>
    %reduce_min3A_74 = arith.constant dense<2147483647> : vector<128xi32>
    %reduce_min3A_75 = vector.multi_reduction <minsi>, %select_n3A_73, %reduce_min3A_74 [1] : vector<128x4096xi32> to vector<128xi32>
    %broadcast_in_dim3A_76 = vector.shape_cast %reduce_min3A_75 : vector<128xi32> to vector<128x1xi32>
    %eq3A_77 = vector.broadcast %broadcast_in_dim3A_76 : vector<128x1xi32> to vector<128x4096xi32>
    %eq3A_78 = arith.cmpi eq, %iota3A, %eq3A_77 : vector<128x4096xi32>
    %jit3A_79 = arith.constant 0xFF800000 : f32
    %broadcast_in_dim3A_80 = vector.broadcast %jit3A_79 : f32 to vector<128x4096xf32>
    %select_n3A_81 = arith.select %eq3A_78, %broadcast_in_dim3A_80, %select_n3A_65 : vector<128x4096xi1>, vector<128x4096xf32>
    %reduce_max3A_82 = arith.constant dense<0xFF800000> : vector<128xf32>
    %reduce_max3A_83 = vector.multi_reduction <maximumf>, %select_n3A_81, %reduce_max3A_82 [1] : vector<128x4096xf32> to vector<128xf32>
    %broadcast_in_dim3A_84 = vector.shape_cast %reduce_max3A_83 : vector<128xf32> to vector<128x1xf32>
    %lt3A_85 = vector.broadcast %broadcast_in_dim3A_84 : vector<128x1xf32> to vector<128x4096xf32>
    %lt3A_86 = arith.cmpf olt, %select_n3A_81, %lt3A_85 : vector<128x4096xf32>
    %jit3A_87 = arith.constant 4096 : i32
    %broadcast_in_dim3A_88 = vector.broadcast %jit3A_87 : i32 to vector<128x4096xi32>
    %select_n3A_89 = arith.select %lt3A_86, %broadcast_in_dim3A_88, %iota3A : vector<128x4096xi1>, vector<128x4096xi32>
    %reduce_min3A_90 = arith.constant dense<2147483647> : vector<128xi32>
    %reduce_min3A_91 = vector.multi_reduction <minsi>, %select_n3A_89, %reduce_min3A_90 [1] : vector<128x4096xi32> to vector<128xi32>
    %broadcast_in_dim3A_92 = vector.shape_cast %reduce_min3A_91 : vector<128xi32> to vector<128x1xi32>
    %eq3A_93 = vector.broadcast %broadcast_in_dim3A_92 : vector<128x1xi32> to vector<128x4096xi32>
    %eq3A_94 = arith.cmpi eq, %iota3A, %eq3A_93 : vector<128x4096xi32>
    %jit3A_95 = arith.constant 0xFF800000 : f32
    %broadcast_in_dim3A_96 = vector.broadcast %jit3A_95 : f32 to vector<128x4096xf32>
    %select_n3A_97 = arith.select %eq3A_94, %broadcast_in_dim3A_96, %select_n3A_81 : vector<128x4096xi1>, vector<128x4096xf32>
    %reduce_max3A_98 = arith.constant dense<0xFF800000> : vector<128xf32>
    %reduce_max3A_99 = vector.multi_reduction <maximumf>, %select_n3A_97, %reduce_max3A_98 [1] : vector<128x4096xf32> to vector<128xf32>
    %broadcast_in_dim3A_100 = vector.shape_cast %reduce_max3A_99 : vector<128xf32> to vector<128x1xf32>
    %lt3A_101 = vector.broadcast %broadcast_in_dim3A_100 : vector<128x1xf32> to vector<128x4096xf32>
    %lt3A_102 = arith.cmpf olt, %select_n3A_97, %lt3A_101 : vector<128x4096xf32>
    %jit3A_103 = arith.constant 4096 : i32
    %broadcast_in_dim3A_104 = vector.broadcast %jit3A_103 : i32 to vector<128x4096xi32>
    %select_n3A_105 = arith.select %lt3A_102, %broadcast_in_dim3A_104, %iota3A : vector<128x4096xi1>, vector<128x4096xi32>
    %reduce_min3A_106 = arith.constant dense<2147483647> : vector<128xi32>
    %reduce_min3A_107 = vector.multi_reduction <minsi>, %select_n3A_105, %reduce_min3A_106 [1] : vector<128x4096xi32> to vector<128xi32>
    %broadcast_in_dim3A_108 = vector.shape_cast %reduce_min3A_107 : vector<128xi32> to vector<128x1xi32>
    %eq3A_109 = vector.broadcast %broadcast_in_dim3A_108 : vector<128x1xi32> to vector<128x4096xi32>
    %eq3A_110 = arith.cmpi eq, %iota3A, %eq3A_109 : vector<128x4096xi32>
    %jit3A_111 = arith.constant 0xFF800000 : f32
    %broadcast_in_dim3A_112 = vector.broadcast %jit3A_111 : f32 to vector<128x4096xf32>
    %select_n3A_113 = arith.select %eq3A_110, %broadcast_in_dim3A_112, %select_n3A_97 : vector<128x4096xi1>, vector<128x4096xf32>
    %reduce_max3A_114 = arith.constant dense<0xFF800000> : vector<128xf32>
    %reduce_max3A_115 = vector.multi_reduction <maximumf>, %select_n3A_113, %reduce_max3A_114 [1] : vector<128x4096xf32> to vector<128xf32>
    %broadcast_in_dim3A_116 = vector.shape_cast %reduce_max3A_115 : vector<128xf32> to vector<128x1xf32>
    %lt3A_117 = vector.broadcast %broadcast_in_dim3A_116 : vector<128x1xf32> to vector<128x4096xf32>
    %lt3A_118 = arith.cmpf olt, %select_n3A_113, %lt3A_117 : vector<128x4096xf32>
    %jit3A_119 = arith.constant 4096 : i32
    %broadcast_in_dim3A_120 = vector.broadcast %jit3A_119 : i32 to vector<128x4096xi32>
    %select_n3A_121 = arith.select %lt3A_118, %broadcast_in_dim3A_120, %iota3A : vector<128x4096xi1>, vector<128x4096xi32>
    %reduce_min3A_122 = arith.constant dense<2147483647> : vector<128xi32>
    %reduce_min3A_123 = vector.multi_reduction <minsi>, %select_n3A_121, %reduce_min3A_122 [1] : vector<128x4096xi32> to vector<128xi32>
    %broadcast_in_dim3A_124 = vector.shape_cast %reduce_min3A_123 : vector<128xi32> to vector<128x1xi32>
    %eq3A_125 = vector.broadcast %broadcast_in_dim3A_124 : vector<128x1xi32> to vector<128x4096xi32>
    %eq3A_126 = arith.cmpi eq, %iota3A, %eq3A_125 : vector<128x4096xi32>
    %jit3A_127 = arith.constant 0xFF800000 : f32
    %broadcast_in_dim3A_128 = vector.broadcast %jit3A_127 : f32 to vector<128x4096xf32>
    %select_n3A_129 = arith.select %eq3A_126, %broadcast_in_dim3A_128, %select_n3A_113 : vector<128x4096xi1>, vector<128x4096xf32>
    %reduce_max3A_130 = arith.constant dense<0xFF800000> : vector<128xf32>
    %reduce_max3A_131 = vector.multi_reduction <maximumf>, %select_n3A_129, %reduce_max3A_130 [1] : vector<128x4096xf32> to vector<128xf32>
    %broadcast_in_dim3A_132 = vector.shape_cast %reduce_max3A_131 : vector<128xf32> to vector<128x1xf32>
    %lt3A_133 = vector.broadcast %broadcast_in_dim3A_132 : vector<128x1xf32> to vector<128x4096xf32>
    %lt3A_134 = arith.cmpf olt, %select_n3A_129, %lt3A_133 : vector<128x4096xf32>
    %jit3A_135 = arith.constant 4096 : i32
    %broadcast_in_dim3A_136 = vector.broadcast %jit3A_135 : i32 to vector<128x4096xi32>
    %select_n3A_137 = arith.select %lt3A_134, %broadcast_in_dim3A_136, %iota3A : vector<128x4096xi1>, vector<128x4096xi32>
    %reduce_min3A_138 = arith.constant dense<2147483647> : vector<128xi32>
    %reduce_min3A_139 = vector.multi_reduction <minsi>, %select_n3A_137, %reduce_min3A_138 [1] : vector<128x4096xi32> to vector<128xi32>
    %broadcast_in_dim3A_140 = vector.shape_cast %reduce_min3A_139 : vector<128xi32> to vector<128x1xi32>
    %eq3A_141 = vector.broadcast %broadcast_in_dim3A_140 : vector<128x1xi32> to vector<128x4096xi32>
    %eq3A_142 = arith.cmpi eq, %iota3A, %eq3A_141 : vector<128x4096xi32>
    %jit3A_143 = arith.constant 0xFF800000 : f32
    %broadcast_in_dim3A_144 = vector.broadcast %jit3A_143 : f32 to vector<128x4096xf32>
    %select_n3A_145 = arith.select %eq3A_142, %broadcast_in_dim3A_144, %select_n3A_129 : vector<128x4096xi1>, vector<128x4096xf32>
    %reduce_max3A_146 = arith.constant dense<0xFF800000> : vector<128xf32>
    %reduce_max3A_147 = vector.multi_reduction <maximumf>, %select_n3A_145, %reduce_max3A_146 [1] : vector<128x4096xf32> to vector<128xf32>
    %broadcast_in_dim3A_148 = vector.shape_cast %reduce_max3A_147 : vector<128xf32> to vector<128x1xf32>
    %lt3A_149 = vector.broadcast %broadcast_in_dim3A_148 : vector<128x1xf32> to vector<128x4096xf32>
    %lt3A_150 = arith.cmpf olt, %select_n3A_145, %lt3A_149 : vector<128x4096xf32>
    %jit3A_151 = arith.constant 4096 : i32
    %broadcast_in_dim3A_152 = vector.broadcast %jit3A_151 : i32 to vector<128x4096xi32>
    %select_n3A_153 = arith.select %lt3A_150, %broadcast_in_dim3A_152, %iota3A : vector<128x4096xi1>, vector<128x4096xi32>
    %reduce_min3A_154 = arith.constant dense<2147483647> : vector<128xi32>
    %reduce_min3A_155 = vector.multi_reduction <minsi>, %select_n3A_153, %reduce_min3A_154 [1] : vector<128x4096xi32> to vector<128xi32>
    %broadcast_in_dim3A_156 = vector.shape_cast %reduce_min3A_155 : vector<128xi32> to vector<128x1xi32>
    %eq3A_157 = vector.broadcast %broadcast_in_dim3A_156 : vector<128x1xi32> to vector<128x4096xi32>
    %eq3A_158 = arith.cmpi eq, %iota3A, %eq3A_157 : vector<128x4096xi32>
    %jit3A_159 = arith.constant 0xFF800000 : f32
    %broadcast_in_dim3A_160 = vector.broadcast %jit3A_159 : f32 to vector<128x4096xf32>
    %select_n3A_161 = arith.select %eq3A_158, %broadcast_in_dim3A_160, %select_n3A_145 : vector<128x4096xi1>, vector<128x4096xf32>
    %reduce_max3A_162 = arith.constant dense<0xFF800000> : vector<128xf32>
    %reduce_max3A_163 = vector.multi_reduction <maximumf>, %select_n3A_161, %reduce_max3A_162 [1] : vector<128x4096xf32> to vector<128xf32>
    %broadcast_in_dim3A_164 = vector.shape_cast %reduce_max3A_163 : vector<128xf32> to vector<128x1xf32>
    %lt3A_165 = vector.broadcast %broadcast_in_dim3A_164 : vector<128x1xf32> to vector<128x4096xf32>
    %lt3A_166 = arith.cmpf olt, %select_n3A_161, %lt3A_165 : vector<128x4096xf32>
    %jit3A_167 = arith.constant 4096 : i32
    %broadcast_in_dim3A_168 = vector.broadcast %jit3A_167 : i32 to vector<128x4096xi32>
    %select_n3A_169 = arith.select %lt3A_166, %broadcast_in_dim3A_168, %iota3A : vector<128x4096xi1>, vector<128x4096xi32>
    %reduce_min3A_170 = arith.constant dense<2147483647> : vector<128xi32>
    %reduce_min3A_171 = vector.multi_reduction <minsi>, %select_n3A_169, %reduce_min3A_170 [1] : vector<128x4096xi32> to vector<128xi32>
    %broadcast_in_dim3A_172 = vector.shape_cast %reduce_min3A_171 : vector<128xi32> to vector<128x1xi32>
    %eq3A_173 = vector.broadcast %broadcast_in_dim3A_172 : vector<128x1xi32> to vector<128x4096xi32>
    %eq3A_174 = arith.cmpi eq, %iota3A, %eq3A_173 : vector<128x4096xi32>
    %jit3A_175 = arith.constant 0xFF800000 : f32
    %broadcast_in_dim3A_176 = vector.broadcast %jit3A_175 : f32 to vector<128x4096xf32>
    %select_n3A_177 = arith.select %eq3A_174, %broadcast_in_dim3A_176, %select_n3A_161 : vector<128x4096xi1>, vector<128x4096xf32>
    %reduce_max3A_178 = arith.constant dense<0xFF800000> : vector<128xf32>
    %reduce_max3A_179 = vector.multi_reduction <maximumf>, %select_n3A_177, %reduce_max3A_178 [1] : vector<128x4096xf32> to vector<128xf32>
    %broadcast_in_dim3A_180 = vector.shape_cast %reduce_max3A_179 : vector<128xf32> to vector<128x1xf32>
    %lt3A_181 = vector.broadcast %broadcast_in_dim3A_180 : vector<128x1xf32> to vector<128x4096xf32>
    %lt3A_182 = arith.cmpf olt, %select_n3A_177, %lt3A_181 : vector<128x4096xf32>
    %jit3A_183 = arith.constant 4096 : i32
    %broadcast_in_dim3A_184 = vector.broadcast %jit3A_183 : i32 to vector<128x4096xi32>
    %select_n3A_185 = arith.select %lt3A_182, %broadcast_in_dim3A_184, %iota3A : vector<128x4096xi1>, vector<128x4096xi32>
    %reduce_min3A_186 = arith.constant dense<2147483647> : vector<128xi32>
    %reduce_min3A_187 = vector.multi_reduction <minsi>, %select_n3A_185, %reduce_min3A_186 [1] : vector<128x4096xi32> to vector<128xi32>
    %broadcast_in_dim3A_188 = vector.shape_cast %reduce_min3A_187 : vector<128xi32> to vector<128x1xi32>
    %eq3A_189 = vector.broadcast %broadcast_in_dim3A_188 : vector<128x1xi32> to vector<128x4096xi32>
    %eq3A_190 = arith.cmpi eq, %iota3A, %eq3A_189 : vector<128x4096xi32>
    %jit3A_191 = arith.constant 0xFF800000 : f32
    %broadcast_in_dim3A_192 = vector.broadcast %jit3A_191 : f32 to vector<128x4096xf32>
    %select_n3A_193 = arith.select %eq3A_190, %broadcast_in_dim3A_192, %select_n3A_177 : vector<128x4096xi1>, vector<128x4096xf32>
    %reduce_max3A_194 = arith.constant dense<0xFF800000> : vector<128xf32>
    %reduce_max3A_195 = vector.multi_reduction <maximumf>, %select_n3A_193, %reduce_max3A_194 [1] : vector<128x4096xf32> to vector<128xf32>
    %broadcast_in_dim3A_196 = vector.shape_cast %reduce_max3A_195 : vector<128xf32> to vector<128x1xf32>
    %lt3A_197 = vector.broadcast %broadcast_in_dim3A_196 : vector<128x1xf32> to vector<128x4096xf32>
    %lt3A_198 = arith.cmpf olt, %select_n3A_193, %lt3A_197 : vector<128x4096xf32>
    %jit3A_199 = arith.constant 4096 : i32
    %broadcast_in_dim3A_200 = vector.broadcast %jit3A_199 : i32 to vector<128x4096xi32>
    %select_n3A_201 = arith.select %lt3A_198, %broadcast_in_dim3A_200, %iota3A : vector<128x4096xi1>, vector<128x4096xi32>
    %reduce_min3A_202 = arith.constant dense<2147483647> : vector<128xi32>
    %reduce_min3A_203 = vector.multi_reduction <minsi>, %select_n3A_201, %reduce_min3A_202 [1] : vector<128x4096xi32> to vector<128xi32>
    %broadcast_in_dim3A_204 = vector.shape_cast %reduce_min3A_203 : vector<128xi32> to vector<128x1xi32>
    %eq3A_205 = vector.broadcast %broadcast_in_dim3A_204 : vector<128x1xi32> to vector<128x4096xi32>
    %eq3A_206 = arith.cmpi eq, %iota3A, %eq3A_205 : vector<128x4096xi32>
    %jit3A_207 = arith.constant 0xFF800000 : f32
    %broadcast_in_dim3A_208 = vector.broadcast %jit3A_207 : f32 to vector<128x4096xf32>
    %select_n3A_209 = arith.select %eq3A_206, %broadcast_in_dim3A_208, %select_n3A_193 : vector<128x4096xi1>, vector<128x4096xf32>
    %reduce_max3A_210 = arith.constant dense<0xFF800000> : vector<128xf32>
    %reduce_max3A_211 = vector.multi_reduction <maximumf>, %select_n3A_209, %reduce_max3A_210 [1] : vector<128x4096xf32> to vector<128xf32>
    %broadcast_in_dim3A_212 = vector.shape_cast %reduce_max3A_211 : vector<128xf32> to vector<128x1xf32>
    %lt3A_213 = vector.broadcast %broadcast_in_dim3A_212 : vector<128x1xf32> to vector<128x4096xf32>
    %lt3A_214 = arith.cmpf olt, %select_n3A_209, %lt3A_213 : vector<128x4096xf32>
    %jit3A_215 = arith.constant 4096 : i32
    %broadcast_in_dim3A_216 = vector.broadcast %jit3A_215 : i32 to vector<128x4096xi32>
    %select_n3A_217 = arith.select %lt3A_214, %broadcast_in_dim3A_216, %iota3A : vector<128x4096xi1>, vector<128x4096xi32>
    %reduce_min3A_218 = arith.constant dense<2147483647> : vector<128xi32>
    %reduce_min3A_219 = vector.multi_reduction <minsi>, %select_n3A_217, %reduce_min3A_218 [1] : vector<128x4096xi32> to vector<128xi32>
    %broadcast_in_dim3A_220 = vector.shape_cast %reduce_min3A_219 : vector<128xi32> to vector<128x1xi32>
    %eq3A_221 = vector.broadcast %broadcast_in_dim3A_220 : vector<128x1xi32> to vector<128x4096xi32>
    %eq3A_222 = arith.cmpi eq, %iota3A, %eq3A_221 : vector<128x4096xi32>
    %jit3A_223 = arith.constant 0xFF800000 : f32
    %broadcast_in_dim3A_224 = vector.broadcast %jit3A_223 : f32 to vector<128x4096xf32>
    %select_n3A_225 = arith.select %eq3A_222, %broadcast_in_dim3A_224, %select_n3A_209 : vector<128x4096xi1>, vector<128x4096xf32>
    %reduce_max3A_226 = arith.constant dense<0xFF800000> : vector<128xf32>
    %reduce_max3A_227 = vector.multi_reduction <maximumf>, %select_n3A_225, %reduce_max3A_226 [1] : vector<128x4096xf32> to vector<128xf32>
    %broadcast_in_dim3A_228 = vector.shape_cast %reduce_max3A_227 : vector<128xf32> to vector<128x1xf32>
    %lt3A_229 = vector.broadcast %broadcast_in_dim3A_228 : vector<128x1xf32> to vector<128x4096xf32>
    %lt3A_230 = arith.cmpf olt, %select_n3A_225, %lt3A_229 : vector<128x4096xf32>
    %jit3A_231 = arith.constant 4096 : i32
    %broadcast_in_dim3A_232 = vector.broadcast %jit3A_231 : i32 to vector<128x4096xi32>
    %select_n3A_233 = arith.select %lt3A_230, %broadcast_in_dim3A_232, %iota3A : vector<128x4096xi1>, vector<128x4096xi32>
    %reduce_min3A_234 = arith.constant dense<2147483647> : vector<128xi32>
    %reduce_min3A_235 = vector.multi_reduction <minsi>, %select_n3A_233, %reduce_min3A_234 [1] : vector<128x4096xi32> to vector<128xi32>
    %broadcast_in_dim3A_236 = vector.shape_cast %reduce_min3A_235 : vector<128xi32> to vector<128x1xi32>
    %eq3A_237 = vector.broadcast %broadcast_in_dim3A_236 : vector<128x1xi32> to vector<128x4096xi32>
    %eq3A_238 = arith.cmpi eq, %iota3A, %eq3A_237 : vector<128x4096xi32>
    %jit3A_239 = arith.constant 0xFF800000 : f32
    %broadcast_in_dim3A_240 = vector.broadcast %jit3A_239 : f32 to vector<128x4096xf32>
    %select_n3A_241 = arith.select %eq3A_238, %broadcast_in_dim3A_240, %select_n3A_225 : vector<128x4096xi1>, vector<128x4096xf32>
    %reduce_max3A_242 = arith.constant dense<0xFF800000> : vector<128xf32>
    %reduce_max3A_243 = vector.multi_reduction <maximumf>, %select_n3A_241, %reduce_max3A_242 [1] : vector<128x4096xf32> to vector<128xf32>
    %broadcast_in_dim3A_244 = vector.shape_cast %reduce_max3A_243 : vector<128xf32> to vector<128x1xf32>
    %lt3A_245 = vector.broadcast %broadcast_in_dim3A_244 : vector<128x1xf32> to vector<128x4096xf32>
    %lt3A_246 = arith.cmpf olt, %select_n3A_241, %lt3A_245 : vector<128x4096xf32>
    %jit3A_247 = arith.constant 4096 : i32
    %broadcast_in_dim3A_248 = vector.broadcast %jit3A_247 : i32 to vector<128x4096xi32>
    %select_n3A_249 = arith.select %lt3A_246, %broadcast_in_dim3A_248, %iota3A : vector<128x4096xi1>, vector<128x4096xi32>
    %reduce_min3A_250 = arith.constant dense<2147483647> : vector<128xi32>
    %reduce_min3A_251 = vector.multi_reduction <minsi>, %select_n3A_249, %reduce_min3A_250 [1] : vector<128x4096xi32> to vector<128xi32>
    %broadcast_in_dim3A_252 = vector.shape_cast %reduce_min3A_251 : vector<128xi32> to vector<128x1xi32>
    %eq3A_253 = vector.broadcast %broadcast_in_dim3A_252 : vector<128x1xi32> to vector<128x4096xi32>
    %eq3A_254 = arith.cmpi eq, %iota3A, %eq3A_253 : vector<128x4096xi32>
    %jit3A_255 = arith.constant 0xFF800000 : f32
    %broadcast_in_dim3A_256 = vector.broadcast %jit3A_255 : f32 to vector<128x4096xf32>
    %select_n3A_257 = arith.select %eq3A_254, %broadcast_in_dim3A_256, %select_n3A_241 : vector<128x4096xi1>, vector<128x4096xf32>
    %reduce_max3A_258 = arith.constant dense<0xFF800000> : vector<128xf32>
    %reduce_max3A_259 = vector.multi_reduction <maximumf>, %select_n3A_257, %reduce_max3A_258 [1] : vector<128x4096xf32> to vector<128xf32>
    %broadcast_in_dim3A_260 = vector.shape_cast %reduce_max3A_259 : vector<128xf32> to vector<128x1xf32>
    %lt3A_261 = vector.broadcast %broadcast_in_dim3A_260 : vector<128x1xf32> to vector<128x4096xf32>
    %lt3A_262 = arith.cmpf olt, %select_n3A_257, %lt3A_261 : vector<128x4096xf32>
    %jit3A_263 = arith.constant 4096 : i32
    %broadcast_in_dim3A_264 = vector.broadcast %jit3A_263 : i32 to vector<128x4096xi32>
    %select_n3A_265 = arith.select %lt3A_262, %broadcast_in_dim3A_264, %iota3A : vector<128x4096xi1>, vector<128x4096xi32>
    %reduce_min3A_266 = arith.constant dense<2147483647> : vector<128xi32>
    %reduce_min3A_267 = vector.multi_reduction <minsi>, %select_n3A_265, %reduce_min3A_266 [1] : vector<128x4096xi32> to vector<128xi32>
    %broadcast_in_dim3A_268 = vector.shape_cast %reduce_min3A_267 : vector<128xi32> to vector<128x1xi32>
    %eq3A_269 = vector.broadcast %broadcast_in_dim3A_268 : vector<128x1xi32> to vector<128x4096xi32>
    %eq3A_270 = arith.cmpi eq, %iota3A, %eq3A_269 : vector<128x4096xi32>
    %jit3A_271 = arith.constant 0xFF800000 : f32
    %broadcast_in_dim3A_272 = vector.broadcast %jit3A_271 : f32 to vector<128x4096xf32>
    %select_n3A_273 = arith.select %eq3A_270, %broadcast_in_dim3A_272, %select_n3A_257 : vector<128x4096xi1>, vector<128x4096xf32>
    %reduce_max3A_274 = arith.constant dense<0xFF800000> : vector<128xf32>
    %reduce_max3A_275 = vector.multi_reduction <maximumf>, %select_n3A_273, %reduce_max3A_274 [1] : vector<128x4096xf32> to vector<128xf32>
    %broadcast_in_dim3A_276 = vector.shape_cast %reduce_max3A_275 : vector<128xf32> to vector<128x1xf32>
    %lt3A_277 = vector.broadcast %broadcast_in_dim3A_276 : vector<128x1xf32> to vector<128x4096xf32>
    %lt3A_278 = arith.cmpf olt, %select_n3A_273, %lt3A_277 : vector<128x4096xf32>
    %jit3A_279 = arith.constant 4096 : i32
    %broadcast_in_dim3A_280 = vector.broadcast %jit3A_279 : i32 to vector<128x4096xi32>
    %select_n3A_281 = arith.select %lt3A_278, %broadcast_in_dim3A_280, %iota3A : vector<128x4096xi1>, vector<128x4096xi32>
    %reduce_min3A_282 = arith.constant dense<2147483647> : vector<128xi32>
    %reduce_min3A_283 = vector.multi_reduction <minsi>, %select_n3A_281, %reduce_min3A_282 [1] : vector<128x4096xi32> to vector<128xi32>
    %broadcast_in_dim3A_284 = vector.shape_cast %reduce_min3A_283 : vector<128xi32> to vector<128x1xi32>
    %eq3A_285 = vector.broadcast %broadcast_in_dim3A_284 : vector<128x1xi32> to vector<128x4096xi32>
    %eq3A_286 = arith.cmpi eq, %iota3A, %eq3A_285 : vector<128x4096xi32>
    %jit3A_287 = arith.constant 0xFF800000 : f32
    %broadcast_in_dim3A_288 = vector.broadcast %jit3A_287 : f32 to vector<128x4096xf32>
    %select_n3A_289 = arith.select %eq3A_286, %broadcast_in_dim3A_288, %select_n3A_273 : vector<128x4096xi1>, vector<128x4096xf32>
    %reduce_max3A_290 = arith.constant dense<0xFF800000> : vector<128xf32>
    %reduce_max3A_291 = vector.multi_reduction <maximumf>, %select_n3A_289, %reduce_max3A_290 [1] : vector<128x4096xf32> to vector<128xf32>
    %broadcast_in_dim3A_292 = vector.shape_cast %reduce_max3A_291 : vector<128xf32> to vector<128x1xf32>
    %lt3A_293 = vector.broadcast %broadcast_in_dim3A_292 : vector<128x1xf32> to vector<128x4096xf32>
    %lt3A_294 = arith.cmpf olt, %select_n3A_289, %lt3A_293 : vector<128x4096xf32>
    %jit3A_295 = arith.constant 4096 : i32
    %broadcast_in_dim3A_296 = vector.broadcast %jit3A_295 : i32 to vector<128x4096xi32>
    %select_n3A_297 = arith.select %lt3A_294, %broadcast_in_dim3A_296, %iota3A : vector<128x4096xi1>, vector<128x4096xi32>
    %reduce_min3A_298 = arith.constant dense<2147483647> : vector<128xi32>
    %reduce_min3A_299 = vector.multi_reduction <minsi>, %select_n3A_297, %reduce_min3A_298 [1] : vector<128x4096xi32> to vector<128xi32>
    %broadcast_in_dim3A_300 = vector.shape_cast %reduce_min3A_299 : vector<128xi32> to vector<128x1xi32>
    %eq3A_301 = vector.broadcast %broadcast_in_dim3A_300 : vector<128x1xi32> to vector<128x4096xi32>
    %eq3A_302 = arith.cmpi eq, %iota3A, %eq3A_301 : vector<128x4096xi32>
    %jit3A_303 = arith.constant 0xFF800000 : f32
    %broadcast_in_dim3A_304 = vector.broadcast %jit3A_303 : f32 to vector<128x4096xf32>
    %select_n3A_305 = arith.select %eq3A_302, %broadcast_in_dim3A_304, %select_n3A_289 : vector<128x4096xi1>, vector<128x4096xf32>
    %reduce_max3A_306 = arith.constant dense<0xFF800000> : vector<128xf32>
    %reduce_max3A_307 = vector.multi_reduction <maximumf>, %select_n3A_305, %reduce_max3A_306 [1] : vector<128x4096xf32> to vector<128xf32>
    %broadcast_in_dim3A_308 = vector.shape_cast %reduce_max3A_307 : vector<128xf32> to vector<128x1xf32>
    %lt3A_309 = vector.broadcast %broadcast_in_dim3A_308 : vector<128x1xf32> to vector<128x4096xf32>
    %lt3A_310 = arith.cmpf olt, %select_n3A_305, %lt3A_309 : vector<128x4096xf32>
    %jit3A_311 = arith.constant 4096 : i32
    %broadcast_in_dim3A_312 = vector.broadcast %jit3A_311 : i32 to vector<128x4096xi32>
    %select_n3A_313 = arith.select %lt3A_310, %broadcast_in_dim3A_312, %iota3A : vector<128x4096xi1>, vector<128x4096xi32>
    %reduce_min3A_314 = arith.constant dense<2147483647> : vector<128xi32>
    %reduce_min3A_315 = vector.multi_reduction <minsi>, %select_n3A_313, %reduce_min3A_314 [1] : vector<128x4096xi32> to vector<128xi32>
    %broadcast_in_dim3A_316 = vector.shape_cast %reduce_min3A_315 : vector<128xi32> to vector<128x1xi32>
    %mul3A_317 = arith.constant 128 : i32
    %mul3A_318 = arith.muli %arg0, %mul3A_317 : i32
    %iota3A_319 = tpu.iota {dimensions = array<i32: 0>} : vector<128x1xi32>
    %add3A = vector.broadcast %mul3A_318 : i32 to vector<128x1xi32>
    %add3A_320 = arith.addi %add3A, %iota3A_319 : vector<128x1xi32>
    %concatenate3A = tpu.concatenate %broadcast_in_dim3A_13, %broadcast_in_dim3A_28, %broadcast_in_dim3A_44, %broadcast_in_dim3A_60, %broadcast_in_dim3A_76, %broadcast_in_dim3A_92, %broadcast_in_dim3A_108, %broadcast_in_dim3A_124, %broadcast_in_dim3A_140, %broadcast_in_dim3A_156, %broadcast_in_dim3A_172, %broadcast_in_dim3A_188, %broadcast_in_dim3A_204, %broadcast_in_dim3A_220, %broadcast_in_dim3A_236, %broadcast_in_dim3A_252, %broadcast_in_dim3A_268, %broadcast_in_dim3A_284, %broadcast_in_dim3A_300, %broadcast_in_dim3A_316, %add3A_320, %add3A_320, %add3A_320, %add3A_320, %add3A_320, %add3A_320, %add3A_320, %add3A_320, %add3A_320, %add3A_320, %add3A_320, %add3A_320 in 1 : vector<128x1xi32>, vector<128x1xi32>, vector<128x1xi32>, vector<128x1xi32>, vector<128x1xi32>, vector<128x1xi32>, vector<128x1xi32>, vector<128x1xi32>, vector<128x1xi32>, vector<128x1xi32>, vector<128x1xi32>, vector<128x1xi32>, vector<128x1xi32>, vector<128x1xi32>, vector<128x1xi32>, vector<128x1xi32>, vector<128x1xi32>, vector<128x1xi32>, vector<128x1xi32>, vector<128x1xi32>, vector<128x1xi32>, vector<128x1xi32>, vector<128x1xi32>, vector<128x1xi32>, vector<128x1xi32>, vector<128x1xi32>, vector<128x1xi32>, vector<128x1xi32>, vector<128x1xi32>, vector<128x1xi32>, vector<128x1xi32>, vector<128x1xi32> -> vector<128x32xi32>
    %swap3A = arith.constant 0 : index
    %swap3A_321 = arith.constant 0 : index
    %swap3A_322 = vector.load %arg3[%swap3A, %swap3A_321] : memref<128x32xi32, #tpu.memory_space<vmem>>, vector<128x32xi32>
    tpu.vector_store %arg3[%swap3A, %swap3A_321], %concatenate3A {strides = array<i32>} : memref<128x32xi32, #tpu.memory_space<vmem>>, vector<128x32xi32>,
    return
  }
  func.func @transform_0(%arg0: i32) -> (i32, i32) {
    %c0_i32 = arith.constant 0 : i32
    %c0_i32_0 = arith.constant 0 : i32
    return %arg0, %c0_i32 : i32, i32
  }
  func.func @transform_1(%arg0: i32) -> (i32, i32) {
    %c0_i32 = arith.constant 0 : i32
    %c0_i32_0 = arith.constant 0 : i32
    %c0_i32_1 = arith.constant 0 : i32
    return %c0_i32, %c0_i32_0 : i32, i32
  }
  func.func @transform_2(%arg0: i32) -> (i32, i32) {
    %c0_i32 = arith.constant 0 : i32
    %c0_i32_0 = arith.constant 0 : i32
    return %arg0, %c0_i32 : i32, i32
  }
}

module attributes {stable_mosaic.version = 14 : i64} {
  func.func @_epi_body(%arg0: i32, %arg1: memref<4096x64xf32, #tpu.memory_space<vmem>>, %arg2: memref<4096x64xf32, #tpu.memory_space<vmem>>, %arg3: memref<1x64xf32, #tpu.memory_space<vmem>>, %arg4: memref<1x64xf32, #tpu.memory_space<vmem>>, %arg5: memref<1x64xf32, #tpu.memory_space<vmem>>, %arg6: memref<1x64xf32, #tpu.memory_space<vmem>>, %arg7: memref<1x64xf32, #tpu.memory_space<vmem>>, %arg8: memref<1x64xf32, #tpu.memory_space<vmem>>, %arg9: memref<1x1x4096xf32, #tpu.memory_space<vmem>>) attributes {dimension_semantics = [#tpu.dimension_semantics<arbitrary>], iteration_bounds = array<i64: 8>, scalar_prefetch = 0 : i64, scratch_operands = 0 : i64, tpu.core_type = #tpu.core_type<tc>, window_params = [{transform_indices = @transform_0, window_bounds = array<i64: 4096, 64>}, {pipeline_mode = #tpu.pipeline_mode<synchronous>, transform_indices = @transform_1, window_bounds = array<i64: 4096, 64>}, {pipeline_mode = #tpu.pipeline_mode<synchronous>, transform_indices = @transform_2, window_bounds = array<i64: 1, 64>}, {pipeline_mode = #tpu.pipeline_mode<synchronous>, transform_indices = @transform_3, window_bounds = array<i64: 1, 64>}, {pipeline_mode = #tpu.pipeline_mode<synchronous>, transform_indices = @transform_4, window_bounds = array<i64: 1, 64>}, {pipeline_mode = #tpu.pipeline_mode<synchronous>, transform_indices = @transform_5, window_bounds = array<i64: 1, 64>}, {pipeline_mode = #tpu.pipeline_mode<synchronous>, transform_indices = @transform_6, window_bounds = array<i64: 1, 64>}, {pipeline_mode = #tpu.pipeline_mode<synchronous>, transform_indices = @transform_7, window_bounds = array<i64: 1, 64>}, {transform_indices = @transform_8, window_bounds = array<i64: 1, 1, 4096>}]} {
    %get3A = arith.constant 0 : index
    %get3A_0 = arith.constant 0 : index
    %get3A_1 = vector.load %arg1[%get3A, %get3A_0] : memref<4096x64xf32, #tpu.memory_space<vmem>>, vector<4096x64xf32>
    %get3A_2 = arith.constant 0 : index
    %get3A_3 = arith.constant 0 : index
    %get3A_4 = vector.load %arg3[%get3A_2, %get3A_3] : memref<1x64xf32, #tpu.memory_space<vmem>>, vector<1x64xf32>
    %add3A = vector.broadcast %get3A_4 : vector<1x64xf32> to vector<4096x64xf32>
    %add3A_5 = arith.addf %get3A_1, %add3A : vector<4096x64xf32>
    %get3A_6 = arith.constant 0 : index
    %get3A_7 = arith.constant 0 : index
    %get3A_8 = vector.load %arg4[%get3A_6, %get3A_7] : memref<1x64xf32, #tpu.memory_space<vmem>>, vector<1x64xf32>
    %mul3A = vector.broadcast %get3A_8 : vector<1x64xf32> to vector<4096x64xf32>
    %mul3A_9 = arith.mulf %add3A_5, %mul3A : vector<4096x64xf32>
    %get3A_10 = arith.constant 0 : index
    %get3A_11 = arith.constant 0 : index
    %get3A_12 = vector.load %arg5[%get3A_10, %get3A_11] : memref<1x64xf32, #tpu.memory_space<vmem>>, vector<1x64xf32>
    %add3A_13 = vector.broadcast %get3A_12 : vector<1x64xf32> to vector<4096x64xf32>
    %add3A_14 = arith.addf %mul3A_9, %add3A_13 : vector<4096x64xf32>
    %max3A = arith.constant 0.000000e+00 : f32
    %max3A_15 = vector.broadcast %max3A : f32 to vector<4096x64xf32>
    %max3A_16 = arith.maximumf %add3A_14, %max3A_15 : vector<4096x64xf32>
    %get3A_17 = arith.constant 0 : index
    %get3A_18 = arith.constant 0 : index
    %get3A_19 = vector.load %arg2[%get3A_17, %get3A_18] : memref<4096x64xf32, #tpu.memory_space<vmem>>, vector<4096x64xf32>
    %mul3A_20 = arith.mulf %max3A_16, %get3A_19 : vector<4096x64xf32>
    %get3A_21 = arith.constant 0 : index
    %get3A_22 = arith.constant 0 : index
    %get3A_23 = vector.load %arg6[%get3A_21, %get3A_22] : memref<1x64xf32, #tpu.memory_space<vmem>>, vector<1x64xf32>
    %mul3A_24 = vector.broadcast %get3A_23 : vector<1x64xf32> to vector<4096x64xf32>
    %mul3A_25 = arith.mulf %mul3A_20, %mul3A_24 : vector<4096x64xf32>
    %get3A_26 = arith.constant 0 : index
    %get3A_27 = arith.constant 0 : index
    %get3A_28 = vector.load %arg7[%get3A_26, %get3A_27] : memref<1x64xf32, #tpu.memory_space<vmem>>, vector<1x64xf32>
    %add3A_29 = vector.broadcast %get3A_28 : vector<1x64xf32> to vector<4096x64xf32>
    %add3A_30 = arith.addf %mul3A_25, %add3A_29 : vector<4096x64xf32>
    %max3A_31 = arith.constant 0.000000e+00 : f32
    %max3A_32 = vector.broadcast %max3A_31 : f32 to vector<4096x64xf32>
    %max3A_33 = arith.maximumf %add3A_30, %max3A_32 : vector<4096x64xf32>
    %get3A_34 = arith.constant 0 : index
    %get3A_35 = arith.constant 0 : index
    %get3A_36 = vector.load %arg8[%get3A_34, %get3A_35] : memref<1x64xf32, #tpu.memory_space<vmem>>, vector<1x64xf32>
    %mul3A_37 = vector.broadcast %get3A_36 : vector<1x64xf32> to vector<4096x64xf32>
    %mul3A_38 = arith.mulf %max3A_33, %mul3A_37 : vector<4096x64xf32>
    %reduce_sum3A = arith.constant dense<0.000000e+00> : vector<4096xf32>
    %reduce_sum3A_39 = vector.multi_reduction <add>, %mul3A_38, %reduce_sum3A [1] : vector<4096x64xf32> to vector<4096xf32>
    %swap3A = arith.constant 0 : index
    %swap3A_40 = arith.constant 0 : index
    %swap3A_41 = arith.constant 0 : index
    %swap3A_42 = vector.load %arg9[%swap3A, %swap3A_40, %swap3A_41] : memref<1x1x4096xf32, #tpu.memory_space<vmem>>, vector<1x1x4096xf32>
    %swap3A_43 = vector.shape_cast %swap3A_42 : vector<1x1x4096xf32> to vector<4096xf32>
    %swap3A_44 = vector.shape_cast %reduce_sum3A_39 : vector<4096xf32> to vector<1x1x4096xf32>
    tpu.vector_store %arg9[%swap3A, %swap3A_40, %swap3A_41], %swap3A_44 {strides = array<i32>} : memref<1x1x4096xf32, #tpu.memory_space<vmem>>, vector<1x1x4096xf32>,
    return
  }
  func.func @transform_0(%arg0: i32) -> (i32, i32) {
    %c0_i32 = arith.constant 0 : i32
    %c0_i32_0 = arith.constant 0 : i32
    return %arg0, %c0_i32 : i32, i32
  }
  func.func @transform_1(%arg0: i32) -> (i32, i32) {
    %c0_i32 = arith.constant 0 : i32
    %c0_i32_0 = arith.constant 0 : i32
    %c0_i32_1 = arith.constant 0 : i32
    return %c0_i32, %c0_i32_0 : i32, i32
  }
  func.func @transform_2(%arg0: i32) -> (i32, i32) {
    %c0_i32 = arith.constant 0 : i32
    %c0_i32_0 = arith.constant 0 : i32
    %c0_i32_1 = arith.constant 0 : i32
    return %c0_i32, %c0_i32_0 : i32, i32
  }
  func.func @transform_3(%arg0: i32) -> (i32, i32) {
    %c0_i32 = arith.constant 0 : i32
    %c0_i32_0 = arith.constant 0 : i32
    %c0_i32_1 = arith.constant 0 : i32
    return %c0_i32, %c0_i32_0 : i32, i32
  }
  func.func @transform_4(%arg0: i32) -> (i32, i32) {
    %c0_i32 = arith.constant 0 : i32
    %c0_i32_0 = arith.constant 0 : i32
    %c0_i32_1 = arith.constant 0 : i32
    return %c0_i32, %c0_i32_0 : i32, i32
  }
  func.func @transform_5(%arg0: i32) -> (i32, i32) {
    %c0_i32 = arith.constant 0 : i32
    %c0_i32_0 = arith.constant 0 : i32
    %c0_i32_1 = arith.constant 0 : i32
    return %c0_i32, %c0_i32_0 : i32, i32
  }
  func.func @transform_6(%arg0: i32) -> (i32, i32) {
    %c0_i32 = arith.constant 0 : i32
    %c0_i32_0 = arith.constant 0 : i32
    %c0_i32_1 = arith.constant 0 : i32
    return %c0_i32, %c0_i32_0 : i32, i32
  }
  func.func @transform_7(%arg0: i32) -> (i32, i32) {
    %c0_i32 = arith.constant 0 : i32
    %c0_i32_0 = arith.constant 0 : i32
    %c0_i32_1 = arith.constant 0 : i32
    return %c0_i32, %c0_i32_0 : i32, i32
  }
  func.func @transform_8(%arg0: i32) -> (i32, i32, i32) {
    %c0_i32 = arith.constant 0 : i32
    %c0_i32_0 = arith.constant 0 : i32
    %c0_i32_1 = arith.constant 0 : i32
    return %arg0, %c0_i32, %c0_i32_0 : i32, i32, i32
  }
}

</mosaic_0001>

<sc_bundles>
// kernel: kernel.6.cloned.1.call-start
scs
__scs_entry_jumppad:
0x0: {  	(pc) =	sbr.rel $0x88, $3  }
0x1: {  	(tag) =	ssettag $0x0;
	lr =	simm.s32 $0x1  }
0x2: {  	[smem:$0x3F93] =	sst lr;
	_ =	strace $0xD0000000  }
0x3: {  	_ = 	snop  }
0x4: {  	_ = 	snop  }
0x5: {  	_ = 	snop  }
0x6: {  	_ = 	snop  }
0x7: {  	_ = 	snop  }
__scs_overlays_trampoline_lowered:
0x8: {  	[smem:$0x3FA2] =	sst s0  }
0x9: {  	[smem:$0x3FA3] =	sst s1  }
0xa: {  	[smem:$0x3FA4] =	sst s2  }
0xb: {  	[smem:$0x3FA5] =	sst s3  }
0xc: {  	[smem:$0x3FA6] =	sst s4  }
0xd: {  	[smem:$0x3FA7] =	sst s5  }
0xe: {  	[smem:$0x3FA8] =	sst s6  }
0xf: {  	[smem:$0x3FA9] =	sst s7  }
0x10: {  	[smem:$0x3FAA] =	sst s8  }
0x11: {  	[smem:$0x3FAB] =	sst s9;
	s0 =	simm.s32 @!p0 $0x0  }
0x12: {  	s1 =	sld [smem:$0x3F91];
	s0 =	simm.s32 @p0 $0x1  }
0x13: {  	[smem:$0x3FAC] =	sst s0;
	s0 =	simm.s32 @!p1 $0x0  }
0x14: {  	s2 =	sld [smem:$0x3F90];
	s0 =	simm.s32 @p1 $0x1  }
0x15: {  	[smem:$0x3FAD] =	sst s0;
	s0 =	simm.s32 @!p2 $0x0  }
0x16: {  	s3 =	sld [smem:$0x3FDB];
	s0 =	simm.s32 @p2 $0x1  }
0x17: {  	s4 =	simm.s32 $0x1BF5;
	[smem:$0x3FAF] =	sst s0  }
0x18: {  	s0 =	sld [smem:$0x3F92];
	_ =	swait.ge [sflag:s4], $0x0  }
0x19: {  	s7 =	sld [smem:$0x3F93]  }
0x1a: {  	s8 =	sadd.s32 $0xFFFFE003, lr  }
0x1b: {  	s9 =	sadd.s32 $0xFFFFFEF7, lr;
	s5 =	simm.s32 $0xFFFFFFFF;
	p2 =	slt.u32 s8, $0xFFFFF086  }
0x1c: {  	p1 =	slt.u32 s9, $0xF7A;
	s5 =	simm.s32 @!p2 $0x0  }
0x1d: {  	s5 =	simm.s32 @p1 $0x1;
	p0 =	seq.s32 s7, s2  }
0x1e: {  	s7 =	smul.u32 @!p0 $0xF7A, s2;
	p2 =	seq.s32 @!p0 s5, $0x0  }
0x1f: {  	s9 =	smul.u32 $0xF7A, s1;
	s8 =	simm.s32 @!p0 $0x1BF5;
	p2 =	por !p2, p0  }
0x20: {  	[sflag:s8] =	ssyncset.s32 @!p0 $0xFFFFF086;
	s6 =	sadd.s32 @!p0 s3, s7;
	s7 =	simm.s32 @!p0 $0x108  }
0x21: {  	s3 =	sadd.s32 s3, s9;
	s6 =	sadd.s32 @!p0 $0x88, s6;
	s7 =	simm.s32 @p2 $0x1082  }
0x22: {  	[simem:s7], [sflag:s8] =	dma.local @!p0 [hbm:s6], $0xF7A  }
0x23: {  	s9 =	sor.u32 $0xD0000000, s2;
	s6 =	simm.s32 $0x108;
	_ =	swait.ge @!p0 [sflag:s8], $0x0  }
0x24: {  	s3 =	sadd.s32 $0x88, s3;
	s6 =	simm.s32 @!p1 $0x1082;
	[sflag:s4] =	ssyncset.s32 $0xFFFFF086  }
0x25: {  	[simem:s6], [sflag:s4] =	dma.local [hbm:s3], $0xF7A  }
0x26: {  	[smem:$0x3F93] =	sst s1;
	(tag) =	ssettag s2;
	_ =	strace s9  }
0x27: {  	s1 =	sld [smem:$0x3FA3]  }
0x28: {  	s2 =	sld [smem:$0x3FA4]  }
0x29: {  	s4 =	sld [smem:$0x3FA6]  }
0x2a: {  	p0 =	seq.s32 s5, $0x0;
	s5 =	sld [smem:$0x3FA7]  }
0x2b: {  	s6 =	sld [smem:$0x3FA8]  }
0x2c: {  	s7 =	sld [smem:$0x3FA9]  }
0x2d: {  	s3 =	simm.s32 $0x108;
	s8 =	sld [smem:$0x3FAA]  }
0x2e: {  	s3 =	simm.s32 @!p0 $0x1082;
	s9 =	sld [smem:$0x3FAB]  }
0x2f: {  	lr =	sadd.s32 s0, s3;
	s0 =	sld [smem:$0x3FA2]  }
0x30: {  	s3 =	sld [smem:$0x3FA5]  }
0x31: {  	[smem:$0x3FAE] =	sst s10  }
0x32: {  	s10 =	sld [smem:$0x3FAC];
	_ =	sdelay $0x3  }
0x33: {  	p0 =	seq.s32 s10, $0x1;
	s10 =	sld [smem:$0x3FAE];
	_ =	sdelay $0x3  }
0x34: {  	[smem:$0x3FAE] =	sst s10  }
0x35: {  	s10 =	sld [smem:$0x3FAD];
	_ =	sdelay $0x3  }
0x36: {  	p1 =	seq.s32 s10, $0x1;
	s10 =	sld [smem:$0x3FAE];
	_ =	sdelay $0x3  }
0x37: {  	[smem:$0x3FAE] =	sst s10  }
0x38: {  	s10 =	sld [smem:$0x3FAF]  }
0x39: {  	_ = 	snop;
	(pc) =	sbr.ind lr, $3  }
0x3a: {  	_ = 	snop  }
0x3b: {  	_ = 	snop  }
0x3c: {  	p2 =	seq.s32 s10, $0x1;
	s10 =	sld [smem:$0x3FAE]  }
0x3d: {  	_ =	shalt  }
0x3e: {  	_ =	shalt  }
0x3f: {  	_ =	shalt  }
0x40: {  	_ =	shalt  }
0x41: {  	_ =	shalt  }
0x42: {  	_ =	shalt  }
0x43: {  	_ =	shalt  }
0x44: {  	_ =	shalt  }
0x45: {  	_ =	shalt  }
0x46: {  	_ =	shalt  }
0x47: {  	_ =	shalt  }
0x48: {  	_ =	shalt  }
0x49: {  	_ =	shalt  }
0x4a: {  	_ =	shalt  }
0x4b: {  	_ =	shalt  }
0x4c: {  	_ =	shalt  }
0x4d: {  	_ =	shalt  }
0x4e: {  	_ =	shalt  }
0x4f: {  	_ =	shalt  }
0x50: {  	_ =	shalt  }
0x51: {  	_ =	shalt  }
0x52: {  	_ =	shalt  }
0x53: {  	_ =	shalt  }
0x54: {  	_ =	shalt  }
0x55: {  	_ =	shalt  }
0x56: {  	_ =	shalt  }
0x57: {  	_ =	shalt  }
0x58: {  	_ =	shalt  }
0x59: {  	_ =	shalt  }
0x5a: {  	_ =	shalt  }
0x5b: {  	_ =	shalt  }
0x5c: {  	_ =	shalt  }
0x5d: {  	_ =	shalt  }
0x5e: {  	_ =	shalt  }
0x5f: {  	_ =	shalt  }
0x60: {  	_ =	shalt  }
0x61: {  	_ =	shalt  }
0x62: {  	_ =	shalt  }
0x63: {  	_ =	shalt  }
0x64: {  	_ =	shalt  }
0x65: {  	_ =	shalt  }
0x66: {  	_ =	shalt  }
0x67: {  	_ =	shalt  }
0x68: {  	_ =	shalt  }
0x69: {  	_ =	shalt  }
0x6a: {  	_ =	shalt  }
0x6b: {  	_ =	shalt  }
0x6c: {  	_ =	shalt  }
0x6d: {  	_ =	shalt  }
0x6e: {  	_ =	shalt  }
0x6f: {  	_ =	shalt  }
0x70: {  	_ =	shalt  }
0x71: {  	_ =	shalt  }
0x72: {  	_ =	shalt  }
0x73: {  	_ =	shalt  }
0x74: {  	_ =	shalt  }
0x75: {  	_ =	shalt  }
0x76: {  	_ =	shalt  }
0x77: {  	_ =	shalt  }
0x78: {  	_ =	shalt  }
0x79: {  	_ =	shalt  }
0x7a: {  	_ =	shalt  }
0x7b: {  	_ =	shalt  }
0x7c: {  	_ =	shalt  }
0x7d: {  	_ =	shalt  }
0x7e: {  	_ =	shalt  }
0x7f: {  	_ =	shalt  }
0x80: {  	_ =	shalt  }
0x81: {  	_ =	shalt  }
0x82: {  	_ =	shalt  }
0x83: {  	_ =	shalt  }
0x84: {  	_ =	shalt  }
0x85: {  	_ =	shalt  }
0x86: {  	_ =	shalt  }
0x87: {  	_ =	shalt  }
.Lfunc_end0:
.L_simem_size_0:
called_computation_lowered:
.L_overlay_start_0:
0x88: {  	s2 =	sld [smem:$0x3FD9]  }
0x89: {  	s3 =	sld [smem:$0x3FFE];
	_ =	sdelay $0x1  }
0x8a: {  	s1 =	srdreg.scid  }
0x8b: {  	s0 =	sand.u32 $0x1, s1  }
0x8c: {  	s17 =	sshll.u32 s0, $0xA;
	s2 =	sadd.s32 s3, s2  }
0x8d: {  	s2 =	sadd.s32 s2, s17  }
0x8e: {  	[smem:$0x3FBA] =	sst s2  }
0x8f: {  	_ = 	snop  }
0x90: {  	s2 =	sld [smem:$0x3FD0];
	(tm) =	ssettm $0x1  }
0x91: {  	s18 =	sld [smem:$0x3FFB];
	_ =	sdelay $0x3  }
0x92: {  	_ =	strace s18  }
0x93: {  	s3 =	sld [smem:$0x3FFC];
	_ =	sdelay $0x3  }
0x94: {  	_ =	strace s3  }
0x95: {  	s3 =	sld [smem:$0x3FFD];
	_ =	sdelay $0x3  }
0x96: {  	_ =	strace s3  }
0x97: {  	_ =	strace $0x8FFFFFFF  }
0x98: {  	s19 =	sld [smem:$0x3FDB];
	_ =	sdelay $0x1  }
0x99: {  	s4 =	simm.s32 $_scs_section_size  }
0x9a: {  	s5 =	simm.s32 $_size__tile_overlayer_lowered;
	s6 =	simm.s32 $_tile_overlayer_lowered  }
0x9b: {  	s22 =	simm.s32 $0x1BFF;
	s21 =	sshll.u32 s6, $0x1;
	s3 =	sadd.s32 s4, s19  }
0x9c: {  	s7 =	simm.s32 $0x0;
	s20 =	sshll.u32 s5, $0x1;
	s5 =	sadd.s32 s21, s3  }
0x9d: {  	[timem:s7], [sflag:s22] =	dma.local [hbm:s5], s20  }
0x9e: {  	_ =	swait.ge [sflag:s22], s20  }
0x9f: {  	s4 =	ssub.s32 $0x0, s20;
	[sflag:s22] =	ssyncset.done $0x0  }
0xa0: {  	[sflag:s22] =	ssyncadd.s32 s4;
	_ =	sdelay $0x1  }
0xa1: {  	s23 =	simm.s32 $0x1B8B  }
0xa2: {  	_ =	swait.ge [sflag:s23], $0x1  }
0xa3: {  	[sflag:s23] =	ssyncset.done $0x0  }
0xa4: {  	s25 =	simm.s32 $0x1B8E;
	s24 =	sld [smem:$0x3FFE];
	[sflag:s23] =	ssyncadd.s32 $0xFFFFFFFF  }
0xa5: {  	s26 =	simm.s32 $execute0_lowered;
	[smem:$0x3FD2] =	sst s25  }
0xa6: {  	s5 =	sshll.u32 s26, $0x1;
	_ =	strace $0x80000046;
	[dreg:$0x1] =	wrdreg $0xFFFFFFFF  }
0xa7: {  	s28 =	simm.s32 $_size_execute0_lowered;
	s3 =	sadd.s32 s3, s5;
	[dreg:$0x0] =	wrdreg $0x0  }
0xa8: {  	s5 =	sshll.u32 s28, $0x1;
	[dreg:$0x2] =	wrdreg s3  }
0xa9: {  	[dreg:$0x3] =	wrdreg s5  }
0xaa: {  	[dreg:$0x4] =	wrdreg $0xC0  }
0xab: {  	_ =	task [dreg:s7], $0x5FFFF  }
0xac: {  	[dreg:$0x1] =	wrdreg $0xFFFFFFFF  }
0xad: {  	[dreg:$0x0] =	wrdreg $0x60  }
0xae: {  	[dreg:$0x2] =	wrdreg s24  }
0xaf: {  	[dreg:$0x3] =	wrdreg s2  }
0xb0: {  	[dreg:$0x4] =	wrdreg $0x9  }
0xb1: {  	_ =	task.clear_ibuf [dreg:s7], $0x5FFFF;
	_ =	strace $0x90000046  }
0xb2: {  	s29 =	simm.s32 $0x9;
	_ =	strace $0x80000048  }
0xb3: {  	_ =	swait.ge [sflag:s29], $0x1  }
0xb4: {  	[sflag:s29] =	ssyncadd.s32 $0xFFFFFFFF  }
0xb5: {  	_ =	strace $0x90000048  }
0xb6: {  	_ =	sfence  }
0xb7: {  	s30 =	sld [smem:$0x0];
	_ =	sdelay $0x2  }
0xb8: {  	s31 =	sshll.u32 s1, $0xD;
	s1 =	sshrl.u32 s1, $0x2  }
0xb9: {  	s3 =	sand.u32 $0x4000, s31;
	s1 =	sadd.s32 s1, s30  }
0xba: {  	s0 =	sor.u32 s3, s0;
	s1 =	sshll.u32 s1, $0x11  }
0xbb: {  	s0 =	sor.u32 s1, s0  }
0xbc: {  	s0 =	sadd.s32 $0x8F2B, s0  }
0xbd: {  	[sflag:s0] =	ssyncadd.remote.s32 $0x1  }
0xbe: {  	_ =	sfence.sel $0xFFFF  }
0xbf: {  	[dreg:$0x0] =	wrdreg $0xFFFFFFFF;
	(pc) =	sbr.abs _section_cstart, $3  }
0xc0: {  	[dreg:$0x1] =	wrdreg $0xFFFFFFFF  }
0xc1: {  	_ =	task.clear_ibuf [dreg:s7], $0x2FFFF;
	_ =	strace $0x9FFFFFFF  }
0xc2: {  	(tm) =	ssettm $0x7FFFFFFF  }
0xc3: {  	_ =	shalt  }
tec
execute0_lowered:
.L_overlay_start_1:
0x0: {  	(tag) =	ssettag $0x1  }
0x1: {  	s0 =	rddreg [dreg:$0x0]  }
0x2: {  	s3 =	simm.s32 $0x0;
	s1 =	srdreg.scid;
	s2 =	stileid.u32;
	v0 =	vlaneseq.u32  }
0x3: {  	s10 =	simm.s32 $0x5;
	s11 =	simm.s32 $0x1C00;
	s12 =	simm.s32 $0x2C00;
	v1 =	vmul.u32 $0x20, v0  }
0x4: {  	s13 =	simm.s32 $0x80;
	s14 =	simm.s32 $0x1000;
	s15 =	simm.s32 $0x2C80  }
0x5: {  	s16 =	simm.s32 $0x1080;
	s17 =	simm.s32 $0x4C80;
	[smem:$0x7FF] =	sst s3;
	v0 =	vor.u32 $0x1, v1  }
0x6: {  	s18 =	simm.s32 $0x1100;
	s19 =	simm.s32 $0x6C80;
	_ =	strace $0x80000047;
	[tilespmem:$0x1FF80] =	vst v0;
	v0 =	vor.u32 $0x2, v1  }
0x7: {  	s20 =	simm.s32 $0xEC80;
	s1 =	sand.u32 $0x1, s1;
	s2 =	sshll.u32 s2, $0x1;
	[tilespmem:$0x1FF90] =	vst v0;
	v0 =	vor.u32 $0x3, v1  }
0x8: {  	s21 =	simm.s32 $0x3;
	s22 =	simm.s32 $0x4;
	s2 =	sor.u32 s1, s2;
	v10 =	vor.u32 $0x9, v1;
	[tilespmem:$0x1FFA0] =	vst v0;
	v0 =	vor.u32 $0x4, v1  }
0x9: {  	s4 =	sadd.s32 $0x3000, s0;
	s1 =	ssub.s32 $0x2, s1;
	s6 =	sshll.u32 s2, $0x9;
	v11 =	vor.u32 $0xA, v1;
	v12 =	vor.u32 $0xB, v1;
	[tilespmem:$0x1FFB0] =	vst v0;
	v0 =	vor.u32 $0x5, v1  }
0xa: {  	s5 =	sadd.s32 $0x2000, s0;
	s30 =	sshrl.u32 s1, $0x1;
	v13 =	vor.u32 $0xC, v1;
	v14 =	vor.u32 $0xD, v1;
	s8 =	sadd.s32 s6, s0;
	[tilespmem:$0x1FFC0] =	vst v0;
	v0 =	vor.u32 $0x6, v1  }
0xb: {  	v15 =	vor.u32 $0xE, v1;
	v16 =	vor.u32 $0xF, v1;
	s6 =	sadd.s32 $0x47000, s0;
	s0 =	ssub.s32 s1, s30;
	s31 =	sadd.s32 $0x43000, s8;
	[tilespmem:$0x1FFD0] =	vst v0;
	v0 =	vor.u32 $0x7, v1  }
0xc: {  	s26 =	simm.s32 $0x0;
	v17 =	vor.u32 $0x10, v1;
	v18 =	vor.u32 $0x11, v1;
	s0 =	smax.u32 s0, $0x1;
	[dreg:$0x3] =	wrdreg s31;
	[tilespmem:$0x1FFE0] =	vst v0;
	v0 =	vor.u32 $0x8, v1  }
0xd: {  	s7 =	sshll.u32 s2, $0x7;
	v19 =	vor.u32 $0x12, v1;
	v20 =	vor.u32 $0x13, v1;
	v21 =	vor.u32 $0x14, v1;
	s1 =	simm.s32 $0x0;
	[dreg:$0x4] =	wrdreg s0;
	[tilespmem:$0x1FFF0] =	vst v0  }
.LBB2_1:
0xe: {  	[dreg:$0x5] =	wrdreg s1  }
0xf: {  	s0 =	rddreg [dreg:$0x3]  }
0x10: {  	[tilespmem:s3], [sflag:$0x5] =	stream.linear.gather [hbm4b:s0+s3], $0x1000, $0x38;
	[tilespmem:$0xF680] =	vst v63  }
0x11: {  	_ =	swait.ge [sflag:s10], $0x1000  }
0x12: {  	[sflag:s10] =	ssyncset.done $0x0  }
0x13: {  	s24 =	simm.s32 $0x0;
	[sflag:s10] =	ssyncadd.s32 $0xFFFFF000  }
.LBB2_2:
0x14: {  	s0 =	sshll.u32 s24, $0x9  }
0x15: {  	s2 =	simm.s32 $0x0;
	s0 =	sadd.s32 s5, s0  }
0x16: {  	[tilespmem:s11], [sflag:$0x5] =	stream.linear.gather [hbm4b:s0+s2], $0x1000, $0x38;
	[tilespmem:$0xF680] =	vst v63  }
0x17: {  	_ =	swait.ge [sflag:s10], $0x1000  }
0x18: {  	s1 =	sshll.u32 s24, $0xC;
	[sflag:s10] =	ssyncset.done $0x0  }
0x19: {  	s25 =	sor.u32 s7, s1;
	[sflag:s10] =	ssyncadd.s32 $0xFFFFF000  }
0x1a: {  	s31 =	sshrl.u32 s25, $0x3;
	s8 =	rddreg [dreg:$0x1]  }
0x1b: {  	s0 =	sadd.s32 s8, s31  }
0x1c: {  	[tilespmem:s12], [sflag:$0x5] =	stream.linear.gather [hbm4b:s0+s2], $0x80, $0x38;
	[tilespmem:$0xF680] =	vst v63  }
0x1d: {  	_ =	swait.ge [sflag:s10], $0x80  }
0x1e: {  	[sflag:s10] =	ssyncset.done $0x0  }
0x1f: {  	s0 =	simm.s32 $0x8;
	[sflag:s10] =	ssyncadd.s32 $0xFFFFFF80  }
0x20: {  	v23 =	vld [tilespmem:s0+$0xFFFFFFF8];
	_ =	sdelay $0x3  }
0x21: {  	v22 =	vmov s1  }
0x22: {  	s2 =	simm.s32 $0x0;
	v23 =	vadd.s32 v22, v23  }
0x23: {  	[tilespmem:s2+$0x1000] =	vst v23  }
0x24: {  	v23 =	vld [tilespmem:s0+$0x0];
	_ =	sdelay $0x4  }
0x25: {  	s1 =	simm.s32 $0x60;
	v23 =	vadd.s32 v22, v23  }
.LBB2_3:
0x26: {  	p0 =	sne.s32 s1, $0x2FA0  }
0x27: {  	[tilespmem:s2+$0x1008] =	vst v23;
	s0 =	sadd.s32 $0x20, s0;
	s2 =	smov.u32 s1;
	s1 =	sadd.s32 $0x60, s1  }
0x28: {  	v23 =	vld [tilespmem:s0+$0xFFFFFFF8];
	_ =	sdelay $0x4  }
0x29: {  	s2 =	sshra.s32 s2, $0x2;
	v23 =	vadd.s32 v22, v23  }
0x2a: {  	[tilespmem:s2+$0x1000] =	vst v23  }
0x2b: {  	v23 =	vld [tilespmem:s0+$0x0]  }
.Ltmp0:
0x2c: {  	(pc) =	sbr.rel @p0 .LBB2_3-.Ltmp0, $2  }
0x2d: {  	_ =	sdelay $0x2  }
0x2e: {  	v23 =	vadd.s32 v22, v23  }
0x2f: {  	[tilespmem:s2+$0x1008] =	vst v23  }
0x30: {  	[tilespmem:s15], [sflag:$0x1] =	stream.indirect.gather [hbm4b:s4+s13], $0x40, s14, s13, $0xb8;
	[tilespmem:$0xF680] =	vst v63  }
0x31: {  	_ = 	snop  }
0x32: {  	[tilespmem:s17], [sflag:$0x1] =	stream.indirect.gather [hbm4b:s4+s13], $0x40, s16, s13, $0xb8;
	[tilespmem:$0xF680] =	vst v63  }
0x33: {  	p0 =	por $0x0, $0x0;
	s28 =	simm.s32 $0x0  }
0x34: {  	[tilespmem:s19], [sflag:$0x1] =	stream.indirect.gather [hbm4b:s4+s13], $0x40, s18, s13, $0xb8;
	[tilespmem:$0xF680] =	vst v63  }
.LBB2_5:
0x35: {  	p1 =	seq.s32 s28, $0x7  }
0x36: {  	s0 =	sadd.s32 @!p1 $0x1, s28  }
0x37: {  	s1 =	sand.u32 @!p1 $0x1, s0;
	s0 =	smul.u32 @!p1 $0x600, s0  }
0x38: {  	s2 =	smul.u32 @!p1 $0x18000, s1;
	_ =	sdelay $0x1  }
0x39: {  	s23 =	simm.s32 @!p1 $0x80;
	s0 =	sshra.s32 @!p1 s0, $0x2;
	s2 =	sshrl.u32 @!p1 s2, $0x2  }
0x3a: {  	s1 =	sadd.s32 @!p1 $0x1, s1;
	s9 =	sadd.s32 @!p1 $0x1000, s0;
	s8 =	sadd.s32 @!p1 $0x2C80, s2  }
0x3b: {  	[tilespmem:s8], [sflag:s1] =	stream.indirect.gather @!p1 [hbm4b:s4+s23], $0x40, s9, s23, $0xb8;
	[tilespmem:$0xF680] =	vst v63  }
0x3c: {  	s8 =	sadd.s32 @!p1 $0x4C80, s2;
	s9 =	sadd.s32 @!p1 $0x1080, s0  }
0x3d: {  	[tilespmem:s8], [sflag:s1] =	stream.indirect.gather @!p1 [hbm4b:s4+s23], $0x40, s9, s23, $0xb8;
	[tilespmem:$0xF680] =	vst v63  }
0x3e: {  	s29 =	sand.u32 $0x1, s28;
	s2 =	sadd.s32 @!p1 $0x6C80, s2;
	s0 =	sadd.s32 @!p1 $0x1100, s0  }
0x3f: {  	[tilespmem:s2], [sflag:s1] =	stream.indirect.gather @!p1 [hbm4b:s4+s23], $0x40, s0, s23, $0xb8;
	[tilespmem:$0xF680] =	vst v63  }
0x40: {  	s23 =	sadd.s32 $0x1, s29  }
0x41: {  	_ =	swait.ge [sflag:s23], $0x2000  }
0x42: {  	[sflag:s23] =	ssyncset.done $0x0  }
0x43: {  	[sflag:s23] =	ssyncadd.s32 $0xFFFFE000  }
0x44: {  	_ =	swait.ge [sflag:s23], $0x2000  }
0x45: {  	s30 =	sshll.u32 s28, $0x4;
	[sflag:s23] =	ssyncset.done $0x0  }
0x46: {  	v22 =	vmov s30;
	[sflag:s23] =	ssyncadd.s32 $0xFFFFE000  }
0x47: {  	v22 =	vshll.u32 v22, $0x5;
	_ =	swait.ge [sflag:s23], $0x2000  }
0x48: {  	v27 =	vor.u32 v1, v22;
	p1 =	slt.u32 s28, $0x2;
	[sflag:s23] =	ssyncset.done $0x0  }
0x49: {  	v22 =	vor.u32 $0x1, v27;
	s0 =	sadd.s32 @!p1 $0x3, s29;
	[sflag:s23] =	ssyncadd.s32 $0xFFFFE000  }
0x4a: {  	v23 =	vor.u32 $0x2, v27;
	_ =	swait.ge @!p1 [sflag:s0], $0x400  }
0x4b: {  	[sflag:s0] =	ssyncset.done @!p1 $0x0  }
0x4c: {  	v25 =	vor.u32 $0x3, v27;
	[sflag:s0] =	ssyncadd.s32 @!p1 $0xFFFFFC00  }
0x4d: {  	v24 =	vld.idx.msk [tilespmem:v27+s26+$0x0], $0xffff  }
0x4e: {  	v29 =	vor.u32 $0x5, v27;
	v26 =	vld.idx.msk [tilespmem:v22+s26+$0x0], $0xffff  }
0x4f: {  	v32 =	vor.u32 $0x6, v27;
	v28 =	vld.idx.msk [tilespmem:v23+s26+$0x0], $0xffff  }
0x50: {  	v35 =	vor.u32 $0x8, v27;
	v22 =	vld [tilespmem:s30+$0x2C00]  }
0x51: {  	s1 =	sor.u32 s7, s30;
	v23 =	vor.u32 $0x4, v27;
	v30 =	vld.idx.msk [tilespmem:v25+s26+$0x0], $0xffff  }
0x52: {  	v25 =	vld [tilespmem:s1+$0x1C00]  }
0x53: {  	v29 =	vld.idx.msk [tilespmem:v29+s26+$0x0], $0xffff  }
0x54: {  	v32 =	vld.idx.msk [tilespmem:v32+s26+$0x0], $0xffff  }
0x55: {  	v35 =	vld.idx.msk [tilespmem:v35+s26+$0x0], $0xffff  }
0x56: {  	v33 =	vld.idx.msk [tilespmem:v23+s26+$0x0], $0xffff  }
0x57: {  	v31 =	vld.idx.msk [tilespmem:v24+s11+$0x0], $0xffff  }
0x58: {  	v23 =	vor.u32 $0x7, v27;
	v34 =	vld.idx.msk [tilespmem:v26+s11+$0x0], $0xffff  }
0x59: {  	v0 =	vlaneseq.u32;
	v36 =	vld.idx.msk [tilespmem:v28+s11+$0x0], $0xffff  }
0x5a: {  	v38 =	vor.u32 $0x9, v27;
	v40 =	vor.u32 $0xA, v27;
	v41 =	vadd.f32 v25, v22;
	v37 =	vld.idx.msk [tilespmem:v30+s11+$0x0], $0xffff  }
0x5b: {  	v43 =	vor.u32 $0xB, v27;
	v4 =	vor.u32 $0xC, v27;
	v48 =	vor.u32 $0xD, v27;
	v45 =	vld.idx.msk [tilespmem:v29+s11+$0x0], $0xffff  }
0x5c: {  	v49 =	vor.u32 $0xE, v27;
	v58 =	vor.u32 $0xF, v27;
	v44 =	vmul.f32 $2.000000030e-01, v41;
	v47 =	vld.idx.msk [tilespmem:v32+s11+$0x0], $0xffff  }
0x5d: {  	v51 =	vor.u32 $0x10, v27;
	v39 =	vld.idx.msk [tilespmem:v23+s26+$0x0], $0xffff;
	v23 =	vor.u32 s1, v0;
	v31 =	vadd.f32 v31, v22  }
0x5e: {  	v53 =	vor.u32 $0x12, v27;
	v7 =	vld.idx.msk [tilespmem:v35+s11+$0x0], $0xffff;
	v41 =	vmax.f32 v41, v44;
	vm0 =	veq.s32 v24, v23  }
0x5f: {  	vm10 =	veq.s32 v26, v23;
	vm11 =	veq.s32 v28, v23;
	v42 =	vld.idx.msk [tilespmem:v33+s11+$0x0], $0xffff;
	v25 =	vmul.f32 $2.000000030e-01, v31  }
0x60: {  	vm12 =	veq.s32 v30, v23;
	vm1 =	veq.s32 v33, v23;
	v30 =	vld.idx.msk [tilespmem:v48+s26+$0x0], $0xffff;
	vm13 =	veq.s32 v29, v23  }
0x61: {  	v34 =	vadd.f32 v34, v22;
	v25 =	vmax.f32 v31, v25;
	v31 =	vadd.f32 v36, v22;
	v36 =	vld.idx.msk [tilespmem:v38+s26+$0x0], $0xffff  }
0x62: {  	vm14 =	veq.s32 v32, v23;
	v54 =	vadd.f32 v45, v22;
	v56 =	vadd.f32 v47, v22;
	v38 =	vld.idx.msk [tilespmem:v40+s26+$0x0], $0xffff  }
0x63: {  	vm4 =	veq.s32 v35, v23;
	v37 =	vadd.f32 v37, v22;
	v61 =	vadd.f32 v7, v22;
	v40 =	vld.idx.msk [tilespmem:v4+s26+$0x0], $0xffff  }
0x64: {  	v55 =	vmul.f32 $2.000000030e-01, v54;
	v29 =	vmul.f32 $2.000000030e-01, v56;
	v5 =	vadd.f32 v42, v22;
	v42 =	vld.idx.msk [tilespmem:v43+s26+$0x0], $0xffff  }
0x65: {  	vm15 =	veq.s32 v39, v23;
	vm9 =	veq.s32 v30, v23;
	v6 =	vld.idx.msk [tilespmem:v39+s11+$0x0], $0xffff;
	v46 =	vmul.f32 $2.000000030e-01, v31  }
0x66: {  	v45 =	vld.idx.msk [tilespmem:v58+s26+$0x0], $0xffff;
	v33 =	vmax.f32 v54, v55;
	v29 =	vmax.f32 v56, v29;
	v4 =	vmul.f32 $2.000000030e-01, v61  }
0x67: {  	v24 =	vsel vm0, $0xCE6E6B28, v25;
	v39 =	vld.idx.msk [tilespmem:v53+s26+$0x0], $0xffff;
	v26 =	vmax.f32 v31, v46;
	v31 =	vmul.f32 $2.000000030e-01, v37  }
0x68: {  	v25 =	vmul.f32 $2.000000030e-01, v34;
	v33 =	vsel vm13, $0xCE6E6B28, v33;
	v29 =	vsel vm14, $0xCE6E6B28, v29;
	v52 =	vld.idx.msk [tilespmem:v30+s11+$0x0], $0xffff  }
0x69: {  	v32 =	vmax.f32 v61, v4;
	v28 =	vmul.f32 $2.000000030e-01, v5;
	v31 =	vmax.f32 v37, v31;
	v37 =	vld.idx.msk [tilespmem:v49+s26+$0x0], $0xffff  }
0x6a: {  	v25 =	vmax.f32 v34, v25;
	v43 =	vadd.f32 v6, v22;
	v6 =	vor.u32 $0x11, v27;
	v57 =	vld.idx.msk [tilespmem:v36+s11+$0x0], $0xffff  }
0x6b: {  	v32 =	vsel vm4, $0xCE6E6B28, v32;
	v28 =	vmax.f32 v5, v28;
	v27 =	vor.u32 $0x13, v27;
	v5 =	vld.idx.msk [tilespmem:v40+s11+$0x0], $0xffff  }
0x6c: {  	v25 =	vsel vm10, $0xCE6E6B28, v25;
	v26 =	vsel vm11, $0xCE6E6B28, v26;
	v60 =	vmul.f32 $2.000000030e-01, v43;
	v50 =	vld.idx.msk [tilespmem:v42+s11+$0x0], $0xffff  }
0x6d: {  	vm5 =	veq.s32 v36, v23;
	vm6 =	veq.s32 v38, v23;
	vm8 =	veq.s32 v40, v23;
	v59 =	vld.idx.msk [tilespmem:v38+s11+$0x0], $0xffff  }
0x6e: {  	vm11 =	veq.s32 v45, v23;
	v28 =	vsel vm1, $0xCE6E6B28, v28;
	v62 =	vmax.f32 v43, v60  }
0x6f: {  	vm7 =	veq.s32 v42, v23;
	v34 =	vsel vm15, $0xCE6E6B28, v62;
	v47 =	vld.idx.msk [tilespmem:v6+s26+$0x0], $0xffff;
	v62 =	vadd.f32 v52, v22  }
0x70: {  	vm14 =	veq.s32 v39, v23;
	v31 =	vsel vm12, $0xCE6E6B28, v31;
	v27 =	vld.idx.msk [tilespmem:v27+s26+$0x0], $0xffff;
	v63 =	vadd.f32 v57, v22  }
0x71: {  	v46 =	vadd.f32 v5, v22;
	v4 =	vmul.f32 $2.000000030e-01, v62;
	v55 =	vadd.f32 v50, v22;
	v50 =	vld.idx.msk [tilespmem:v51+s26+$0x0], $0xffff  }
0x72: {  	vm10 =	veq.s32 v37, v23;
	v54 =	vadd.f32 v59, v22;
	v5 =	vmax.f32 v41, v24  }
0x73: {  	v59 =	vld.idx.msk [tilespmem:v37+s11+$0x0], $0xffff;
	v7 =	vmul.f32 $2.000000030e-01, v63;
	v61 =	vmul.f32 $2.000000030e-01, v46;
	v43 =	vmax.f32 v62, v4  }
0x74: {  	v57 =	vmul.f32 $2.000000030e-01, v54;
	v58 =	vmul.f32 $2.000000030e-01, v55;
	v43 =	vsel vm9, $0xCE6E6B28, v43  }
0x75: {  	vm13 =	veq.s32 v47, v23;
	v42 =	vmax.f32 v46, v61;
	v46 =	vmax.f32 v5, v25  }
0x76: {  	vm15 =	veq.s32 v27, v23;
	v56 =	vmax.f32 v63, v7;
	v63 =	vld.idx.msk [tilespmem:v45+s11+$0x0], $0xffff;
	v30 =	vmax.f32 v46, v26  }
0x77: {  	v36 =	vmax.f32 v54, v57;
	v60 =	vmax.f32 v55, v58;
	v58 =	vld.idx.msk [tilespmem:v39+s11+$0x0], $0xffff;
	v30 =	vmax.f32 v30, v31  }
0x78: {  	v35 =	vsel vm5, $0xCE6E6B28, v56;
	v6 =	vadd.f32 v59, v22;
	v56 =	vld.idx.msk [tilespmem:v47+s11+$0x0], $0xffff;
	v30 =	vmax.f32 v30, v28  }
0x79: {  	v36 =	vsel vm6, $0xCE6E6B28, v36;
	v42 =	vsel vm8, $0xCE6E6B28, v42;
	v30 =	vmax.f32 v30, v33;
	v7 =	vld.idx.msk [tilespmem:v50+s11+$0x0], $0xffff  }
0x7a: {  	v38 =	vsel vm7, $0xCE6E6B28, v60;
	v54 =	vmul.f32 $2.000000030e-01, v6;
	v30 =	vmax.f32 v30, v29  }
0x7b: {  	vm12 =	veq.s32 v50, v23;
	v55 =	vadd.f32 v63, v22;
	v30 =	vmax.f32 v30, v34  }
0x7c: {  	v61 =	vld.idx.msk [tilespmem:v27+s11+$0x0], $0xffff;
	v40 =	vmax.f32 v6, v54;
	v62 =	vadd.f32 v58, v22;
	v30 =	vmax.f32 v30, v32  }
0x7d: {  	v57 =	vmul.f32 $2.000000030e-01, v55;
	v40 =	vsel vm10, $0xCE6E6B28, v40;
	v30 =	vmax.f32 v30, v35  }
0x7e: {  	v48 =	vadd.f32 v56, v22;
	v30 =	vmax.f32 v30, v36;
	v59 =	vadd.f32 v7, v22  }
0x7f: {  	v4 =	vmul.f32 $2.000000030e-01, v62;
	v44 =	vmax.f32 v55, v57;
	v30 =	vmax.f32 v30, v38  }
0x80: {  	v63 =	vmul.f32 $2.000000030e-01, v48;
	v30 =	vmax.f32 v30, v42;
	v60 =	vmul.f32 $2.000000030e-01, v59  }
0x81: {  	v44 =	vsel vm11, $0xCE6E6B28, v44;
	v22 =	vadd.f32 v61, v22;
	v30 =	vmax.f32 v30, v43  }
0x82: {  	v48 =	vmax.f32 v48, v63;
	v30 =	vmax.f32 v30, v40;
	v37 =	vmax.f32 v59, v60  }
0x83: {  	v5 =	vmul.f32 $2.000000030e-01, v22;
	v30 =	vmax.f32 v30, v44;
	v37 =	vsel vm12, $0xCE6E6B28, v37  }
0x84: {  	v45 =	vmax.f32 v62, v4;
	v6 =	vsel vm13, $0xCE6E6B28, v48;
	v30 =	vmax.f32 v30, v37  }
0x85: {  	v45 =	vsel vm14, $0xCE6E6B28, v45;
	v22 =	vmax.f32 v22, v5;
	v23 =	vmax.f32 v30, v6  }
0x86: {  	v27 =	vsel vm15, $0xCE6E6B28, v22;
	v22 =	vmax.f32 v23, v45  }
0x87: {  	v23 =	vmax.f32 v22, v27  }
0x88: {  	v22 =	vsub.f32 v41, v23  }
0x89: {  	v24 =	vsub.f32 v24, v23  }
0x8a: {  	v22 =	vmul.f32 $1.442695020e+00, v22  }
0x8b: {  	v25 =	vsub.f32 v25, v23;
	v24 =	vmul.f32 $1.442695020e+00, v24  }
0x8c: {  	(erf) = vpow2.f32 v22  }
0x8d: {  	v22 =	vmul.f32 $1.442695020e+00, v25;
	(erf) = vpow2.f32 v24;
	v24 =	vsub.f32 v26, v23;
	_ =	sdelay $0x1  }
0x8e: {  	(erf) = vpow2.f32 v22;
	v22 =	vmul.f32 $1.442695020e+00, v24;
	v24 =	vsub.f32 v31, v23;
	_ =	sdelay $0x1  }
0x8f: {  	(erf) = vpow2.f32 v22;
	v22 =	vmul.f32 $1.442695020e+00, v24;
	v24 =	vsub.f32 v28, v23;
	_ =	sdelay $0x1  }
0x90: {  	v25 =	vsub.f32 v33, v23;
	v24 =	vmul.f32 $1.442695020e+00, v24  }
0x91: {  	(erf) = vpow2.f32 v22  }
0x92: {  	v22 =	vpop (erf);
	(erf) = vpow2.f32 v24;
	v24 =	vmul.f32 $1.442695020e+00, v25  }
0x93: {  	v26 =	vsub.f32 v29, v23  }
0x94: {  	v25 =	vpop (erf);
	(erf) = vpow2.f32 v24  }
0x95: {  	v29 =	vsub.f32 v34, v23;
	v26 =	vmul.f32 $1.442695020e+00, v26  }
0x96: {  	v28 =	vadd.f32 v25, v22  }
0x97: {  	v24 =	vpop (erf);
	(erf) = vpow2.f32 v26;
	v26 =	vmul.f32 $1.442695020e+00, v29;
	v29 =	vsub.f32 v32, v23  }
0x98: {  	v28 =	vadd.f32 v28, v24  }
0x99: {  	v30 =	vpop (erf);
	(erf) = vpow2.f32 v26;
	v26 =	vmul.f32 $1.442695020e+00, v29;
	v29 =	vsub.f32 v35, v23  }
0x9a: {  	v28 =	vadd.f32 v28, v30;
	v31 =	vpop (erf)  }
0x9b: {  	v32 =	vpop (erf);
	(erf) = vpow2.f32 v26;
	v26 =	vmul.f32 $1.442695020e+00, v29;
	v29 =	vsub.f32 v36, v23  }
0x9c: {  	v28 =	vadd.f32 v28, v31  }
0x9d: {  	v33 =	vpop (erf);
	(erf) = vpow2.f32 v26;
	v26 =	vmul.f32 $1.442695020e+00, v29;
	v29 =	vsub.f32 v38, v23  }
0x9e: {  	v28 =	vadd.f32 v28, v32  }
0x9f: {  	(erf) = vpow2.f32 v26;
	v26 =	vmul.f32 $1.442695020e+00, v29;
	v29 =	vsub.f32 v42, v23  }
0xa0: {  	v28 =	vadd.f32 v28, v33  }
0xa1: {  	v7 =	vpop (erf);
	(erf) = vpow2.f32 v26;
	v26 =	vmul.f32 $1.442695020e+00, v29  }
0xa2: {  	v47 =	vsub.f32 v43, v23;
	v28 =	vadd.f32 v28, v7  }
0xa3: {  	v29 =	vpop (erf);
	(erf) = vpow2.f32 v26  }
0xa4: {  	v48 =	vsub.f32 v40, v23;
	v35 =	vmul.f32 $1.442695020e+00, v47;
	v28 =	vadd.f32 v28, v29  }
0xa5: {  	v51 =	vsub.f32 v44, v23;
	v26 =	vpop (erf)  }
0xa6: {  	v50 =	vmul.f32 $1.442695020e+00, v48;
	(erf) = vpow2.f32 v35;
	v28 =	vadd.f32 v28, v26  }
0xa7: {  	v54 =	vsub.f32 v37, v23;
	v49 =	vpop (erf)  }
0xa8: {  	v53 =	vmul.f32 $1.442695020e+00, v51;
	(erf) = vpow2.f32 v50;
	v28 =	vadd.f32 v28, v49  }
0xa9: {  	v57 =	vsub.f32 v6, v23;
	v52 =	vpop (erf)  }
0xaa: {  	v56 =	vmul.f32 $1.442695020e+00, v54;
	v28 =	vadd.f32 v28, v52;
	v55 =	vpop (erf);
	(erf) = vpow2.f32 v53  }
0xab: {  	v60 =	vsub.f32 v45, v23  }
0xac: {  	v59 =	vmul.f32 $1.442695020e+00, v57;
	v28 =	vadd.f32 v28, v55;
	v58 =	vpop (erf);
	(erf) = vpow2.f32 v56  }
0xad: {  	v23 =	vsub.f32 v27, v23  }
0xae: {  	v61 =	vmul.f32 $1.442695020e+00, v60;
	(erf) = vpow2.f32 v59;
	v28 =	vadd.f32 v28, v58  }
0xaf: {  	v23 =	vmul.f32 $1.442695020e+00, v23;
	v27 =	vpop (erf)  }
0xb0: {  	(erf) = vpow2.f32 v61;
	v28 =	vadd.f32 v28, v27  }
0xb1: {  	v62 =	vpop (erf)  }
0xb2: {  	(erf) = vpow2.f32 v23;
	v28 =	vadd.f32 v28, v62  }
0xb3: {  	v23 =	vpop (erf)  }
0xb4: {  	v28 =	vadd.f32 v28, v23  }
0xb5: {  	v63 =	vpop (erf)  }
0xb6: {  	v28 =	vadd.f32 v28, v63  }
0xb7: {  	v4 =	vpop (erf)  }
0xb8: {  	v28 =	vadd.f32 v28, v4  }
0xb9: {  	v5 =	vpop (erf)  }
0xba: {  	v28 =	vadd.f32 v28, v5  }
0xbb: {  	v6 =	vpop (erf)  }
0xbc: {  	v28 =	vadd.f32 v28, v6;
	_ =	sdelay $0x1  }
0xbd: {  	v28 =	vadd.f32 $1.000000020e-16, v28;
	_ =	sdelay $0x1  }
0xbe: {  	(erf) = vrcp.f32 v28;
	_ =	sdelay $0x4  }
0xbf: {  	v0 =	vld [tilespmem:$0x1FF80];
	_ =	sdelay $0x3  }
0xc0: {  	v28 =	vpop (erf)  }
0xc1: {  	v25 =	vmul.f32 v28, v25  }
0xc2: {  	v24 =	vmul.f32 v28, v24  }
0xc3: {  	[tilespmem:v1+s20+$0x0] =	vst.idx.msk $0xffff, v25  }
0xc4: {  	[tilespmem:v0+s20+$0x0] =	vst.idx.msk $0xffff, v24;
	v0 =	vld [tilespmem:$0x1FF90];
	_ =	sdelay $0x5  }
0xc5: {  	v25 =	vmul.f32 v28, v30;
	_ =	sdelay $0x1  }
0xc6: {  	[tilespmem:v0+s20+$0x0] =	vst.idx.msk $0xffff, v25;
	v0 =	vld [tilespmem:$0x1FFA0];
	_ =	sdelay $0x5  }
0xc7: {  	v24 =	vmul.f32 v28, v31;
	_ =	sdelay $0x1  }
0xc8: {  	[tilespmem:v0+s20+$0x0] =	vst.idx.msk $0xffff, v24;
	v0 =	vld [tilespmem:$0x1FFB0];
	_ =	sdelay $0x5  }
0xc9: {  	v25 =	vmul.f32 v28, v32;
	_ =	sdelay $0x1  }
0xca: {  	[tilespmem:v0+s20+$0x0] =	vst.idx.msk $0xffff, v25;
	v0 =	vld [tilespmem:$0x1FFC0];
	_ =	sdelay $0x5  }
0xcb: {  	v24 =	vmul.f32 v28, v33;
	_ =	sdelay $0x1  }
0xcc: {  	[tilespmem:v0+s20+$0x0] =	vst.idx.msk $0xffff, v24;
	v0 =	vld [tilespmem:$0x1FFD0];
	_ =	sdelay $0x5  }
0xcd: {  	v25 =	vmul.f32 v28, v7;
	_ =	sdelay $0x1  }
0xce: {  	[tilespmem:v0+s20+$0x0] =	vst.idx.msk $0xffff, v25;
	v0 =	vld [tilespmem:$0x1FFE0];
	_ =	sdelay $0x5  }
0xcf: {  	v24 =	vmul.f32 v28, v29;
	_ =	sdelay $0x1  }
0xd0: {  	[tilespmem:v0+s20+$0x0] =	vst.idx.msk $0xffff, v24;
	v0 =	vld [tilespmem:$0x1FFF0];
	_ =	sdelay $0x5  }
0xd1: {  	v25 =	vmul.f32 v28, v26  }
0xd2: {  	v24 =	vmul.f32 v28, v49  }
0xd3: {  	[tilespmem:v0+s20+$0x0] =	vst.idx.msk $0xffff, v25;
	v25 =	vmul.f32 v28, v52  }
0xd4: {  	[tilespmem:v10+s20+$0x0] =	vst.idx.msk $0xffff, v24;
	v24 =	vmul.f32 v28, v55  }
0xd5: {  	[tilespmem:v11+s20+$0x0] =	vst.idx.msk $0xffff, v25;
	v25 =	vmul.f32 v28, v58  }
0xd6: {  	[tilespmem:v12+s20+$0x0] =	vst.idx.msk $0xffff, v24;
	v24 =	vmul.f32 v28, v27  }
0xd7: {  	[tilespmem:v13+s20+$0x0] =	vst.idx.msk $0xffff, v25;
	v25 =	vmul.f32 v28, v62  }
0xd8: {  	v23 =	vmul.f32 v28, v23;
	[tilespmem:v14+s20+$0x0] =	vst.idx.msk $0xffff, v24  }
0xd9: {  	v24 =	vmul.f32 v28, v63;
	[tilespmem:v15+s20+$0x0] =	vst.idx.msk $0xffff, v25  }
0xda: {  	s0 =	simm.s32 $0x1;
	[tilespmem:v16+s20+$0x0] =	vst.idx.msk $0xffff, v23;
	v23 =	vmul.f32 v28, v4  }
0xdb: {  	s0 =	simm.s32 @!p0 $0x0;
	[tilespmem:v17+s20+$0x0] =	vst.idx.msk $0xffff, v24;
	v24 =	vmul.f32 v28, v5  }
0xdc: {  	s2 =	smul.u32 $0x18000, s0;
	[tilespmem:v18+s20+$0x0] =	vst.idx.msk $0xffff, v23;
	v23 =	vmul.f32 v28, v6  }
0xdd: {  	v22 =	vmul.f32 v28, v22;
	[tilespmem:v19+s20+$0x0] =	vst.idx.msk $0xffff, v24  }
0xde: {  	s1 =	sshrl.u32 s2, $0x2;
	[tilespmem:v20+s20+$0x0] =	vst.idx.msk $0xffff, v23  }
0xdf: {  	s23 =	sadd.s32 $0x2F20, s1;
	[tilespmem:v21+s20+$0x0] =	vst.idx.msk $0xffff, v22  }
0xe0: {  	v22 =	vld [tilespmem:s23+$0x230]  }
0xe1: {  	v23 =	vld [tilespmem:s23+$0x210]  }
0xe2: {  	v24 =	vld [tilespmem:s23+$0x1F0]  }
0xe3: {  	v25 =	vld [tilespmem:s23+$0x1A0]  }
0xe4: {  	v26 =	vld [tilespmem:s23+$0x1C0]  }
0xe5: {  	v29 =	vld [tilespmem:s23+$0xFFFFFF20]  }
0xe6: {  	v30 =	vld [tilespmem:s23+$0xFFFFFF00]  }
0xe7: {  	v31 =	vld [tilespmem:s23+$0xFFFFFEE0]  }
0xe8: {  	v32 =	vld [tilespmem:s23+$0xFFFFFF70]  }
0xe9: {  	v33 =	vld [tilespmem:s23+$0xFFFFFF10]  }
0xea: {  	v34 =	vld [tilespmem:s23+$0xFFFFFEA0]  }
0xeb: {  	v35 =	vld [tilespmem:s23+$0xFFFFFEC0]  }
0xec: {  	v36 =	vld [tilespmem:s23+$0xFFFFFEF0]  }
0xed: {  	v7 =	vld [tilespmem:s23+$0xFFFFFED0]  }
0xee: {  	s8 =	simm.s32 $0x0;
	v28 =	vld [tilespmem:s23+$0x90]  }
0xef: {  	v27 =	vld [tilespmem:s8+$0xEC80]  }
0xf0: {  	v53 =	vld [tilespmem:s23+$0xFFFFFD60]  }
0xf1: {  	v54 =	vld [tilespmem:s23+$0xFFFFFD80]  }
0xf2: {  	v55 =	vld [tilespmem:s23+$0xFFFFFD90]  }
0xf3: {  	v56 =	vld [tilespmem:s23+$0xFFFFFD70]  }
0xf4: {  	v57 =	vld [tilespmem:s23+$0xFFFFFDB0]  }
0xf5: {  	v58 =	vld [tilespmem:s23+$0xFFFFFDD0]  }
0xf6: {  	v59 =	vld [tilespmem:s23+$0xFFFFFE30]  }
0xf7: {  	v60 =	vld [tilespmem:s23+$0xFFFFFDA0]  }
0xf8: {  	v46 =	vld [tilespmem:s23+$0xFFFFFE50];
	v61 =	vbroadcast v27, $0x0  }
0xf9: {  	v62 =	vld [tilespmem:s23+$0xFFFFFDC0];
	v4 =	vbroadcast v27, $0x1  }
0xfa: {  	v63 =	vld [tilespmem:s23+$0xFFFFFEB0];
	v47 =	vbroadcast v27, $0x3;
	v38 =	vmul.f32 v53, v61  }
0xfb: {  	v48 =	vld [tilespmem:s23+$0xFFFFFE20];
	v39 =	vmul.f32 v54, v61;
	v40 =	vmul.f32 v55, v61  }
0xfc: {  	v51 =	vld [tilespmem:s23+$0xFFFFFE80];
	v41 =	vmul.f32 v56, v61;
	v42 =	vmul.f32 v57, v4  }
0xfd: {  	v52 =	vld [tilespmem:s23+$0xFFFFFE90];
	v43 =	vmul.f32 v58, v4;
	v44 =	vmul.f32 v59, v47  }
0xfe: {  	v5 =	vld [tilespmem:s23+$0xFFFFFE00];
	v55 =	vbroadcast v27, $0x5;
	v57 =	vbroadcast v27, $0x2  }
0xff: {  	v50 =	vld [tilespmem:s23+$0x70];
	v45 =	vmul.f32 v60, v4;
	v6 =	vmul.f32 v62, v4  }
0x100: {  	v54 =	vld [tilespmem:s23+$0xFFFFFDE0];
	v46 =	vmul.f32 v46, v47;
	v48 =	vmul.f32 v48, v47  }
0x101: {  	v56 =	vld [tilespmem:s23+$0xFFFFFE10];
	v59 =	vbroadcast v27, $0x6;
	v49 =	vmul.f32 v63, v55  }
0x102: {  	v58 =	vld [tilespmem:s23+$0xFFFFFDF0];
	v37 =	vmul.f32 v7, v55;
	v35 =	vmul.f32 v35, v55  }
0x103: {  	v61 =	vld [tilespmem:s23+$0xFFFFFE70];
	v34 =	vmul.f32 v34, v55;
	v60 =	vmul.f32 v5, v57  }
0x104: {  	v41 =	vadd.f32 v42, v41;
	v7 =	vld [tilespmem:s23+$0xFFFFFE40];
	v5 =	vbroadcast v27, $0x4;
	v31 =	vmul.f32 v31, v59  }
0x105: {  	v40 =	vadd.f32 v43, v40;
	v42 =	vld [tilespmem:s23+$0xFFFFFE60];
	v33 =	vmul.f32 v33, v59;
	v30 =	vmul.f32 v30, v59  }
0x106: {  	v39 =	vadd.f32 v6, v39;
	v6 =	vld [tilespmem:s23+$0xFFFFFF30];
	v36 =	vmul.f32 v36, v59;
	v51 =	vmul.f32 v51, v5  }
0x107: {  	v53 =	vld [tilespmem:s23+$0xFFFFFFE0];
	v38 =	vadd.f32 v45, v38;
	v52 =	vmul.f32 v52, v5;
	v62 =	vmul.f32 v54, v57  }
0x108: {  	v39 =	vadd.f32 v60, v39;
	v63 =	vmul.f32 v56, v57;
	v4 =	vmul.f32 v58, v57;
	v57 =	vld [tilespmem:s23+$0xFFFFFF50]  }
0x109: {  	v58 =	vbroadcast v27, $0x7;
	v38 =	vadd.f32 v62, v38;
	v43 =	vmul.f32 v7, v47;
	v7 =	vld [tilespmem:s23+$0xFFFFFF40]  }
0x10a: {  	v55 =	vld [tilespmem:s23+$0xFFFFFFB0];
	v45 =	vmul.f32 v61, v5;
	v40 =	vadd.f32 v63, v40;
	v42 =	vmul.f32 v42, v5  }
0x10b: {  	v41 =	vadd.f32 v4, v41;
	v62 =	vld [tilespmem:s23+$0xFFFFFF60];
	v4 =	vmul.f32 v6, v58;
	v38 =	vadd.f32 v48, v38  }
0x10c: {  	v60 =	vld [tilespmem:s23+$0xFFFFFF90];
	v29 =	vmul.f32 v29, v58;
	v40 =	vadd.f32 v46, v40;
	v39 =	vadd.f32 v43, v39  }
0x10d: {  	v63 =	vld [tilespmem:s23+$0xFFFFFF80];
	v41 =	vadd.f32 v44, v41;
	v48 =	vmul.f32 v57, v58;
	v38 =	vadd.f32 v42, v38  }
0x10e: {  	v59 =	vld [tilespmem:s23+$0x0];
	v40 =	vadd.f32 v52, v40;
	v61 =	vmul.f32 v7, v58;
	v7 =	vbroadcast v27, $0x8  }
0x10f: {  	v54 =	vld [tilespmem:s23+$0xFFFFFFC0];
	v39 =	vadd.f32 v51, v39;
	v41 =	vadd.f32 v45, v41;
	v58 =	vbroadcast v27, $0xA  }
0x110: {  	v56 =	vld [tilespmem:s23+$0x10];
	v34 =	vadd.f32 v34, v38;
	v37 =	vadd.f32 v37, v40;
	v47 =	vmul.f32 v62, v7  }
0x111: {  	v57 =	vld [tilespmem:s23+$0xFFFFFFF0];
	v35 =	vadd.f32 v35, v39;
	v32 =	vmul.f32 v32, v7;
	v44 =	vmul.f32 v60, v7  }
0x112: {  	v5 =	vld [tilespmem:s23+$0xFFFFFFA0];
	v41 =	vadd.f32 v49, v41;
	v39 =	vmul.f32 v63, v7;
	v63 =	vbroadcast v27, $0xB  }
0x113: {  	v6 =	vld [tilespmem:s23+$0xFFFFFFD0];
	v7 =	vmul.f32 v59, v58;
	v31 =	vadd.f32 v31, v34;
	v33 =	vadd.f32 v33, v37  }
0x114: {  	v42 =	vld [tilespmem:s23+$0x20];
	v30 =	vadd.f32 v30, v35;
	v36 =	vadd.f32 v36, v41;
	v37 =	vmul.f32 v53, v58  }
0x115: {  	v60 =	vld [tilespmem:s23+$0x50];
	v53 =	vbroadcast v27, $0xC;
	v29 =	vadd.f32 v29, v31;
	v31 =	vbroadcast v27, $0x9  }
0x116: {  	v62 =	vld [tilespmem:s23+$0x40];
	v40 =	vmul.f32 v57, v58;
	v33 =	vadd.f32 v48, v33;
	v30 =	vadd.f32 v61, v30  }
0x117: {  	v46 =	vld [tilespmem:s23+$0x60];
	v61 =	vadd.f32 v4, v36;
	v28 =	vmul.f32 v28, v53;
	v45 =	vmul.f32 v5, v31  }
0x118: {  	v52 =	vld [tilespmem:s23+$0xA0];
	v29 =	vadd.f32 v47, v29;
	v34 =	vmul.f32 v6, v31;
	v43 =	vmul.f32 v54, v31  }
0x119: {  	v4 =	vld [tilespmem:s23+$0x30];
	v33 =	vadd.f32 v44, v33;
	v31 =	vmul.f32 v55, v31;
	v5 =	vmul.f32 v56, v58  }
0x11a: {  	v30 =	vadd.f32 v39, v30;
	v6 =	vld [tilespmem:s23+$0x80];
	v54 =	vmul.f32 v42, v63;
	v56 =	vmul.f32 v60, v63  }
0x11b: {  	v32 =	vadd.f32 v32, v61;
	v55 =	vld [tilespmem:s23+$0xD0];
	v57 =	vmul.f32 v62, v63;
	v60 =	vbroadcast v27, $0xD  }
0x11c: {  	v58 =	vld [tilespmem:s23+$0xB0];
	v61 =	vmul.f32 v46, v53;
	v29 =	vadd.f32 v45, v29;
	v33 =	vadd.f32 v34, v33  }
0x11d: {  	v59 =	vld [tilespmem:s23+$0xC0];
	v30 =	vadd.f32 v43, v30;
	v31 =	vadd.f32 v31, v32;
	v34 =	vmul.f32 v50, v53  }
0x11e: {  	v35 =	vld [tilespmem:s23+$0x120];
	v32 =	vmul.f32 v52, v60;
	v29 =	vadd.f32 v37, v29;
	v33 =	vadd.f32 v5, v33  }
0x11f: {  	v39 =	vld [tilespmem:s23+$0x110];
	v36 =	vmul.f32 v4, v63;
	v62 =	vadd.f32 v7, v30;
	v42 =	vadd.f32 v40, v31  }
0x120: {  	s9 =	sshll.u32 s29, $0xA;
	s0 =	sshll.u32 s0, $0xA;
	v30 =	vld [tilespmem:s23+$0x100];
	v38 =	vmul.f32 v6, v53;
	v29 =	vadd.f32 v54, v29;
	v63 =	vadd.f32 v56, v33  }
0x121: {  	s1 =	sadd.s32 $0xEEA0, s0;
	s0 =	sadd.s32 $0xEE80, s9;
	v40 =	vld [tilespmem:s23+$0xF0];
	v41 =	vmul.f32 v55, v60;
	v37 =	vmul.f32 v58, v60;
	v43 =	vadd.f32 v57, v62  }
0x122: {  	s9 =	simm.s32 $0x80;
	s31 =	smov.u32 s23;
	v31 =	vld [tilespmem:s8+$0xEC90];
	s8 =	smov.u32 s1;
	v33 =	vadd.f32 v61, v29;
	v29 =	vadd.f32 v28, v63;
	v28 =	vmul.f32 v59, v60  }
.LBB2_6:
0x123: {  	p1 =	sne.s32 s9, $0x780;
	v36 =	vadd.f32 v36, v42;
	v42 =	vbroadcast v27, $0xE;
	v27 =	vbroadcast v27, $0xF;
	v44 =	vld [tilespmem:s23+$0x170];
	s1 =	sadd.s32 $0x40, s1;
	s31 =	sadd.s32 $0x600, s31  }
0x124: {  	s2 =	smov.u32 s9;
	s9 =	sadd.s32 $0x80, s9;
	v38 =	vadd.f32 v38, v43;
	v29 =	vadd.f32 v41, v29;
	v41 =	vld [tilespmem:s23+$0x270]  }
0x125: {  	v34 =	vadd.f32 v34, v36;
	v36 =	vmul.f32 v39, v42;
	v35 =	vmul.f32 v35, v27;
	v39 =	vld [tilespmem:s23+$0x130]  }
0x126: {  	v30 =	vmul.f32 v30, v42;
	v28 =	vadd.f32 v28, v38;
	v38 =	vmul.f32 v40, v42;
	v40 =	vld [tilespmem:s23+$0x160]  }
0x127: {  	v32 =	vadd.f32 v32, v33;
	v29 =	vadd.f32 v36, v29;
	v33 =	vld [tilespmem:s23+$0x150];
	v36 =	vbroadcast v31, $0x4  }
0x128: {  	v34 =	vadd.f32 v37, v34;
	v37 =	vbroadcast v31, $0x3;
	v28 =	vadd.f32 v30, v28;
	v30 =	vld [tilespmem:s23+$0x140]  }
0x129: {  	v43 =	vbroadcast v31, $0x0;
	v45 =	vld [tilespmem:s23+$0x1B0];
	v41 =	vmul.f32 v41, v36  }
0x12a: {  	v34 =	vadd.f32 v38, v34;
	v46 =	vld [tilespmem:s23+$0xE0];
	v38 =	vmul.f32 v39, v27;
	v39 =	vbroadcast v31, $0x2  }
0x12b: {  	v31 =	vbroadcast v31, $0x1;
	v40 =	vmul.f32 v40, v43;
	v47 =	vld [tilespmem:s23+$0x1D0]  }
0x12c: {  	v34 =	vadd.f32 v38, v34;
	v33 =	vmul.f32 v33, v27;
	v38 =	vmul.f32 v44, v43;
	v44 =	vld [tilespmem:s23+$0x190]  }
0x12d: {  	v26 =	vmul.f32 v26, v31;
	v27 =	vmul.f32 v30, v27;
	v30 =	vld [tilespmem:s23+$0x180]  }
0x12e: {  	v29 =	vadd.f32 v33, v29;
	v33 =	vadd.f32 v38, v34;
	v34 =	vmul.f32 v45, v31;
	v38 =	vld [tilespmem:s23+$0x200]  }
0x12f: {  	v25 =	vmul.f32 v25, v31;
	v42 =	vmul.f32 v46, v42;
	v27 =	vadd.f32 v27, v28;
	v28 =	vld [tilespmem:s23+$0x1E0]  }
0x130: {  	v24 =	vmul.f32 v24, v39;
	v33 =	vadd.f32 v34, v33;
	v31 =	vmul.f32 v47, v31  }
0x131: {  	v23 =	vmul.f32 v23, v39;
	v32 =	vadd.f32 v42, v32;
	v34 =	vmul.f32 v44, v43;
	v42 =	vld [tilespmem:s23+$0x290]  }
0x132: {  	v22 =	vmul.f32 v22, v37;
	v30 =	vmul.f32 v30, v43;
	v24 =	vadd.f32 v24, v33;
	v33 =	vld [tilespmem:s23+$0x250]  }
0x133: {  	v32 =	vadd.f32 v35, v32;
	v35 =	vmul.f32 v38, v39;
	v38 =	vld [tilespmem:s23+$0x240]  }
0x134: {  	v29 =	vadd.f32 v34, v29;
	v28 =	vmul.f32 v28, v39;
	v34 =	vld [tilespmem:s23+$0x220];
	v22 =	vadd.f32 v22, v24  }
0x135: {  	v27 =	vadd.f32 v30, v27;
	v24 =	vadd.f32 v40, v32;
	v30 =	vld [tilespmem:s23+$0x280]  }
0x136: {  	v29 =	vadd.f32 v31, v29;
	v31 =	vld [tilespmem:s23+$0x260];
	v22 =	vadd.f32 v41, v22;
	s23 =	smov.u32 s31  }
0x137: {  	v24 =	vadd.f32 v25, v24;
	v25 =	vadd.f32 v26, v27  }
0x138: {  	v23 =	vadd.f32 v23, v29;
	v27 =	vmul.f32 v33, v37;
	v26 =	vmul.f32 v38, v37;
	[tilespmem:s8+$0xFFFFFFF0] =	vst v22  }
0x139: {  	v22 =	vadd.f32 v28, v24;
	v24 =	vadd.f32 v35, v25;
	v25 =	vmul.f32 v34, v37  }
0x13a: {  	v23 =	vadd.f32 v27, v23;
	v28 =	vmul.f32 v42, v36;
	v27 =	vmul.f32 v30, v36  }
0x13b: {  	v22 =	vadd.f32 v25, v22;
	v24 =	vadd.f32 v26, v24;
	v25 =	vmul.f32 v31, v36  }
0x13c: {  	v23 =	vadd.f32 v28, v23  }
0x13d: {  	v22 =	vadd.f32 v25, v22;
	v24 =	vadd.f32 v27, v24  }
0x13e: {  	[tilespmem:s8+$0x10] =	vst v23  }
0x13f: {  	[tilespmem:s8+$0x0] =	vst v24  }
0x140: {  	[tilespmem:s8+$0xFFFFFFE0] =	vst v22;
	s8 =	smov.u32 s1  }
0x141: {  	v22 =	vld [tilespmem:s31+$0x230]  }
0x142: {  	v23 =	vld [tilespmem:s31+$0x210]  }
0x143: {  	v24 =	vld [tilespmem:s31+$0x1F0]  }
0x144: {  	v25 =	vld [tilespmem:s31+$0x1A0]  }
0x145: {  	v26 =	vld [tilespmem:s31+$0x1C0]  }
0x146: {  	v34 =	vld [tilespmem:s31+$0xFFFFFF20]  }
0x147: {  	v36 =	vld [tilespmem:s31+$0xFFFFFF00]  }
0x148: {  	v37 =	vld [tilespmem:s31+$0xFFFFFEE0]  }
0x149: {  	v38 =	vld [tilespmem:s31+$0xFFFFFF70]  }
0x14a: {  	v39 =	vld [tilespmem:s31+$0xFFFFFF10]  }
0x14b: {  	v40 =	vld [tilespmem:s31+$0xFFFFFEA0]  }
0x14c: {  	v41 =	vld [tilespmem:s31+$0xFFFFFEC0]  }
0x14d: {  	v42 =	vld [tilespmem:s31+$0xFFFFFEF0]  }
0x14e: {  	v43 =	vld [tilespmem:s31+$0xFFFFFED0]  }
0x14f: {  	v29 =	vld [tilespmem:s31+$0x90]  }
0x150: {  	v44 =	vld [tilespmem:s31+$0x70]  }
0x151: {  	v45 =	vld [tilespmem:s31+$0xFFFFFF30]  }
0x152: {  	s2 =	sshra.s32 s2, $0x2;
	v31 =	vld [tilespmem:s31+$0x60]  }
0x153: {  	v27 =	vld [tilespmem:s2+$0xEC80]  }
0x154: {  	v33 =	vld [tilespmem:s31+$0x20]  }
0x155: {  	v32 =	vld [tilespmem:s31+$0xFFFFFD60]  }
0x156: {  	v35 =	vld [tilespmem:s31+$0xFFFFFD80]  }
0x157: {  	v46 =	vld [tilespmem:s31+$0xFFFFFD90]  }
0x158: {  	v47 =	vbroadcast v27, $0x0;
	v48 =	vld [tilespmem:s31+$0xFFFFFD70];
	v28 =	vbroadcast v27, $0xD  }
0x159: {  	v49 =	vbroadcast v27, $0x1;
	v30 =	vbroadcast v27, $0xC;
	v50 =	vld [tilespmem:s31+$0xFFFFFDB0]  }
0x15a: {  	v51 =	vmul.f32 v32, v47;
	v52 =	vld [tilespmem:s31+$0xFFFFFF40];
	v32 =	vbroadcast v27, $0xB  }
0x15b: {  	v29 =	vmul.f32 v29, v30;
	v53 =	vmul.f32 v35, v47;
	v54 =	vld [tilespmem:s31+$0xFFFFFDD0]  }
0x15c: {  	v35 =	vbroadcast v27, $0xA;
	v46 =	vmul.f32 v46, v47;
	v55 =	vld [tilespmem:s31+$0xFFFFFE30]  }
0x15d: {  	v31 =	vmul.f32 v31, v30;
	v47 =	vmul.f32 v48, v47;
	v48 =	vld [tilespmem:s31+$0xFFFFFF50]  }
0x15e: {  	v33 =	vmul.f32 v33, v32;
	v56 =	vld [tilespmem:s31+$0xFFFFFDA0];
	v50 =	vmul.f32 v50, v49  }
0x15f: {  	v57 =	vbroadcast v27, $0x3;
	v59 =	vbroadcast v27, $0x9;
	v58 =	vld [tilespmem:s31+$0xFFFFFE50]  }
0x160: {  	v60 =	vbroadcast v27, $0x6;
	v47 =	vadd.f32 v50, v47;
	v50 =	vld [tilespmem:s31+$0xFFFFFDC0];
	v54 =	vmul.f32 v54, v49  }
0x161: {  	v62 =	vbroadcast v27, $0x7;
	v55 =	vmul.f32 v55, v57;
	v61 =	vld [tilespmem:s31+$0xFFFFFEB0]  }
0x162: {  	v63 =	vbroadcast v27, $0x2;
	v2 =	vbroadcast v27, $0x5;
	v0 =	vld [tilespmem:s31+$0xFFFFFE80]  }
0x163: {  	v3 =	vbroadcast v27, $0x4;
	v56 =	vmul.f32 v56, v49;
	v4 =	vld [tilespmem:s31+$0xFFFFFE90]  }
0x164: {  	v52 =	vmul.f32 v52, v62;
	v5 =	vld [tilespmem:s31+$0xFFFFFE20];
	v58 =	vmul.f32 v58, v57  }
0x165: {  	v46 =	vadd.f32 v54, v46;
	v48 =	vmul.f32 v48, v62;
	v49 =	vmul.f32 v50, v49;
	v50 =	vld [tilespmem:s31+$0xFFFFFE00]  }
0x166: {  	v45 =	vmul.f32 v45, v62;
	v51 =	vadd.f32 v56, v51;
	v54 =	vld [tilespmem:s31+$0xFFFFFE60];
	v56 =	vmul.f32 v61, v2  }
0x167: {  	v43 =	vmul.f32 v43, v2;
	v61 =	vld [tilespmem:s31+$0xFFFFFDE0];
	v0 =	vmul.f32 v0, v3  }
0x168: {  	v42 =	vmul.f32 v42, v60;
	v6 =	vld [tilespmem:s31+$0xFFFFFE10];
	v4 =	vmul.f32 v4, v3  }
0x169: {  	v41 =	vmul.f32 v41, v2;
	v49 =	vadd.f32 v49, v53;
	v5 =	vmul.f32 v5, v57;
	v53 =	vld [tilespmem:s31+$0xFFFFFE70]  }
0x16a: {  	v2 =	vmul.f32 v40, v2;
	v7 =	vld [tilespmem:s31+$0xFFFFFDF0];
	v50 =	vmul.f32 v50, v63  }
0x16b: {  	v8 =	vbroadcast v27, $0x8;
	v40 =	vld [tilespmem:s31+$0xFFFFFE40];
	v54 =	vmul.f32 v54, v3  }
0x16c: {  	v39 =	vmul.f32 v39, v60;
	v61 =	vmul.f32 v61, v63;
	v49 =	vadd.f32 v50, v49;
	v50 =	vld [tilespmem:s31+$0xFFFFFF90]  }
0x16d: {  	v38 =	vmul.f32 v38, v8;
	v6 =	vmul.f32 v6, v63;
	v9 =	vld [tilespmem:s31+$0xFFFFFF60]  }
0x16e: {  	v37 =	vmul.f32 v37, v60;
	v51 =	vadd.f32 v61, v51;
	v3 =	vmul.f32 v53, v3;
	v53 =	vld [tilespmem:s31+$0xFFFFFF80]  }
0x16f: {  	v36 =	vmul.f32 v36, v60;
	v7 =	vmul.f32 v7, v63;
	v6 =	vadd.f32 v6, v46;
	v46 =	vld [tilespmem:s31+$0xFFFFFFA0]  }
0x170: {  	v5 =	vadd.f32 v5, v51;
	v40 =	vmul.f32 v40, v57;
	v51 =	vmul.f32 v34, v62;
	v57 =	vld [tilespmem:s31+$0xFFFFFFD0]  }
0x171: {  	v34 =	vmul.f32 v44, v30;
	v6 =	vadd.f32 v58, v6;
	v50 =	vmul.f32 v50, v8;
	v58 =	vld [tilespmem:s31+$0xFFFFFFE0]  }
0x172: {  	v7 =	vadd.f32 v7, v47;
	v5 =	vadd.f32 v54, v5;
	v9 =	vmul.f32 v9, v8;
	v44 =	vld [tilespmem:s31+$0xFFFFFFC0]  }
0x173: {  	v40 =	vadd.f32 v40, v49;
	v4 =	vadd.f32 v4, v6;
	v6 =	vmul.f32 v53, v8;
	v8 =	vld [tilespmem:s31+$0xFFFFFFB0]  }
0x174: {  	v7 =	vadd.f32 v55, v7;
	v2 =	vadd.f32 v2, v5;
	v5 =	vmul.f32 v46, v59;
	v46 =	vld [tilespmem:s31+$0x10]  }
0x175: {  	v0 =	vadd.f32 v0, v40;
	v4 =	vadd.f32 v43, v4;
	v40 =	vmul.f32 v57, v59;
	v43 =	vld [tilespmem:s31+$0xFFFFFFF0]  }
0x176: {  	v3 =	vadd.f32 v3, v7;
	v2 =	vadd.f32 v37, v2;
	v7 =	vmul.f32 v58, v35;
	v37 =	vld [tilespmem:s31+$0x0]  }
0x177: {  	v0 =	vadd.f32 v41, v0;
	v4 =	vadd.f32 v39, v4;
	v39 =	vmul.f32 v44, v59;
	v41 =	vld [tilespmem:s31+$0x50]  }
0x178: {  	v3 =	vadd.f32 v56, v3;
	v2 =	vadd.f32 v51, v2;
	v8 =	vmul.f32 v8, v59;
	v44 =	vld [tilespmem:s31+$0x40]  }
0x179: {  	v0 =	vadd.f32 v36, v0;
	v4 =	vadd.f32 v48, v4;
	v46 =	vmul.f32 v46, v35;
	v36 =	vld [tilespmem:s31+$0x30]  }
0x17a: {  	v3 =	vadd.f32 v42, v3;
	v2 =	vadd.f32 v9, v2;
	v9 =	vmul.f32 v43, v35;
	v42 =	vld [tilespmem:s31+$0x80]  }
0x17b: {  	v0 =	vadd.f32 v52, v0;
	v4 =	vadd.f32 v50, v4;
	v37 =	vmul.f32 v37, v35;
	v35 =	vld [tilespmem:s31+$0xA0]  }
0x17c: {  	v3 =	vadd.f32 v45, v3;
	v2 =	vadd.f32 v5, v2;
	v5 =	vmul.f32 v41, v32;
	v41 =	vld [tilespmem:s31+$0xD0]  }
0x17d: {  	v0 =	vadd.f32 v6, v0;
	v4 =	vadd.f32 v40, v4;
	v6 =	vmul.f32 v44, v32;
	v40 =	vld [tilespmem:s31+$0xB0]  }
0x17e: {  	v3 =	vadd.f32 v38, v3;
	v2 =	vadd.f32 v7, v2;
	v36 =	vmul.f32 v36, v32;
	v7 =	vld [tilespmem:s31+$0xC0]  }
.Ltmp1:
0x17f: {  	v0 =	vadd.f32 v39, v0;
	v4 =	vadd.f32 v46, v4;
	v38 =	vmul.f32 v42, v30;
	v30 =	vld [tilespmem:s31+$0x100];
	(pc) =	sbr.rel @p1 .LBB2_6-.Ltmp1, $4  }
0x180: {  	v3 =	vadd.f32 v8, v3;
	v2 =	vadd.f32 v33, v2;
	v32 =	vmul.f32 v35, v28;
	v35 =	vld [tilespmem:s31+$0x120]  }
0x181: {  	v0 =	vadd.f32 v37, v0;
	v4 =	vadd.f32 v5, v4;
	v41 =	vmul.f32 v41, v28;
	v39 =	vld [tilespmem:s31+$0x110]  }
0x182: {  	v42 =	vadd.f32 v9, v3;
	v33 =	vadd.f32 v31, v2;
	v37 =	vmul.f32 v40, v28;
	v40 =	vld [tilespmem:s31+$0xF0]  }
0x183: {  	v43 =	vadd.f32 v6, v0;
	v31 =	vld [tilespmem:s2+$0xEC90];
	v29 =	vadd.f32 v29, v4;
	v28 =	vmul.f32 v7, v28  }
0x184: {  	v0 =	vld [tilespmem:s23+$0x170]  }
0x185: {  	v2 =	vld [tilespmem:s23+$0x270]  }
0x186: {  	v3 =	vadd.f32 v36, v42;
	v4 =	vbroadcast v27, $0xE;
	v5 =	vbroadcast v27, $0xF;
	v6 =	vld [tilespmem:s23+$0x130]  }
0x187: {  	v63 =	vld [tilespmem:s23+$0x150];
	v32 =	vadd.f32 v32, v33;
	v7 =	vadd.f32 v38, v43  }
0x188: {  	v44 =	vld [tilespmem:s23+$0x140];
	v3 =	vadd.f32 v34, v3;
	v61 =	vmul.f32 v39, v4;
	v62 =	vmul.f32 v35, v5  }
0x189: {  	v46 =	vld [tilespmem:s23+$0xE0];
	v8 =	vadd.f32 v41, v29;
	v30 =	vmul.f32 v30, v4;
	v42 =	vmul.f32 v40, v4  }
0x18a: {  	v9 =	vld [tilespmem:s23+$0x160];
	v43 =	vbroadcast v31, $0x4;
	v3 =	vadd.f32 v37, v3;
	v45 =	vbroadcast v31, $0x3  }
0x18b: {  	v48 =	vld [tilespmem:s23+$0x1B0];
	v7 =	vadd.f32 v28, v7;
	v47 =	vbroadcast v31, $0x0;
	v49 =	vbroadcast v31, $0x2  }
0x18c: {  	v51 =	vld [tilespmem:s23+$0x190];
	v50 =	vbroadcast v31, $0x1;
	v6 =	vmul.f32 v6, v5;
	v3 =	vadd.f32 v42, v3  }
0x18d: {  	v8 =	vadd.f32 v61, v8;
	v52 =	vmul.f32 v63, v5;
	v5 =	vmul.f32 v44, v5  }
0x18e: {  	v53 =	vld [tilespmem:s23+$0x180];
	v4 =	vmul.f32 v46, v4;
	v0 =	vmul.f32 v0, v47;
	v3 =	vadd.f32 v6, v3  }
0x18f: {  	v54 =	vld [tilespmem:s23+$0x1D0];
	v7 =	vadd.f32 v30, v7;
	v2 =	vmul.f32 v2, v43;
	v9 =	vmul.f32 v9, v47  }
0x190: {  	v55 =	vld [tilespmem:s23+$0x1E0];
	v26 =	vmul.f32 v26, v50;
	v0 =	vadd.f32 v0, v3;
	v3 =	vmul.f32 v48, v50  }
0x191: {  	v59 =	vld [tilespmem:s23+$0x250];
	v56 =	vmul.f32 v51, v47;
	v25 =	vmul.f32 v25, v50;
	v4 =	vadd.f32 v4, v32  }
0x192: {  	v6 =	vadd.f32 v52, v8;
	v8 =	vld [tilespmem:s23+$0x200];
	v0 =	vadd.f32 v3, v0;
	v3 =	vmul.f32 v24, v49  }
0x193: {  	v60 =	vld [tilespmem:s23+$0x220];
	v58 =	vmul.f32 v53, v47;
	v5 =	vadd.f32 v5, v7;
	v4 =	vadd.f32 v62, v4  }
0x194: {  	v27 =	vmul.f32 v54, v50;
	v6 =	vadd.f32 v56, v6;
	v0 =	vadd.f32 v3, v0;
	v3 =	vld [tilespmem:s23+$0x240]  }
0x195: {  	v57 =	vld [tilespmem:s23+$0x290];
	v23 =	vmul.f32 v23, v49;
	v5 =	vadd.f32 v58, v5;
	v4 =	vadd.f32 v9, v4  }
0x196: {  	v7 =	vmul.f32 v55, v49;
	v9 =	vmul.f32 v22, v45;
	v22 =	vld [tilespmem:s23+$0x280];
	v6 =	vadd.f32 v27, v6  }
0x197: {  	v61 =	vld [tilespmem:s23+$0x260];
	v5 =	vadd.f32 v26, v5;
	v8 =	vmul.f32 v8, v49;
	v4 =	vadd.f32 v25, v4  }
0x198: {  	v6 =	vadd.f32 v23, v6;
	v0 =	vadd.f32 v9, v0;
	v9 =	vmul.f32 v59, v45  }
0x199: {  	v62 =	vmul.f32 v60, v45;
	v5 =	vadd.f32 v8, v5;
	v3 =	vmul.f32 v3, v45  }
0x19a: {  	v4 =	vadd.f32 v7, v4;
	v8 =	vmul.f32 v57, v43;
	v6 =	vadd.f32 v9, v6  }
0x19b: {  	s28 =	sadd.s32 $0x1, s28;
	v0 =	vadd.f32 v2, v0;
	v2 =	vmul.f32 v22, v43;
	v3 =	vadd.f32 v3, v5  }
0x19c: {  	p1 =	sne.s32 s28, $0x8;
	v63 =	vmul.f32 v61, v43;
	v4 =	vadd.f32 v62, v4;
	v6 =	vadd.f32 v8, v6  }
.Ltmp2:
0x19d: {  	[tilespmem:s8+$0xFFFFFFF0] =	vst v0;
	v0 =	vadd.f32 v2, v3;
	(pc) =	sbr.rel @p1 .LBB2_5-.Ltmp2, $4  }
0x19e: {  	s1 =	sadd.s32 s25, s30;
	[tilespmem:s8+$0x10] =	vst v6;
	v2 =	vadd.f32 v63, v4  }
0x19f: {  	s1 =	sshll.u32 s1, $0x3;
	[tilespmem:s8+$0x0] =	vst v0  }
0x1a0: {  	s2 =	sadd.s32 $0x3, s29;
	p0 =	por !p0, !p0;
	s1 =	sadd.s32 s6, s1;
	[tilespmem:s8+$0xFFFFFFE0] =	vst v2  }
0x1a1: {  	[hbm4b:s1+s3] =	stream.linear.scatter [tilespmem:s0], [sflag:s2], $0x400, $0x38;
	[tilespmem:$0xF680] =	vst v63  }
0x1a2: {  	s24 =	sadd.s32 $0x1, s24  }
0x1a3: {  	_ =	swait.ge [sflag:s21], $0x400;
	p0 =	sne.s32 s24, $0x8  }
.Ltmp3:
0x1a4: {  	[sflag:s21] =	ssyncset.done $0x0;
	(pc) =	sbr.rel @p0 .LBB2_2-.Ltmp3, $4  }
0x1a5: {  	[sflag:s21] =	ssyncadd.s32 $0xFFFFFC00  }
0x1a6: {  	_ =	swait.ge [sflag:s22], $0x400  }
0x1a7: {  	[sflag:s22] =	ssyncset.done $0x0  }
0x1a8: {  	[sflag:s22] =	ssyncadd.s32 $0xFFFFFC00  }
0x1a9: {  	s1 =	rddreg [dreg:$0x5]  }
0x1aa: {  	s0 =	rddreg [dreg:$0x4];
	s1 =	sadd.s32 $0x1, s1  }
0x1ab: {  	p0 =	sne.s32 s1, s0  }
.Ltmp4:
0x1ac: {  	_ = 	snop;
	(pc) =	sbr.rel @p0 .LBB2_1-.Ltmp4, $1  }
0x1ad: {  	_ =	sdelay $0x3  }
0x1ae: {  	_ =	sfence.sel $0x180000  }
0x1af: {  	[bflag:$0x0] =	sbarrier.arrive $0xFFFF  }
0x1b0: {  	_ =	strace $0x90000047  }
0x1b1: {  	s0 =	stileid.u32;
	[bflag:$0x2] =	sbarrier.arrive $0xFFFF  }
0x1b2: {  	p0 =	sne.s32 s0, $0x0;
	s0 =	rddreg [dreg:$0x2]  }
0x1b3: {  	s0 =	sadd.s32 @!p0 $0x100000, s0  }
0x1b4: {  	[sflag:s0] =	ssyncadd.tile.s32 @!p0 $0x1;
	_ =	shalt  }
.Lfunc_end2:
_tile_overlayer_lowered:
.L_overlay_start_2:
0x1b5: {  	(tag) =	ssettag $0x2  }
0x1b6: {  	s0 =	rddreg [dreg:$0x0];
	s2 =	stileid.u32  }
0x1b7: {  	s1 =	rddreg [dreg:$0x1];
	p0 =	sne.s32 s2, $0x0  }
0x1b8: {  	s3 =	rddreg [dreg:$0x2];
	[bflag:$0x3] =	sbarrier.arrive $0xFFFF;
	s2 =	simm.s32 @!p0 $0x1C05  }
0x1b9: {  	[timem:s3], [sflag:s2] =	dma.local @!p0 [hbm:s0], s1  }
0x1ba: {  	s0 =	simm.s32 @!p0 $0x5  }
0x1bb: {  	_ =	swait.ge @!p0 [sflag:s0], s1  }
0x1bc: {  	s1 =	ssub.s32 @!p0 $0x0, s1;
	[sflag:s0] =	ssyncset.done @!p0 $0x0  }
0x1bd: {  	[sflag:s0] =	ssyncadd.s32 @!p0 s1  }
0x1be: {  	[bflag:$0x3] =	sbarrier.arrive $0xFFFF  }
0x1bf: {  	_ =	shalt  }

</sc_bundles>
